<compile_context>
chip_gen: v7x
topology: tpu7x:2x2x1
jax: 0.10.2.dev20260603
libtpu: 0.0.44.dev20260713+nightly
codegen_flags: <defaults>
</compile_context>

<pallas_src>
import functools

import numpy as np
import jax
import jax.numpy as jnp
from jax import lax
from jax.experimental import pallas as pl
from jax.experimental.pallas import tpu as pltpu
from jax.experimental.pallas import tpu_sc as plsc

N = 10000
E = 320000
F = 128
NUM_RELS = 200
RPAD = 256
NB = 32
SI = 4
SO = 4

NC = 2
NS = 16
NW = NC * NS
CHB = 128
NCHUNK = E // CHB
PADC = 2560
NKM = 40
HALF0 = NW * NKM
NPAD = 10240
RT = NPAD // NS

BE = 2560

_PP = np.zeros((F, SI * F), np.float32)
for _i in range(SI):
    for _b in range(NB):
        for _j in range(SO):
            _PP[4 * _b + _i, 128 * _i + 4 * _b + _j] = 1.0


def _sc_gather(x, src2, hb, eh):
    mesh = plsc.VectorSubcoreMesh(core_axis_name="c", subcore_axis_name="s")

    @functools.partial(
        pl.kernel,
        mesh=mesh,
        out_type=jax.ShapeDtypeStruct((eh, F), jnp.float32),
        scratch_types=[
            pltpu.VMEM((NKM, CHB), jnp.int32),
            pltpu.VMEM((4, CHB, F), jnp.float32),
            [pltpu.SemaphoreType.DMA] * 4,
            [pltpu.SemaphoreType.DMA] * 4,
        ],
    )
    def k(x_hbm, src_hbm, out_hbm, idx2d, rows, gsem, osem):
        wid = lax.axis_index("s") * NC + lax.axis_index("c")
        c0 = hb + NKM * wid
        nk = jnp.clip(NCHUNK - c0, 0, NKM)
        lb = NKM * wid * CHB

        pltpu.sync_copy(src_hbm.at[pl.ds(c0, NKM)], idx2d)

        def gstart(ck, b):
            pltpu.async_copy(x_hbm.at[idx2d.at[ck]], rows.at[b], gsem[b])

        def gwait(b):
            pltpu.make_async_copy(x_hbm.at[idx2d.at[0]], rows.at[b],
                                  gsem[b]).wait()

        def ostart(ck, b):
            pltpu.async_copy(rows.at[b],
                             out_hbm.at[pl.ds(lb + ck * CHB, CHB)],
                             osem[b])

        def owait(b):
            pltpu.make_async_copy(rows.at[b], out_hbm.at[pl.ds(0, CHB)],
                                  osem[b]).wait()

        @pl.when(nk > 0)
        def _():
            for b in range(3):
                gstart(b, b)

            def body(k4, carry):
                for b in range(4):
                    ck = k4 * 4 + b

                    @pl.when(ck < nk)
                    def _():
                        gwait(b)

                        @pl.when(ck + 3 < nk)
                        def _():
                            @pl.when(ck >= 1)
                            def _():
                                owait((b + 3) % 4)

                            gstart(ck + 3, (b + 3) % 4)

                        ostart(ck, b)

                return carry

            lax.fori_loop(0, NKM // 4, body, 0)
            for b in range(4):
                owait(b)

    return k(x, src2)


def _sc_scatter_add(m, dst2, zeros, hb):
    mesh = plsc.VectorSubcoreMesh(core_axis_name="c", subcore_axis_name="s")

    @functools.partial(
        pl.kernel,
        mesh=mesh,
        out_type=jax.ShapeDtypeStruct((NC, NPAD, F), jnp.float32),
        scratch_types=[
            pltpu.VMEM((NKM, CHB), jnp.int32),
            pltpu.VMEM((2, CHB, F), jnp.float32),
            pltpu.VMEM_SHARED((NPAD, F), jnp.float32),
            [pltpu.SemaphoreType.DMA] * 2,
            [pltpu.SemaphoreType.DMA] * 2,
        ],
    )
    def k(m_hbm, dst_hbm, zeros_hbm, out_hbm, idx2d, rows, acc, rsem, ssem):
        cid = lax.axis_index("c")
        sid = lax.axis_index("s")
        wid = sid * NC + cid
        c0 = hb + NKM * wid
        nk = jnp.clip(NCHUNK - c0, 0, NKM)
        lb = NKM * wid * CHB

        pltpu.sync_copy(zeros_hbm.at[pl.ds(sid * RT, RT)],
                        acc.at[pl.ds(sid * RT, RT)])
        pltpu.sync_copy(dst_hbm.at[pl.ds(c0, NKM)], idx2d)
        plsc.subcore_barrier()

        def rstart(ck, b):
            pltpu.async_copy(m_hbm.at[pl.ds(lb + ck * CHB, CHB)],
                             rows.at[b], rsem[b])

        def rwait(b):
            pltpu.make_async_copy(m_hbm.at[pl.ds(0, CHB)], rows.at[b],
                                  rsem[b]).wait()

        def sstart(ck, b):
            pltpu.async_copy(rows.at[b], acc.at[idx2d.at[ck]], ssem[b],
                             add=True)

        def swait(b):
            pltpu.make_async_copy(rows.at[b], acc.at[idx2d.at[0]],
                                  ssem[b]).wait()

        @pl.when(nk > 0)
        def _():
            rstart(0, 0)

            def body(k2, carry):
                for b in range(2):
                    ck = k2 * 2 + b

                    @pl.when(ck < nk)
                    def _():
                        rwait(b)

                        @pl.when(ck + 1 < nk)
                        def _():
                            @pl.when(ck >= 1)
                            def _():
                                swait(1 - b)

                            rstart(ck + 1, 1 - b)

                        sstart(ck, b)

                return carry

            lax.fori_loop(0, NKM // 2, body, 0)
            for b in range(2):
                swait(b)

        plsc.subcore_barrier()
        pltpu.sync_copy(acc.at[pl.ds(sid * RT, RT)],
                        out_hbm.at[cid, pl.ds(sid * RT, RT)])

    return k(m, dst2, zeros)


def _tc_edge_body(rel_ref, xs_ref, ea_ref, t_ref, pp_ref, fcw_ref, out_ref):
    relv = rel_ref[...]
    rr = lax.broadcasted_iota(jnp.int32, (BE, RPAD), 1)
    oh = (relv == rr).astype(jnp.bfloat16)
    g = jnp.dot(oh, t_ref[...], preferred_element_type=jnp.float32)
    xp = jnp.dot(xs_ref[...].astype(jnp.bfloat16), pp_ref[...],
                 preferred_element_type=jnp.float32)
    msg = (xp[:, 0:128] * g[:, 0:128]
           + xp[:, 128:256] * g[:, 128:256]
           + xp[:, 256:384] * g[:, 256:384]
           + xp[:, 384:512] * g[:, 384:512])
    fce = jnp.dot(ea_ref[...].astype(jnp.bfloat16), fcw_ref[...],
                  preferred_element_type=jnp.float32)
    t = g[:, 512:640] * fce
    feat = jnp.where(t > 0, t, 0.2 * t)
    out_ref[...] = msg + feat


def _tc_edge(rel2, xs, edge_attr, tbl, pp, fcw_t, boff, eh):
    grid = eh // BE
    return pl.pallas_call(
        _tc_edge_body,
        grid=(grid,),
        in_specs=[
            pl.BlockSpec((BE, 1), lambda i: (i + boff, 0)),
            pl.BlockSpec((BE, F), lambda i: (i, 0)),
            pl.BlockSpec((BE, F), lambda i: (i + boff, 0)),
            pl.BlockSpec((RPAD, SI * F + F), lambda i: (0, 0)),
            pl.BlockSpec((F, SI * F), lambda i: (0, 0)),
            pl.BlockSpec((F, F), lambda i: (0, 0)),
        ],
        out_specs=pl.BlockSpec((BE, F), lambda i: (i, 0)),
        out_shape=jax.ShapeDtypeStruct((eh, F), jnp.float32),
    )(rel2, xs, edge_attr, tbl, pp, fcw_t)


def _tc_combine_body(hp0_ref, hp1_ref, norm_ref, out_ref):
    out_ref[...] = (hp0_ref[0] + hp0_ref[1]
                    + hp1_ref[0] + hp1_ref[1]) * norm_ref[...]


def _tc_combine(hp0, hp1, norm):
    br = 1000
    return pl.pallas_call(
        _tc_combine_body,
        grid=(N // br,),
        in_specs=[
            pl.BlockSpec((NC, br, F), lambda i: (0, i, 0)),
            pl.BlockSpec((NC, br, F), lambda i: (0, i, 0)),
            pl.BlockSpec((br, 1), lambda i: (i, 0)),
        ],
        out_specs=pl.BlockSpec((br, F), lambda i: (i, 0)),
        out_shape=jax.ShapeDtypeStruct((N, F), jnp.float32),
    )(hp0, hp1, norm)


def _pad_chunks(v):
    return jnp.pad(v.reshape(NCHUNK, CHB), ((0, PADC - NCHUNK), (0, 0)))


def kernel(x, norm, edge_attr, weight, attn, fc_w, edge_index, rel):
    src2 = _pad_chunks(edge_index[0])
    dst2 = _pad_chunks(edge_index[1])

    w4 = weight.reshape(NUM_RELS, NB, SI, SO)
    tw = jnp.transpose(w4, (0, 2, 1, 3)).reshape(NUM_RELS, SI * F)
    tbl = jnp.concatenate([tw, attn.reshape(NUM_RELS, F)], axis=1)
    tbl = jnp.pad(tbl, ((0, RPAD - NUM_RELS), (0, 0))).astype(jnp.bfloat16)
    pp = jnp.asarray(_PP, dtype=jnp.bfloat16)
    fcw_t = fc_w.T.astype(jnp.bfloat16)
    rel2 = rel.reshape(E, 1)
    zeros = jnp.zeros((NPAD, F), jnp.float32)

    e0 = HALF0 * CHB
    e1 = E - e0
    xs0 = _sc_gather(x, src2, 0, e0)
    xs1 = _sc_gather(x, src2, HALF0, e1)
    m0 = _tc_edge(rel2, xs0, edge_attr, tbl, pp, fcw_t, 0, e0)
    m1 = _tc_edge(rel2, xs1, edge_attr, tbl, pp, fcw_t, e0 // BE, e1)
    hp0 = _sc_scatter_add(m0, dst2, zeros, 0)
    hp1 = _sc_scatter_add(m1, dst2, zeros, HALF0)
    return _tc_combine(hp0, hp1, norm)

# --- scband reference (transcript-rebuilt; emitter-appended) ---
"""Pipeline reference for scband-rgcnatt2-layer-33526514713112 (READ-ONLY COPY).

The authoritative reference and input builder live on the scoring server;
editing this copy changes nothing except your own understanding.
"""

import jax, jax.numpy as jnp
import numpy as np

N = 10000
E = 320000
IN_FEAT = 128
OUT_FEAT = 128
NUM_RELS = 200
NUM_HEADS = 1
NUM_BASES = 32
SUBMAT_IN = IN_FEAT // NUM_BASES   # 4
SUBMAT_OUT = OUT_FEAT // NUM_BASES # 4


def setup_inputs(seed: int = 0) -> dict:
    key = jax.random.key(seed)
    ks = jax.random.split(key, 8)
    x = jax.random.normal(ks[0], (N, IN_FEAT), dtype=jnp.float32)
    norm = jax.random.uniform(ks[1], (N, 1), dtype=jnp.float32)
    edge_index = jax.random.randint(ks[2], (2, E), 0, N, dtype=jnp.int32)
    rel = jax.random.randint(ks[3], (E,), 0, NUM_RELS, dtype=jnp.int32)
    edge_attr = jax.random.normal(ks[4], (E, IN_FEAT), dtype=jnp.float32)
    # learned parameters (xavier-like scale)
    weight = jax.random.normal(ks[5], (NUM_RELS, NUM_BASES * SUBMAT_IN * SUBMAT_OUT), dtype=jnp.float32) * 0.05
    attn = jax.random.normal(ks[6], (NUM_RELS, NUM_HEADS, OUT_FEAT), dtype=jnp.float32) * 0.05
    fc_w = jax.random.normal(ks[7], (OUT_FEAT * NUM_HEADS, IN_FEAT), dtype=jnp.float32) * 0.05
    return {"x": x, "norm": norm, "edge_attr": edge_attr, "weight": weight,
            "attn": attn, "fc_w": fc_w, "edge_index": edge_index, "rel": rel}


def _leaky_relu(t, slope=0.2):
    return jnp.where(t > 0, t, slope * t)


def reference(x, norm, edge_attr, weight, attn, fc_w, edge_index, rel):
    # RGCNAtt2Layer.forward(g, reverse=False), eval mode (dropouts = identity),
    # bias=None, self_loop=False, activation=None.
    src = edge_index[0]
    dst = edge_index[1]
    e = rel.shape[0]
    # msg_func: block-diagonal relation transform of source node features
    w = jnp.take(weight, rel, axis=0).reshape(-1, SUBMAT_IN, SUBMAT_OUT)   # [E*NB, si, so]
    node = jnp.take(x, src, axis=0).reshape(-1, 1, SUBMAT_IN)              # [E*NB, 1, si]
    msg = jnp.matmul(node, w).reshape(e, OUT_FEAT)                         # [E, out]
    # attention over edge features
    a = jnp.take(attn, rel, axis=0)                                        # [E, H, out]
    fce = (edge_attr @ fc_w.T).reshape(e, NUM_HEADS, OUT_FEAT)             # [E, H, out]
    feat = _leaky_relu(a * fce)                                            # attn_drop = identity (eval)
    feat = jnp.sum(feat, axis=1).reshape(e, OUT_FEAT)                      # [E, out]
    m = msg + feat
    # fn.sum(msg='msg', out='h'): scatter-add to destination nodes
    h = jax.ops.segment_sum(m, dst, num_segments=N)                        # [N, out]
    # apply_func: h = h * norm
    return h * norm

if __name__ == "__main__":
    import jax
    _d = setup_inputs()
    print(jax.jit(kernel)(*tuple(_d.values())))

</pallas_src>

<mosaic_0001>
#map = affine_map<(d0, d1) -> (0, 0)>
#map1 = affine_map<(d0, d1) -> (0, 0, 0)>
module attributes {stable_mosaic.version = 14 : i64} {
  func.func @k(%arg0: i32, %arg1: i32, %arg2: memref<156160x128xf32, #tpu.memory_space<hbm>>, %arg3: memref<2560x128xi32, #tpu.memory_space<hbm>>, %arg4: memref<10240x128xf32, #tpu.memory_space<hbm>>, %arg5: memref<2x10240x128xf32, #tpu.memory_space<hbm>>, %arg6: memref<40x128xi32, #tpu.memory_space<vmem>>, %arg7: memref<2x128x128xf32, #tpu.memory_space<vmem>>, %arg8: memref<10240x128xf32, #tpu.memory_space<vmem_shared>>, %arg9: memref<!tpu.dma_semaphore, #tpu.memory_space<semaphore_mem>>, %arg10: memref<!tpu.dma_semaphore, #tpu.memory_space<semaphore_mem>>, %arg11: memref<!tpu.dma_semaphore, #tpu.memory_space<semaphore_mem>>, %arg12: memref<!tpu.dma_semaphore, #tpu.memory_space<semaphore_mem>>) attributes {dimension_semantics = [#tpu.dimension_semantics<core_parallel>, #tpu.dimension_semantics<subcore_parallel>], iteration_bounds = array<i64: 2, 16>, scalar_prefetch = 0 : i64, scratch_operands = 7 : i64, tpu.core_type = #tpu.core_type<sc_vector_subcore>, window_params = [{transform_indices = #map}, {transform_indices = #map}, {transform_indices = #map}, {transform_indices = #map1}]} {
    %mul3A = arith.constant 2 : i32
    %mul3A_0 = arith.muli %arg1, %mul3A : i32
    %add3A = arith.addi %mul3A_0, %arg0 : i32
    %mul3A_1 = arith.constant 40 : i32
    %mul3A_2 = arith.muli %mul3A_1, %add3A : i32
    %add3A_3 = arith.constant 1280 : i32
    %add3A_4 = arith.addi %add3A_3, %mul3A_2 : i32
    %sub3A = arith.constant 2500 : i32
    %sub3A_5 = arith.subi %sub3A, %add3A_4 : i32
    %jit3A = arith.constant 0 : i32
    %jit3A_6 = arith.constant 40 : i32
    %max3A = arith.maxsi %jit3A, %sub3A_5 : i32
    %min3A = arith.minsi %jit3A_6, %max3A : i32
    %mul3A_7 = arith.constant 40 : i32
    %mul3A_8 = arith.muli %mul3A_7, %add3A : i32
    %mul3A_9 = arith.constant 128 : i32
    %mul3A_10 = arith.muli %mul3A_8, %mul3A_9 : i32
    %mul3A_11 = arith.constant 640 : i32
    %mul3A_12 = arith.muli %arg1, %mul3A_11 : i32
    %mul3A_13 = arith.constant 640 : i32
    %mul3A_14 = arith.muli %arg1, %mul3A_13 : i32
    "tpu.region"() ({
      %run_scoped3A = tpu.sem_alloc : memref<!tpu.dma_semaphore, #tpu.memory_space<semaphore_mem>>
      %dma_start3A = arith.constant 0 : i32
      %dma_start3A_22 = tpu.memref_slice %arg8[%mul3A_14, %dma_start3A] : memref<10240x128xf32, #tpu.memory_space<vmem_shared>> -> memref<640x128xf32, #tpu.memory_space<vmem_shared>>
      %dma_start3A_23 = arith.constant 0 : i32
      %dma_start3A_24 = tpu.memref_slice %arg4[%mul3A_12, %dma_start3A_23] : memref<10240x128xf32, #tpu.memory_space<hbm>> -> memref<640x128xf32, #tpu.memory_space<hbm>>
      tpu.enqueue_dma source(%dma_start3A_24 : memref<640x128xf32, #tpu.memory_space<hbm>>) target(%dma_start3A_22 : memref<640x128xf32, #tpu.memory_space<vmem_shared>>) target_semaphore(%run_scoped3A : memref<!tpu.dma_semaphore, #tpu.memory_space<semaphore_mem>>)
      %dma_wait3A = arith.constant 0 : i32
      %dma_wait3A_25 = tpu.memref_slice %arg8[%mul3A_14, %dma_wait3A] : memref<10240x128xf32, #tpu.memory_space<vmem_shared>> -> memref<640x128xf32, #tpu.memory_space<vmem_shared>>
      %dma_wait3A_26 = arith.constant 0 : i32
      %dma_wait3A_27 = tpu.memref_slice %arg4[%mul3A_12, %dma_wait3A_26] : memref<10240x128xf32, #tpu.memory_space<hbm>> -> memref<640x128xf32, #tpu.memory_space<hbm>>
      tpu.wait_dma2 semaphore(%run_scoped3A : memref<!tpu.dma_semaphore, #tpu.memory_space<semaphore_mem>>) src(%dma_wait3A_27 : memref<640x128xf32, #tpu.memory_space<hbm>>) dst(%dma_wait3A_25 : memref<640x128xf32, #tpu.memory_space<vmem_shared>>)
      tpu.yield
    }) : () -> ()
    "tpu.region"() ({
      %run_scoped3A = tpu.sem_alloc : memref<!tpu.dma_semaphore, #tpu.memory_space<semaphore_mem>>
      %dma_start3A = arith.constant 0 : i32
      %dma_start3A_22 = tpu.memref_slice %arg3[%add3A_4, %dma_start3A] : memref<2560x128xi32, #tpu.memory_space<hbm>> -> memref<40x128xi32, #tpu.memory_space<hbm>>
      %dma_start3A_23 = arith.constant 0 : i32
      %dma_start3A_24 = tpu.memref_slice %arg3[%add3A_4, %dma_start3A_23] : memref<2560x128xi32, #tpu.memory_space<hbm>> -> memref<40x128xi32, #tpu.memory_space<hbm>>
      tpu.enqueue_dma source(%dma_start3A_24 : memref<40x128xi32, #tpu.memory_space<hbm>>) target(%arg6 : memref<40x128xi32, #tpu.memory_space<vmem>>) target_semaphore(%run_scoped3A : memref<!tpu.dma_semaphore, #tpu.memory_space<semaphore_mem>>)
      %dma_wait3A = arith.constant 0 : i32
      %dma_wait3A_25 = tpu.memref_slice %arg3[%add3A_4, %dma_wait3A] : memref<2560x128xi32, #tpu.memory_space<hbm>> -> memref<40x128xi32, #tpu.memory_space<hbm>>
      %dma_wait3A_26 = arith.constant 0 : i32
      %dma_wait3A_27 = tpu.memref_slice %arg3[%add3A_4, %dma_wait3A_26] : memref<2560x128xi32, #tpu.memory_space<hbm>> -> memref<40x128xi32, #tpu.memory_space<hbm>>
      tpu.wait_dma2 semaphore(%run_scoped3A : memref<!tpu.dma_semaphore, #tpu.memory_space<semaphore_mem>>) src(%dma_wait3A_27 : memref<40x128xi32, #tpu.memory_space<hbm>>) dst(%arg6 : memref<40x128xi32, #tpu.memory_space<vmem>>)
      tpu.yield
    }) : () -> ()
    %barrier3A = arith.constant 0 : index
    tpu.barrier barrier_id(%barrier3A)
    %gt3A = arith.constant 0 : i32
    %gt3A_15 = arith.cmpi sgt, %min3A, %gt3A : i32
    %convert_element_type3A = arith.extui %gt3A_15 : i1 to i32
    %cond3A = arith.constant 0 : i32
    %cond3A_16 = arith.cmpi ne, %convert_element_type3A, %cond3A : i32
    scf.if %cond3A_16 {
      %add3A_22 = arith.constant 0 : i32
      %add3A_23 = arith.addi %mul3A_10, %add3A_22 : i32
      %dma_start3A = arith.constant 0 : i32
      %dma_start3A_24 = arith.constant 0 : i32
      %dma_start3A_25 = arith.constant 0 : i32
      %dma_start3A_26 = tpu.memref_slice %arg7[%dma_start3A, %dma_start3A_24, %dma_start3A_25] : memref<2x128x128xf32, #tpu.memory_space<vmem>> -> memref<1x128x128xf32, #tpu.memory_space<vmem>>
      %dma_start3A_27 = tpu.memref_squeeze %dma_start3A_26 : memref<1x128x128xf32, #tpu.memory_space<vmem>> -> memref<128x128xf32, #tpu.memory_space<vmem>>
      %dma_start3A_28 = arith.constant 0 : i32
      %dma_start3A_29 = tpu.memref_slice %arg2[%add3A_23, %dma_start3A_28] : memref<156160x128xf32, #tpu.memory_space<hbm>> -> memref<128x128xf32, #tpu.memory_space<hbm>>
      %dma_start3A_30 = arith.constant 0 : i32
      %dma_start3A_31 = arith.constant 0 : i32
      %dma_start3A_32 = tpu.memref_slice %arg7[%dma_start3A, %dma_start3A_30, %dma_start3A_31] : memref<2x128x128xf32, #tpu.memory_space<vmem>> -> memref<1x128x128xf32, #tpu.memory_space<vmem>>
      %dma_start3A_33 = tpu.memref_squeeze %dma_start3A_32 : memref<1x128x128xf32, #tpu.memory_space<vmem>> -> memref<128x128xf32, #tpu.memory_space<vmem>>
      %dma_start3A_34 = arith.constant 0 : i32
      %dma_start3A_35 = tpu.memref_slice %arg2[%add3A_23, %dma_start3A_34] : memref<156160x128xf32, #tpu.memory_space<hbm>> -> memref<128x128xf32, #tpu.memory_space<hbm>>
      tpu.enqueue_dma source(%dma_start3A_35 : memref<128x128xf32, #tpu.memory_space<hbm>>) target(%dma_start3A_33 : memref<128x128xf32, #tpu.memory_space<vmem>>) target_semaphore(%arg9 : memref<!tpu.dma_semaphore, #tpu.memory_space<semaphore_mem>>)
      %scan3A = arith.constant 0 : i32
      %scan3A_36 = arith.constant 0 : i32
      %scan3A_37 = arith.constant 20 : i32
      %scan3A_38 = arith.addi %scan3A_36, %scan3A_37 : i32
      %scan3A_39 = arith.constant 1 : i32
      scf.for %scan3A_64 = %scan3A_36 to %scan3A_38 step %scan3A_39  : i32 {
        %mul3A_65 = arith.constant 2 : i32
        %mul3A_66 = arith.muli %scan3A_64, %mul3A_65 : i32
        %add3A_67 = arith.constant 0 : i32
        %add3A_68 = arith.addi %mul3A_66, %add3A_67 : i32
        %lt3A = arith.cmpi slt, %add3A_68, %min3A : i32
        %convert_element_type3A_69 = arith.extui %lt3A : i1 to i32
        %cond3A_70 = arith.constant 0 : i32
        %cond3A_71 = arith.cmpi ne, %convert_element_type3A_69, %cond3A_70 : i32
        scf.if %cond3A_71 {
          %dma_wait3A_80 = arith.constant 0 : i32
          %dma_wait3A_81 = arith.constant 0 : i32
          %dma_wait3A_82 = arith.constant 0 : i32
          %dma_wait3A_83 = tpu.memref_slice %arg7[%dma_wait3A_80, %dma_wait3A_81, %dma_wait3A_82] : memref<2x128x128xf32, #tpu.memory_space<vmem>> -> memref<1x128x128xf32, #tpu.memory_space<vmem>>
          %dma_wait3A_84 = tpu.memref_squeeze %dma_wait3A_83 : memref<1x128x128xf32, #tpu.memory_space<vmem>> -> memref<128x128xf32, #tpu.memory_space<vmem>>
          %dma_wait3A_85 = arith.constant 0 : i32
          %dma_wait3A_86 = arith.constant 0 : i32
          %dma_wait3A_87 = tpu.memref_slice %arg2[%dma_wait3A_85, %dma_wait3A_86] : memref<156160x128xf32, #tpu.memory_space<hbm>> -> memref<128x128xf32, #tpu.memory_space<hbm>>
          %dma_wait3A_88 = arith.constant 0 : i32
          %dma_wait3A_89 = arith.constant 0 : i32
          %dma_wait3A_90 = tpu.memref_slice %arg7[%dma_wait3A_80, %dma_wait3A_88, %dma_wait3A_89] : memref<2x128x128xf32, #tpu.memory_space<vmem>> -> memref<1x128x128xf32, #tpu.memory_space<vmem>>
          %dma_wait3A_91 = tpu.memref_squeeze %dma_wait3A_90 : memref<1x128x128xf32, #tpu.memory_space<vmem>> -> memref<128x128xf32, #tpu.memory_space<vmem>>
          %dma_wait3A_92 = arith.constant 0 : i32
          %dma_wait3A_93 = arith.constant 0 : i32
          %dma_wait3A_94 = tpu.memref_slice %arg2[%dma_wait3A_92, %dma_wait3A_93] : memref<156160x128xf32, #tpu.memory_space<hbm>> -> memref<128x128xf32, #tpu.memory_space<hbm>>
          tpu.wait_dma2 semaphore(%arg9 : memref<!tpu.dma_semaphore, #tpu.memory_space<semaphore_mem>>) src(%dma_wait3A_94 : memref<128x128xf32, #tpu.memory_space<hbm>>) dst(%dma_wait3A_91 : memref<128x128xf32, #tpu.memory_space<vmem>>)
          %add3A_95 = arith.constant 1 : i32
          %add3A_96 = arith.addi %add3A_68, %add3A_95 : i32
          %lt3A_97 = arith.cmpi slt, %add3A_96, %min3A : i32
          %convert_element_type3A_98 = arith.extui %lt3A_97 : i1 to i32
          %cond3A_99 = arith.constant 0 : i32
          %cond3A_100 = arith.cmpi ne, %convert_element_type3A_98, %cond3A_99 : i32
          scf.if %cond3A_100 {
            %ge3A = arith.constant 1 : i32
            %ge3A_112 = arith.cmpi sge, %add3A_68, %ge3A : i32
            %convert_element_type3A_113 = arith.extui %ge3A_112 : i1 to i32
            %cond3A_114 = arith.constant 0 : i32
            %cond3A_115 = arith.cmpi ne, %convert_element_type3A_113, %cond3A_114 : i32
            scf.if %cond3A_115 {
              %dma_wait3A_134 = arith.constant 1 : i32
              %dma_wait3A_135 = arith.constant 0 : i32
              %dma_wait3A_136 = arith.constant 0 : i32
              %dma_wait3A_137 = arith.constant 0 : i32
              %dma_wait3A_138 = tpu.memref_slice %arg7[%dma_wait3A_134, %dma_wait3A_136, %dma_wait3A_137] : memref<2x128x128xf32, #tpu.memory_space<vmem>> -> memref<1x128x128xf32, #tpu.memory_space<vmem>>
              %dma_wait3A_139 = tpu.memref_squeeze %dma_wait3A_138 : memref<1x128x128xf32, #tpu.memory_space<vmem>> -> memref<128x128xf32, #tpu.memory_space<vmem>>
              %dma_wait3A_140 = arith.constant 0 : i32
              %dma_wait3A_141 = tpu.memref_slice %arg6[%dma_wait3A_135, %dma_wait3A_140] : memref<40x128xi32, #tpu.memory_space<vmem>> -> memref<1x128xi32, #tpu.memory_space<vmem>>
              %dma_wait3A_142 = tpu.memref_squeeze %dma_wait3A_141 : memref<1x128xi32, #tpu.memory_space<vmem>> -> memref<128xi32, #tpu.memory_space<vmem>>
              %dma_wait3A_143 = arith.constant 0 : i32
              %dma_wait3A_144 = arith.constant 0 : i32
              %dma_wait3A_145 = tpu.memref_slice %arg8[%dma_wait3A_143, %dma_wait3A_144] : memref<10240x128xf32, #tpu.memory_space<vmem_shared>> -> memref<10240x128xf32, #tpu.memory_space<vmem_shared>>
              tpu.wait_indirect_dma semaphore(%arg12 : memref<!tpu.dma_semaphore, #tpu.memory_space<semaphore_mem>>) src(%dma_wait3A_139 : memref<128x128xf32, #tpu.memory_space<vmem>>) dst(%dma_wait3A_145 : memref<10240x128xf32, #tpu.memory_space<vmem_shared>>)
            } else {
            }
            %add3A_116 = arith.constant 1 : i32
            %add3A_117 = arith.addi %add3A_68, %add3A_116 : i32
            %mul3A_118 = arith.constant 128 : i32
            %mul3A_119 = arith.muli %add3A_117, %mul3A_118 : i32
            %add3A_120 = arith.addi %mul3A_10, %mul3A_119 : i32
            %dma_start3A_121 = arith.constant 1 : i32
            %dma_start3A_122 = arith.constant 0 : i32
            %dma_start3A_123 = arith.constant 0 : i32
            %dma_start3A_124 = tpu.memref_slice %arg7[%dma_start3A_121, %dma_start3A_122, %dma_start3A_123] : memref<2x128x128xf32, #tpu.memory_space<vmem>> -> memref<1x128x128xf32, #tpu.memory_space<vmem>>
            %dma_start3A_125 = tpu.memref_squeeze %dma_start3A_124 : memref<1x128x128xf32, #tpu.memory_space<vmem>> -> memref<128x128xf32, #tpu.memory_space<vmem>>
            %dma_start3A_126 = arith.constant 0 : i32
            %dma_start3A_127 = tpu.memref_slice %arg2[%add3A_120, %dma_start3A_126] : memref<156160x128xf32, #tpu.memory_space<hbm>> -> memref<128x128xf32, #tpu.memory_space<hbm>>
            %dma_start3A_128 = arith.constant 0 : i32
            %dma_start3A_129 = arith.constant 0 : i32
            %dma_start3A_130 = tpu.memref_slice %arg7[%dma_start3A_121, %dma_start3A_128, %dma_start3A_129] : memref<2x128x128xf32, #tpu.memory_space<vmem>> -> memref<1x128x128xf32, #tpu.memory_space<vmem>>
            %dma_start3A_131 = tpu.memref_squeeze %dma_start3A_130 : memref<1x128x128xf32, #tpu.memory_space<vmem>> -> memref<128x128xf32, #tpu.memory_space<vmem>>
            %dma_start3A_132 = arith.constant 0 : i32
            %dma_start3A_133 = tpu.memref_slice %arg2[%add3A_120, %dma_start3A_132] : memref<156160x128xf32, #tpu.memory_space<hbm>> -> memref<128x128xf32, #tpu.memory_space<hbm>>
            tpu.enqueue_dma source(%dma_start3A_133 : memref<128x128xf32, #tpu.memory_space<hbm>>) target(%dma_start3A_131 : memref<128x128xf32, #tpu.memory_space<vmem>>) target_semaphore(%arg10 : memref<!tpu.dma_semaphore, #tpu.memory_space<semaphore_mem>>)
          } else {
          }
          %dma_start3A_101 = arith.constant 0 : i32
          %dma_start3A_102 = arith.constant 0 : i32
          %dma_start3A_103 = arith.constant 0 : i32
          %dma_start3A_104 = tpu.memref_slice %arg7[%dma_start3A_101, %dma_start3A_102, %dma_start3A_103] : memref<2x128x128xf32, #tpu.memory_space<vmem>> -> memref<1x128x128xf32, #tpu.memory_space<vmem>>
          %dma_start3A_105 = tpu.memref_squeeze %dma_start3A_104 : memref<1x128x128xf32, #tpu.memory_space<vmem>> -> memref<128x128xf32, #tpu.memory_space<vmem>>
          %dma_start3A_106 = arith.constant 0 : i32
          %dma_start3A_107 = tpu.memref_slice %arg6[%add3A_68, %dma_start3A_106] : memref<40x128xi32, #tpu.memory_space<vmem>> -> memref<1x128xi32, #tpu.memory_space<vmem>>
          %dma_start3A_108 = tpu.memref_squeeze %dma_start3A_107 : memref<1x128xi32, #tpu.memory_space<vmem>> -> memref<128xi32, #tpu.memory_space<vmem>>
          %dma_start3A_109 = arith.constant 0 : i32
          %dma_start3A_110 = arith.constant 0 : i32
          %dma_start3A_111 = tpu.memref_slice %arg8[%dma_start3A_109, %dma_start3A_110] : memref<10240x128xf32, #tpu.memory_space<vmem_shared>> -> memref<10240x128xf32, #tpu.memory_space<vmem_shared>>
          tpu.enqueue_indirect_dma source(%dma_start3A_105 : memref<128x128xf32, #tpu.memory_space<vmem>>) target(%dma_start3A_111 : memref<10240x128xf32, #tpu.memory_space<vmem_shared>>) offsets(%dma_start3A_108 : memref<128xi32, #tpu.memory_space<vmem>>) semaphore(%arg11 : memref<!tpu.dma_semaphore, #tpu.memory_space<semaphore_mem>>) {add = true}
        } else {
        }
        %mul3A_72 = arith.constant 2 : i32
        %mul3A_73 = arith.muli %scan3A_64, %mul3A_72 : i32
        %add3A_74 = arith.constant 1 : i32
        %add3A_75 = arith.addi %mul3A_73, %add3A_74 : i32
        %lt3A_76 = arith.cmpi slt, %add3A_75, %min3A : i32
        %convert_element_type3A_77 = arith.extui %lt3A_76 : i1 to i32
        %cond3A_78 = arith.constant 0 : i32
        %cond3A_79 = arith.cmpi ne, %convert_element_type3A_77, %cond3A_78 : i32
        scf.if %cond3A_79 {
          %dma_wait3A_80 = arith.constant 1 : i32
          %dma_wait3A_81 = arith.constant 0 : i32
          %dma_wait3A_82 = arith.constant 0 : i32
          %dma_wait3A_83 = tpu.memref_slice %arg7[%dma_wait3A_80, %dma_wait3A_81, %dma_wait3A_82] : memref<2x128x128xf32, #tpu.memory_space<vmem>> -> memref<1x128x128xf32, #tpu.memory_space<vmem>>
          %dma_wait3A_84 = tpu.memref_squeeze %dma_wait3A_83 : memref<1x128x128xf32, #tpu.memory_space<vmem>> -> memref<128x128xf32, #tpu.memory_space<vmem>>
          %dma_wait3A_85 = arith.constant 0 : i32
          %dma_wait3A_86 = arith.constant 0 : i32
          %dma_wait3A_87 = tpu.memref_slice %arg2[%dma_wait3A_85, %dma_wait3A_86] : memref<156160x128xf32, #tpu.memory_space<hbm>> -> memref<128x128xf32, #tpu.memory_space<hbm>>
          %dma_wait3A_88 = arith.constant 0 : i32
          %dma_wait3A_89 = arith.constant 0 : i32
          %dma_wait3A_90 = tpu.memref_slice %arg7[%dma_wait3A_80, %dma_wait3A_88, %dma_wait3A_89] : memref<2x128x128xf32, #tpu.memory_space<vmem>> -> memref<1x128x128xf32, #tpu.memory_space<vmem>>
          %dma_wait3A_91 = tpu.memref_squeeze %dma_wait3A_90 : memref<1x128x128xf32, #tpu.memory_space<vmem>> -> memref<128x128xf32, #tpu.memory_space<vmem>>
          %dma_wait3A_92 = arith.constant 0 : i32
          %dma_wait3A_93 = arith.constant 0 : i32
          %dma_wait3A_94 = tpu.memref_slice %arg2[%dma_wait3A_92, %dma_wait3A_93] : memref<156160x128xf32, #tpu.memory_space<hbm>> -> memref<128x128xf32, #tpu.memory_space<hbm>>
          tpu.wait_dma2 semaphore(%arg10 : memref<!tpu.dma_semaphore, #tpu.memory_space<semaphore_mem>>) src(%dma_wait3A_94 : memref<128x128xf32, #tpu.memory_space<hbm>>) dst(%dma_wait3A_91 : memref<128x128xf32, #tpu.memory_space<vmem>>)
          %add3A_95 = arith.constant 1 : i32
          %add3A_96 = arith.addi %add3A_75, %add3A_95 : i32
          %lt3A_97 = arith.cmpi slt, %add3A_96, %min3A : i32
          %convert_element_type3A_98 = arith.extui %lt3A_97 : i1 to i32
          %cond3A_99 = arith.constant 0 : i32
          %cond3A_100 = arith.cmpi ne, %convert_element_type3A_98, %cond3A_99 : i32
          scf.if %cond3A_100 {
            %ge3A = arith.constant 1 : i32
            %ge3A_112 = arith.cmpi sge, %add3A_75, %ge3A : i32
            %convert_element_type3A_113 = arith.extui %ge3A_112 : i1 to i32
            %cond3A_114 = arith.constant 0 : i32
            %cond3A_115 = arith.cmpi ne, %convert_element_type3A_113, %cond3A_114 : i32
            scf.if %cond3A_115 {
              %dma_wait3A_134 = arith.constant 0 : i32
              %dma_wait3A_135 = arith.constant 0 : i32
              %dma_wait3A_136 = arith.constant 0 : i32
              %dma_wait3A_137 = arith.constant 0 : i32
              %dma_wait3A_138 = tpu.memref_slice %arg7[%dma_wait3A_134, %dma_wait3A_136, %dma_wait3A_137] : memref<2x128x128xf32, #tpu.memory_space<vmem>> -> memref<1x128x128xf32, #tpu.memory_space<vmem>>
              %dma_wait3A_139 = tpu.memref_squeeze %dma_wait3A_138 : memref<1x128x128xf32, #tpu.memory_space<vmem>> -> memref<128x128xf32, #tpu.memory_space<vmem>>
              %dma_wait3A_140 = arith.constant 0 : i32
              %dma_wait3A_141 = tpu.memref_slice %arg6[%dma_wait3A_135, %dma_wait3A_140] : memref<40x128xi32, #tpu.memory_space<vmem>> -> memref<1x128xi32, #tpu.memory_space<vmem>>
              %dma_wait3A_142 = tpu.memref_squeeze %dma_wait3A_141 : memref<1x128xi32, #tpu.memory_space<vmem>> -> memref<128xi32, #tpu.memory_space<vmem>>
              %dma_wait3A_143 = arith.constant 0 : i32
              %dma_wait3A_144 = arith.constant 0 : i32
              %dma_wait3A_145 = tpu.memref_slice %arg8[%dma_wait3A_143, %dma_wait3A_144] : memref<10240x128xf32, #tpu.memory_space<vmem_shared>> -> memref<10240x128xf32, #tpu.memory_space<vmem_shared>>
              tpu.wait_indirect_dma semaphore(%arg11 : memref<!tpu.dma_semaphore, #tpu.memory_space<semaphore_mem>>) src(%dma_wait3A_139 : memref<128x128xf32, #tpu.memory_space<vmem>>) dst(%dma_wait3A_145 : memref<10240x128xf32, #tpu.memory_space<vmem_shared>>)
            } else {
            }
            %add3A_116 = arith.constant 1 : i32
            %add3A_117 = arith.addi %add3A_75, %add3A_116 : i32
            %mul3A_118 = arith.constant 128 : i32
            %mul3A_119 = arith.muli %add3A_117, %mul3A_118 : i32
            %add3A_120 = arith.addi %mul3A_10, %mul3A_119 : i32
            %dma_start3A_121 = arith.constant 0 : i32
            %dma_start3A_122 = arith.constant 0 : i32
            %dma_start3A_123 = arith.constant 0 : i32
            %dma_start3A_124 = tpu.memref_slice %arg7[%dma_start3A_121, %dma_start3A_122, %dma_start3A_123] : memref<2x128x128xf32, #tpu.memory_space<vmem>> -> memref<1x128x128xf32, #tpu.memory_space<vmem>>
            %dma_start3A_125 = tpu.memref_squeeze %dma_start3A_124 : memref<1x128x128xf32, #tpu.memory_space<vmem>> -> memref<128x128xf32, #tpu.memory_space<vmem>>
            %dma_start3A_126 = arith.constant 0 : i32
            %dma_start3A_127 = tpu.memref_slice %arg2[%add3A_120, %dma_start3A_126] : memref<156160x128xf32, #tpu.memory_space<hbm>> -> memref<128x128xf32, #tpu.memory_space<hbm>>
            %dma_start3A_128 = arith.constant 0 : i32
            %dma_start3A_129 = arith.constant 0 : i32
            %dma_start3A_130 = tpu.memref_slice %arg7[%dma_start3A_121, %dma_start3A_128, %dma_start3A_129] : memref<2x128x128xf32, #tpu.memory_space<vmem>> -> memref<1x128x128xf32, #tpu.memory_space<vmem>>
            %dma_start3A_131 = tpu.memref_squeeze %dma_start3A_130 : memref<1x128x128xf32, #tpu.memory_space<vmem>> -> memref<128x128xf32, #tpu.memory_space<vmem>>
            %dma_start3A_132 = arith.constant 0 : i32
            %dma_start3A_133 = tpu.memref_slice %arg2[%add3A_120, %dma_start3A_132] : memref<156160x128xf32, #tpu.memory_space<hbm>> -> memref<128x128xf32, #tpu.memory_space<hbm>>
            tpu.enqueue_dma source(%dma_start3A_133 : memref<128x128xf32, #tpu.memory_space<hbm>>) target(%dma_start3A_131 : memref<128x128xf32, #tpu.memory_space<vmem>>) target_semaphore(%arg9 : memref<!tpu.dma_semaphore, #tpu.memory_space<semaphore_mem>>)
          } else {
          }
          %dma_start3A_101 = arith.constant 1 : i32
          %dma_start3A_102 = arith.constant 0 : i32
          %dma_start3A_103 = arith.constant 0 : i32
          %dma_start3A_104 = tpu.memref_slice %arg7[%dma_start3A_101, %dma_start3A_102, %dma_start3A_103] : memref<2x128x128xf32, #tpu.memory_space<vmem>> -> memref<1x128x128xf32, #tpu.memory_space<vmem>>
          %dma_start3A_105 = tpu.memref_squeeze %dma_start3A_104 : memref<1x128x128xf32, #tpu.memory_space<vmem>> -> memref<128x128xf32, #tpu.memory_space<vmem>>
          %dma_start3A_106 = arith.constant 0 : i32
          %dma_start3A_107 = tpu.memref_slice %arg6[%add3A_75, %dma_start3A_106] : memref<40x128xi32, #tpu.memory_space<vmem>> -> memref<1x128xi32, #tpu.memory_space<vmem>>
          %dma_start3A_108 = tpu.memref_squeeze %dma_start3A_107 : memref<1x128xi32, #tpu.memory_space<vmem>> -> memref<128xi32, #tpu.memory_space<vmem>>
          %dma_start3A_109 = arith.constant 0 : i32
          %dma_start3A_110 = arith.constant 0 : i32
          %dma_start3A_111 = tpu.memref_slice %arg8[%dma_start3A_109, %dma_start3A_110] : memref<10240x128xf32, #tpu.memory_space<vmem_shared>> -> memref<10240x128xf32, #tpu.memory_space<vmem_shared>>
          tpu.enqueue_indirect_dma source(%dma_start3A_105 : memref<128x128xf32, #tpu.memory_space<vmem>>) target(%dma_start3A_111 : memref<10240x128xf32, #tpu.memory_space<vmem_shared>>) offsets(%dma_start3A_108 : memref<128xi32, #tpu.memory_space<vmem>>) semaphore(%arg12 : memref<!tpu.dma_semaphore, #tpu.memory_space<semaphore_mem>>) {add = true}
        } else {
        }
      }
      %scan3A_40 = arith.constant 20 : i32
      %dma_wait3A = arith.constant 0 : i32
      %dma_wait3A_41 = arith.constant 0 : i32
      %dma_wait3A_42 = arith.constant 0 : i32
      %dma_wait3A_43 = arith.constant 0 : i32
      %dma_wait3A_44 = tpu.memref_slice %arg7[%dma_wait3A, %dma_wait3A_42, %dma_wait3A_43] : memref<2x128x128xf32, #tpu.memory_space<vmem>> -> memref<1x128x128xf32, #tpu.memory_space<vmem>>
      %dma_wait3A_45 = tpu.memref_squeeze %dma_wait3A_44 : memref<1x128x128xf32, #tpu.memory_space<vmem>> -> memref<128x128xf32, #tpu.memory_space<vmem>>
      %dma_wait3A_46 = arith.constant 0 : i32
      %dma_wait3A_47 = tpu.memref_slice %arg6[%dma_wait3A_41, %dma_wait3A_46] : memref<40x128xi32, #tpu.memory_space<vmem>> -> memref<1x128xi32, #tpu.memory_space<vmem>>
      %dma_wait3A_48 = tpu.memref_squeeze %dma_wait3A_47 : memref<1x128xi32, #tpu.memory_space<vmem>> -> memref<128xi32, #tpu.memory_space<vmem>>
      %dma_wait3A_49 = arith.constant 0 : i32
      %dma_wait3A_50 = arith.constant 0 : i32
      %dma_wait3A_51 = tpu.memref_slice %arg8[%dma_wait3A_49, %dma_wait3A_50] : memref<10240x128xf32, #tpu.memory_space<vmem_shared>> -> memref<10240x128xf32, #tpu.memory_space<vmem_shared>>
      tpu.wait_indirect_dma semaphore(%arg11 : memref<!tpu.dma_semaphore, #tpu.memory_space<semaphore_mem>>) src(%dma_wait3A_45 : memref<128x128xf32, #tpu.memory_space<vmem>>) dst(%dma_wait3A_51 : memref<10240x128xf32, #tpu.memory_space<vmem_shared>>)
      %dma_wait3A_52 = arith.constant 1 : i32
      %dma_wait3A_53 = arith.constant 0 : i32
      %dma_wait3A_54 = arith.constant 0 : i32
      %dma_wait3A_55 = arith.constant 0 : i32
      %dma_wait3A_56 = tpu.memref_slice %arg7[%dma_wait3A_52, %dma_wait3A_54, %dma_wait3A_55] : memref<2x128x128xf32, #tpu.memory_space<vmem>> -> memref<1x128x128xf32, #tpu.memory_space<vmem>>
      %dma_wait3A_57 = tpu.memref_squeeze %dma_wait3A_56 : memref<1x128x128xf32, #tpu.memory_space<vmem>> -> memref<128x128xf32, #tpu.memory_space<vmem>>
      %dma_wait3A_58 = arith.constant 0 : i32
      %dma_wait3A_59 = tpu.memref_slice %arg6[%dma_wait3A_53, %dma_wait3A_58] : memref<40x128xi32, #tpu.memory_space<vmem>> -> memref<1x128xi32, #tpu.memory_space<vmem>>
      %dma_wait3A_60 = tpu.memref_squeeze %dma_wait3A_59 : memref<1x128xi32, #tpu.memory_space<vmem>> -> memref<128xi32, #tpu.memory_space<vmem>>
      %dma_wait3A_61 = arith.constant 0 : i32
      %dma_wait3A_62 = arith.constant 0 : i32
      %dma_wait3A_63 = tpu.memref_slice %arg8[%dma_wait3A_61, %dma_wait3A_62] : memref<10240x128xf32, #tpu.memory_space<vmem_shared>> -> memref<10240x128xf32, #tpu.memory_space<vmem_shared>>
      tpu.wait_indirect_dma semaphore(%arg12 : memref<!tpu.dma_semaphore, #tpu.memory_space<semaphore_mem>>) src(%dma_wait3A_57 : memref<128x128xf32, #tpu.memory_space<vmem>>) dst(%dma_wait3A_63 : memref<10240x128xf32, #tpu.memory_space<vmem_shared>>)
    } else {
    }
    %barrier3A_17 = arith.constant 0 : index
    tpu.barrier barrier_id(%barrier3A_17)
    %mul3A_18 = arith.constant 640 : i32
    %mul3A_19 = arith.muli %arg1, %mul3A_18 : i32
    %mul3A_20 = arith.constant 640 : i32
    %mul3A_21 = arith.muli %arg1, %mul3A_20 : i32
    "tpu.region"() ({
      %run_scoped3A = tpu.sem_alloc : memref<!tpu.dma_semaphore, #tpu.memory_space<semaphore_mem>>
      %dma_start3A = arith.constant 0 : i32
      %dma_start3A_22 = tpu.memref_slice %arg5[%arg0, %mul3A_21, %dma_start3A] : memref<2x10240x128xf32, #tpu.memory_space<hbm>> -> memref<1x640x128xf32, #tpu.memory_space<hbm>>
      %dma_start3A_23 = tpu.memref_squeeze %dma_start3A_22 : memref<1x640x128xf32, #tpu.memory_space<hbm>> -> memref<640x128xf32, #tpu.memory_space<hbm>>
      %dma_start3A_24 = arith.constant 0 : i32
      %dma_start3A_25 = tpu.memref_slice %arg8[%mul3A_19, %dma_start3A_24] : memref<10240x128xf32, #tpu.memory_space<vmem_shared>> -> memref<640x128xf32, #tpu.memory_space<vmem_shared>>
      tpu.enqueue_dma source(%dma_start3A_25 : memref<640x128xf32, #tpu.memory_space<vmem_shared>>) target(%dma_start3A_23 : memref<640x128xf32, #tpu.memory_space<hbm>>) target_semaphore(%run_scoped3A : memref<!tpu.dma_semaphore, #tpu.memory_space<semaphore_mem>>)
      %dma_wait3A = arith.constant 0 : i32
      %dma_wait3A_26 = tpu.memref_slice %arg5[%arg0, %mul3A_21, %dma_wait3A] : memref<2x10240x128xf32, #tpu.memory_space<hbm>> -> memref<1x640x128xf32, #tpu.memory_space<hbm>>
      %dma_wait3A_27 = tpu.memref_squeeze %dma_wait3A_26 : memref<1x640x128xf32, #tpu.memory_space<hbm>> -> memref<640x128xf32, #tpu.memory_space<hbm>>
      %dma_wait3A_28 = arith.constant 0 : i32
      %dma_wait3A_29 = tpu.memref_slice %arg8[%mul3A_19, %dma_wait3A_28] : memref<10240x128xf32, #tpu.memory_space<vmem_shared>> -> memref<640x128xf32, #tpu.memory_space<vmem_shared>>
      tpu.wait_dma2 semaphore(%run_scoped3A : memref<!tpu.dma_semaphore, #tpu.memory_space<semaphore_mem>>) src(%dma_wait3A_29 : memref<640x128xf32, #tpu.memory_space<vmem_shared>>) dst(%dma_wait3A_27 : memref<640x128xf32, #tpu.memory_space<hbm>>)
      tpu.yield
    }) : () -> ()
    return
  }
}

#map = affine_map<(d0, d1) -> (0, 0)>
#map1 = affine_map<(d0, d1) -> (0, 0, 0)>
module attributes {stable_mosaic.version = 14 : i64} {
  func.func @k(%arg0: i32, %arg1: i32, %arg2: memref<163840x128xf32, #tpu.memory_space<hbm>>, %arg3: memref<2560x128xi32, #tpu.memory_space<hbm>>, %arg4: memref<10240x128xf32, #tpu.memory_space<hbm>>, %arg5: memref<2x10240x128xf32, #tpu.memory_space<hbm>>, %arg6: memref<40x128xi32, #tpu.memory_space<vmem>>, %arg7: memref<2x128x128xf32, #tpu.memory_space<vmem>>, %arg8: memref<10240x128xf32, #tpu.memory_space<vmem_shared>>, %arg9: memref<!tpu.dma_semaphore, #tpu.memory_space<semaphore_mem>>, %arg10: memref<!tpu.dma_semaphore, #tpu.memory_space<semaphore_mem>>, %arg11: memref<!tpu.dma_semaphore, #tpu.memory_space<semaphore_mem>>, %arg12: memref<!tpu.dma_semaphore, #tpu.memory_space<semaphore_mem>>) attributes {dimension_semantics = [#tpu.dimension_semantics<core_parallel>, #tpu.dimension_semantics<subcore_parallel>], iteration_bounds = array<i64: 2, 16>, scalar_prefetch = 0 : i64, scratch_operands = 7 : i64, tpu.core_type = #tpu.core_type<sc_vector_subcore>, window_params = [{transform_indices = #map}, {transform_indices = #map}, {transform_indices = #map}, {transform_indices = #map1}]} {
    %mul3A = arith.constant 2 : i32
    %mul3A_0 = arith.muli %arg1, %mul3A : i32
    %add3A = arith.addi %mul3A_0, %arg0 : i32
    %mul3A_1 = arith.constant 40 : i32
    %mul3A_2 = arith.muli %mul3A_1, %add3A : i32
    %add3A_3 = arith.constant 0 : i32
    %add3A_4 = arith.addi %add3A_3, %mul3A_2 : i32
    %sub3A = arith.constant 2500 : i32
    %sub3A_5 = arith.subi %sub3A, %add3A_4 : i32
    %jit3A = arith.constant 0 : i32
    %jit3A_6 = arith.constant 40 : i32
    %max3A = arith.maxsi %jit3A, %sub3A_5 : i32
    %min3A = arith.minsi %jit3A_6, %max3A : i32
    %mul3A_7 = arith.constant 40 : i32
    %mul3A_8 = arith.muli %mul3A_7, %add3A : i32
    %mul3A_9 = arith.constant 128 : i32
    %mul3A_10 = arith.muli %mul3A_8, %mul3A_9 : i32
    %mul3A_11 = arith.constant 640 : i32
    %mul3A_12 = arith.muli %arg1, %mul3A_11 : i32
    %mul3A_13 = arith.constant 640 : i32
    %mul3A_14 = arith.muli %arg1, %mul3A_13 : i32
    "tpu.region"() ({
      %run_scoped3A = tpu.sem_alloc : memref<!tpu.dma_semaphore, #tpu.memory_space<semaphore_mem>>
      %dma_start3A = arith.constant 0 : i32
      %dma_start3A_22 = tpu.memref_slice %arg8[%mul3A_14, %dma_start3A] : memref<10240x128xf32, #tpu.memory_space<vmem_shared>> -> memref<640x128xf32, #tpu.memory_space<vmem_shared>>
      %dma_start3A_23 = arith.constant 0 : i32
      %dma_start3A_24 = tpu.memref_slice %arg4[%mul3A_12, %dma_start3A_23] : memref<10240x128xf32, #tpu.memory_space<hbm>> -> memref<640x128xf32, #tpu.memory_space<hbm>>
      tpu.enqueue_dma source(%dma_start3A_24 : memref<640x128xf32, #tpu.memory_space<hbm>>) target(%dma_start3A_22 : memref<640x128xf32, #tpu.memory_space<vmem_shared>>) target_semaphore(%run_scoped3A : memref<!tpu.dma_semaphore, #tpu.memory_space<semaphore_mem>>)
      %dma_wait3A = arith.constant 0 : i32
      %dma_wait3A_25 = tpu.memref_slice %arg8[%mul3A_14, %dma_wait3A] : memref<10240x128xf32, #tpu.memory_space<vmem_shared>> -> memref<640x128xf32, #tpu.memory_space<vmem_shared>>
      %dma_wait3A_26 = arith.constant 0 : i32
      %dma_wait3A_27 = tpu.memref_slice %arg4[%mul3A_12, %dma_wait3A_26] : memref<10240x128xf32, #tpu.memory_space<hbm>> -> memref<640x128xf32, #tpu.memory_space<hbm>>
      tpu.wait_dma2 semaphore(%run_scoped3A : memref<!tpu.dma_semaphore, #tpu.memory_space<semaphore_mem>>) src(%dma_wait3A_27 : memref<640x128xf32, #tpu.memory_space<hbm>>) dst(%dma_wait3A_25 : memref<640x128xf32, #tpu.memory_space<vmem_shared>>)
      tpu.yield
    }) : () -> ()
    "tpu.region"() ({
      %run_scoped3A = tpu.sem_alloc : memref<!tpu.dma_semaphore, #tpu.memory_space<semaphore_mem>>
      %dma_start3A = arith.constant 0 : i32
      %dma_start3A_22 = tpu.memref_slice %arg3[%add3A_4, %dma_start3A] : memref<2560x128xi32, #tpu.memory_space<hbm>> -> memref<40x128xi32, #tpu.memory_space<hbm>>
      %dma_start3A_23 = arith.constant 0 : i32
      %dma_start3A_24 = tpu.memref_slice %arg3[%add3A_4, %dma_start3A_23] : memref<2560x128xi32, #tpu.memory_space<hbm>> -> memref<40x128xi32, #tpu.memory_space<hbm>>
      tpu.enqueue_dma source(%dma_start3A_24 : memref<40x128xi32, #tpu.memory_space<hbm>>) target(%arg6 : memref<40x128xi32, #tpu.memory_space<vmem>>) target_semaphore(%run_scoped3A : memref<!tpu.dma_semaphore, #tpu.memory_space<semaphore_mem>>)
      %dma_wait3A = arith.constant 0 : i32
      %dma_wait3A_25 = tpu.memref_slice %arg3[%add3A_4, %dma_wait3A] : memref<2560x128xi32, #tpu.memory_space<hbm>> -> memref<40x128xi32, #tpu.memory_space<hbm>>
      %dma_wait3A_26 = arith.constant 0 : i32
      %dma_wait3A_27 = tpu.memref_slice %arg3[%add3A_4, %dma_wait3A_26] : memref<2560x128xi32, #tpu.memory_space<hbm>> -> memref<40x128xi32, #tpu.memory_space<hbm>>
      tpu.wait_dma2 semaphore(%run_scoped3A : memref<!tpu.dma_semaphore, #tpu.memory_space<semaphore_mem>>) src(%dma_wait3A_27 : memref<40x128xi32, #tpu.memory_space<hbm>>) dst(%arg6 : memref<40x128xi32, #tpu.memory_space<vmem>>)
      tpu.yield
    }) : () -> ()
    %barrier3A = arith.constant 0 : index
    tpu.barrier barrier_id(%barrier3A)
    %gt3A = arith.constant 0 : i32
    %gt3A_15 = arith.cmpi sgt, %min3A, %gt3A : i32
    %convert_element_type3A = arith.extui %gt3A_15 : i1 to i32
    %cond3A = arith.constant 0 : i32
    %cond3A_16 = arith.cmpi ne, %convert_element_type3A, %cond3A : i32
    scf.if %cond3A_16 {
      %add3A_22 = arith.constant 0 : i32
      %add3A_23 = arith.addi %mul3A_10, %add3A_22 : i32
      %dma_start3A = arith.constant 0 : i32
      %dma_start3A_24 = arith.constant 0 : i32
      %dma_start3A_25 = arith.constant 0 : i32
      %dma_start3A_26 = tpu.memref_slice %arg7[%dma_start3A, %dma_start3A_24, %dma_start3A_25] : memref<2x128x128xf32, #tpu.memory_space<vmem>> -> memref<1x128x128xf32, #tpu.memory_space<vmem>>
      %dma_start3A_27 = tpu.memref_squeeze %dma_start3A_26 : memref<1x128x128xf32, #tpu.memory_space<vmem>> -> memref<128x128xf32, #tpu.memory_space<vmem>>
      %dma_start3A_28 = arith.constant 0 : i32
      %dma_start3A_29 = tpu.memref_slice %arg2[%add3A_23, %dma_start3A_28] : memref<163840x128xf32, #tpu.memory_space<hbm>> -> memref<128x128xf32, #tpu.memory_space<hbm>>
      %dma_start3A_30 = arith.constant 0 : i32
      %dma_start3A_31 = arith.constant 0 : i32
      %dma_start3A_32 = tpu.memref_slice %arg7[%dma_start3A, %dma_start3A_30, %dma_start3A_31] : memref<2x128x128xf32, #tpu.memory_space<vmem>> -> memref<1x128x128xf32, #tpu.memory_space<vmem>>
      %dma_start3A_33 = tpu.memref_squeeze %dma_start3A_32 : memref<1x128x128xf32, #tpu.memory_space<vmem>> -> memref<128x128xf32, #tpu.memory_space<vmem>>
      %dma_start3A_34 = arith.constant 0 : i32
      %dma_start3A_35 = tpu.memref_slice %arg2[%add3A_23, %dma_start3A_34] : memref<163840x128xf32, #tpu.memory_space<hbm>> -> memref<128x128xf32, #tpu.memory_space<hbm>>
      tpu.enqueue_dma source(%dma_start3A_35 : memref<128x128xf32, #tpu.memory_space<hbm>>) target(%dma_start3A_33 : memref<128x128xf32, #tpu.memory_space<vmem>>) target_semaphore(%arg9 : memref<!tpu.dma_semaphore, #tpu.memory_space<semaphore_mem>>)
      %scan3A = arith.constant 0 : i32
      %scan3A_36 = arith.constant 0 : i32
      %scan3A_37 = arith.constant 20 : i32
      %scan3A_38 = arith.addi %scan3A_36, %scan3A_37 : i32
      %scan3A_39 = arith.constant 1 : i32
      scf.for %scan3A_64 = %scan3A_36 to %scan3A_38 step %scan3A_39  : i32 {
        %mul3A_65 = arith.constant 2 : i32
        %mul3A_66 = arith.muli %scan3A_64, %mul3A_65 : i32
        %add3A_67 = arith.constant 0 : i32
        %add3A_68 = arith.addi %mul3A_66, %add3A_67 : i32
        %lt3A = arith.cmpi slt, %add3A_68, %min3A : i32
        %convert_element_type3A_69 = arith.extui %lt3A : i1 to i32
        %cond3A_70 = arith.constant 0 : i32
        %cond3A_71 = arith.cmpi ne, %convert_element_type3A_69, %cond3A_70 : i32
        scf.if %cond3A_71 {
          %dma_wait3A_80 = arith.constant 0 : i32
          %dma_wait3A_81 = arith.constant 0 : i32
          %dma_wait3A_82 = arith.constant 0 : i32
          %dma_wait3A_83 = tpu.memref_slice %arg7[%dma_wait3A_80, %dma_wait3A_81, %dma_wait3A_82] : memref<2x128x128xf32, #tpu.memory_space<vmem>> -> memref<1x128x128xf32, #tpu.memory_space<vmem>>
          %dma_wait3A_84 = tpu.memref_squeeze %dma_wait3A_83 : memref<1x128x128xf32, #tpu.memory_space<vmem>> -> memref<128x128xf32, #tpu.memory_space<vmem>>
          %dma_wait3A_85 = arith.constant 0 : i32
          %dma_wait3A_86 = arith.constant 0 : i32
          %dma_wait3A_87 = tpu.memref_slice %arg2[%dma_wait3A_85, %dma_wait3A_86] : memref<163840x128xf32, #tpu.memory_space<hbm>> -> memref<128x128xf32, #tpu.memory_space<hbm>>
          %dma_wait3A_88 = arith.constant 0 : i32
          %dma_wait3A_89 = arith.constant 0 : i32
          %dma_wait3A_90 = tpu.memref_slice %arg7[%dma_wait3A_80, %dma_wait3A_88, %dma_wait3A_89] : memref<2x128x128xf32, #tpu.memory_space<vmem>> -> memref<1x128x128xf32, #tpu.memory_space<vmem>>
          %dma_wait3A_91 = tpu.memref_squeeze %dma_wait3A_90 : memref<1x128x128xf32, #tpu.memory_space<vmem>> -> memref<128x128xf32, #tpu.memory_space<vmem>>
          %dma_wait3A_92 = arith.constant 0 : i32
          %dma_wait3A_93 = arith.constant 0 : i32
          %dma_wait3A_94 = tpu.memref_slice %arg2[%dma_wait3A_92, %dma_wait3A_93] : memref<163840x128xf32, #tpu.memory_space<hbm>> -> memref<128x128xf32, #tpu.memory_space<hbm>>
          tpu.wait_dma2 semaphore(%arg9 : memref<!tpu.dma_semaphore, #tpu.memory_space<semaphore_mem>>) src(%dma_wait3A_94 : memref<128x128xf32, #tpu.memory_space<hbm>>) dst(%dma_wait3A_91 : memref<128x128xf32, #tpu.memory_space<vmem>>)
          %add3A_95 = arith.constant 1 : i32
          %add3A_96 = arith.addi %add3A_68, %add3A_95 : i32
          %lt3A_97 = arith.cmpi slt, %add3A_96, %min3A : i32
          %convert_element_type3A_98 = arith.extui %lt3A_97 : i1 to i32
          %cond3A_99 = arith.constant 0 : i32
          %cond3A_100 = arith.cmpi ne, %convert_element_type3A_98, %cond3A_99 : i32
          scf.if %cond3A_100 {
            %ge3A = arith.constant 1 : i32
            %ge3A_112 = arith.cmpi sge, %add3A_68, %ge3A : i32
            %convert_element_type3A_113 = arith.extui %ge3A_112 : i1 to i32
            %cond3A_114 = arith.constant 0 : i32
            %cond3A_115 = arith.cmpi ne, %convert_element_type3A_113, %cond3A_114 : i32
            scf.if %cond3A_115 {
              %dma_wait3A_134 = arith.constant 1 : i32
              %dma_wait3A_135 = arith.constant 0 : i32
              %dma_wait3A_136 = arith.constant 0 : i32
              %dma_wait3A_137 = arith.constant 0 : i32
              %dma_wait3A_138 = tpu.memref_slice %arg7[%dma_wait3A_134, %dma_wait3A_136, %dma_wait3A_137] : memref<2x128x128xf32, #tpu.memory_space<vmem>> -> memref<1x128x128xf32, #tpu.memory_space<vmem>>
              %dma_wait3A_139 = tpu.memref_squeeze %dma_wait3A_138 : memref<1x128x128xf32, #tpu.memory_space<vmem>> -> memref<128x128xf32, #tpu.memory_space<vmem>>
              %dma_wait3A_140 = arith.constant 0 : i32
              %dma_wait3A_141 = tpu.memref_slice %arg6[%dma_wait3A_135, %dma_wait3A_140] : memref<40x128xi32, #tpu.memory_space<vmem>> -> memref<1x128xi32, #tpu.memory_space<vmem>>
              %dma_wait3A_142 = tpu.memref_squeeze %dma_wait3A_141 : memref<1x128xi32, #tpu.memory_space<vmem>> -> memref<128xi32, #tpu.memory_space<vmem>>
              %dma_wait3A_143 = arith.constant 0 : i32
              %dma_wait3A_144 = arith.constant 0 : i32
              %dma_wait3A_145 = tpu.memref_slice %arg8[%dma_wait3A_143, %dma_wait3A_144] : memref<10240x128xf32, #tpu.memory_space<vmem_shared>> -> memref<10240x128xf32, #tpu.memory_space<vmem_shared>>
              tpu.wait_indirect_dma semaphore(%arg12 : memref<!tpu.dma_semaphore, #tpu.memory_space<semaphore_mem>>) src(%dma_wait3A_139 : memref<128x128xf32, #tpu.memory_space<vmem>>) dst(%dma_wait3A_145 : memref<10240x128xf32, #tpu.memory_space<vmem_shared>>)
            } else {
            }
            %add3A_116 = arith.constant 1 : i32
            %add3A_117 = arith.addi %add3A_68, %add3A_116 : i32
            %mul3A_118 = arith.constant 128 : i32
            %mul3A_119 = arith.muli %add3A_117, %mul3A_118 : i32
            %add3A_120 = arith.addi %mul3A_10, %mul3A_119 : i32
            %dma_start3A_121 = arith.constant 1 : i32
            %dma_start3A_122 = arith.constant 0 : i32
            %dma_start3A_123 = arith.constant 0 : i32
            %dma_start3A_124 = tpu.memref_slice %arg7[%dma_start3A_121, %dma_start3A_122, %dma_start3A_123] : memref<2x128x128xf32, #tpu.memory_space<vmem>> -> memref<1x128x128xf32, #tpu.memory_space<vmem>>
            %dma_start3A_125 = tpu.memref_squeeze %dma_start3A_124 : memref<1x128x128xf32, #tpu.memory_space<vmem>> -> memref<128x128xf32, #tpu.memory_space<vmem>>
            %dma_start3A_126 = arith.constant 0 : i32
            %dma_start3A_127 = tpu.memref_slice %arg2[%add3A_120, %dma_start3A_126] : memref<163840x128xf32, #tpu.memory_space<hbm>> -> memref<128x128xf32, #tpu.memory_space<hbm>>
            %dma_start3A_128 = arith.constant 0 : i32
            %dma_start3A_129 = arith.constant 0 : i32
            %dma_start3A_130 = tpu.memref_slice %arg7[%dma_start3A_121, %dma_start3A_128, %dma_start3A_129] : memref<2x128x128xf32, #tpu.memory_space<vmem>> -> memref<1x128x128xf32, #tpu.memory_space<vmem>>
            %dma_start3A_131 = tpu.memref_squeeze %dma_start3A_130 : memref<1x128x128xf32, #tpu.memory_space<vmem>> -> memref<128x128xf32, #tpu.memory_space<vmem>>
            %dma_start3A_132 = arith.constant 0 : i32
            %dma_start3A_133 = tpu.memref_slice %arg2[%add3A_120, %dma_start3A_132] : memref<163840x128xf32, #tpu.memory_space<hbm>> -> memref<128x128xf32, #tpu.memory_space<hbm>>
            tpu.enqueue_dma source(%dma_start3A_133 : memref<128x128xf32, #tpu.memory_space<hbm>>) target(%dma_start3A_131 : memref<128x128xf32, #tpu.memory_space<vmem>>) target_semaphore(%arg10 : memref<!tpu.dma_semaphore, #tpu.memory_space<semaphore_mem>>)
          } else {
          }
          %dma_start3A_101 = arith.constant 0 : i32
          %dma_start3A_102 = arith.constant 0 : i32
          %dma_start3A_103 = arith.constant 0 : i32
          %dma_start3A_104 = tpu.memref_slice %arg7[%dma_start3A_101, %dma_start3A_102, %dma_start3A_103] : memref<2x128x128xf32, #tpu.memory_space<vmem>> -> memref<1x128x128xf32, #tpu.memory_space<vmem>>
          %dma_start3A_105 = tpu.memref_squeeze %dma_start3A_104 : memref<1x128x128xf32, #tpu.memory_space<vmem>> -> memref<128x128xf32, #tpu.memory_space<vmem>>
          %dma_start3A_106 = arith.constant 0 : i32
          %dma_start3A_107 = tpu.memref_slice %arg6[%add3A_68, %dma_start3A_106] : memref<40x128xi32, #tpu.memory_space<vmem>> -> memref<1x128xi32, #tpu.memory_space<vmem>>
          %dma_start3A_108 = tpu.memref_squeeze %dma_start3A_107 : memref<1x128xi32, #tpu.memory_space<vmem>> -> memref<128xi32, #tpu.memory_space<vmem>>
          %dma_start3A_109 = arith.constant 0 : i32
          %dma_start3A_110 = arith.constant 0 : i32
          %dma_start3A_111 = tpu.memref_slice %arg8[%dma_start3A_109, %dma_start3A_110] : memref<10240x128xf32, #tpu.memory_space<vmem_shared>> -> memref<10240x128xf32, #tpu.memory_space<vmem_shared>>
          tpu.enqueue_indirect_dma source(%dma_start3A_105 : memref<128x128xf32, #tpu.memory_space<vmem>>) target(%dma_start3A_111 : memref<10240x128xf32, #tpu.memory_space<vmem_shared>>) offsets(%dma_start3A_108 : memref<128xi32, #tpu.memory_space<vmem>>) semaphore(%arg11 : memref<!tpu.dma_semaphore, #tpu.memory_space<semaphore_mem>>) {add = true}
        } else {
        }
        %mul3A_72 = arith.constant 2 : i32
        %mul3A_73 = arith.muli %scan3A_64, %mul3A_72 : i32
        %add3A_74 = arith.constant 1 : i32
        %add3A_75 = arith.addi %mul3A_73, %add3A_74 : i32
        %lt3A_76 = arith.cmpi slt, %add3A_75, %min3A : i32
        %convert_element_type3A_77 = arith.extui %lt3A_76 : i1 to i32
        %cond3A_78 = arith.constant 0 : i32
        %cond3A_79 = arith.cmpi ne, %convert_element_type3A_77, %cond3A_78 : i32
        scf.if %cond3A_79 {
          %dma_wait3A_80 = arith.constant 1 : i32
          %dma_wait3A_81 = arith.constant 0 : i32
          %dma_wait3A_82 = arith.constant 0 : i32
          %dma_wait3A_83 = tpu.memref_slice %arg7[%dma_wait3A_80, %dma_wait3A_81, %dma_wait3A_82] : memref<2x128x128xf32, #tpu.memory_space<vmem>> -> memref<1x128x128xf32, #tpu.memory_space<vmem>>
          %dma_wait3A_84 = tpu.memref_squeeze %dma_wait3A_83 : memref<1x128x128xf32, #tpu.memory_space<vmem>> -> memref<128x128xf32, #tpu.memory_space<vmem>>
          %dma_wait3A_85 = arith.constant 0 : i32
          %dma_wait3A_86 = arith.constant 0 : i32
          %dma_wait3A_87 = tpu.memref_slice %arg2[%dma_wait3A_85, %dma_wait3A_86] : memref<163840x128xf32, #tpu.memory_space<hbm>> -> memref<128x128xf32, #tpu.memory_space<hbm>>
          %dma_wait3A_88 = arith.constant 0 : i32
          %dma_wait3A_89 = arith.constant 0 : i32
          %dma_wait3A_90 = tpu.memref_slice %arg7[%dma_wait3A_80, %dma_wait3A_88, %dma_wait3A_89] : memref<2x128x128xf32, #tpu.memory_space<vmem>> -> memref<1x128x128xf32, #tpu.memory_space<vmem>>
          %dma_wait3A_91 = tpu.memref_squeeze %dma_wait3A_90 : memref<1x128x128xf32, #tpu.memory_space<vmem>> -> memref<128x128xf32, #tpu.memory_space<vmem>>
          %dma_wait3A_92 = arith.constant 0 : i32
          %dma_wait3A_93 = arith.constant 0 : i32
          %dma_wait3A_94 = tpu.memref_slice %arg2[%dma_wait3A_92, %dma_wait3A_93] : memref<163840x128xf32, #tpu.memory_space<hbm>> -> memref<128x128xf32, #tpu.memory_space<hbm>>
          tpu.wait_dma2 semaphore(%arg10 : memref<!tpu.dma_semaphore, #tpu.memory_space<semaphore_mem>>) src(%dma_wait3A_94 : memref<128x128xf32, #tpu.memory_space<hbm>>) dst(%dma_wait3A_91 : memref<128x128xf32, #tpu.memory_space<vmem>>)
          %add3A_95 = arith.constant 1 : i32
          %add3A_96 = arith.addi %add3A_75, %add3A_95 : i32
          %lt3A_97 = arith.cmpi slt, %add3A_96, %min3A : i32
          %convert_element_type3A_98 = arith.extui %lt3A_97 : i1 to i32
          %cond3A_99 = arith.constant 0 : i32
          %cond3A_100 = arith.cmpi ne, %convert_element_type3A_98, %cond3A_99 : i32
          scf.if %cond3A_100 {
            %ge3A = arith.constant 1 : i32
            %ge3A_112 = arith.cmpi sge, %add3A_75, %ge3A : i32
            %convert_element_type3A_113 = arith.extui %ge3A_112 : i1 to i32
            %cond3A_114 = arith.constant 0 : i32
            %cond3A_115 = arith.cmpi ne, %convert_element_type3A_113, %cond3A_114 : i32
            scf.if %cond3A_115 {
              %dma_wait3A_134 = arith.constant 0 : i32
              %dma_wait3A_135 = arith.constant 0 : i32
              %dma_wait3A_136 = arith.constant 0 : i32
              %dma_wait3A_137 = arith.constant 0 : i32
              %dma_wait3A_138 = tpu.memref_slice %arg7[%dma_wait3A_134, %dma_wait3A_136, %dma_wait3A_137] : memref<2x128x128xf32, #tpu.memory_space<vmem>> -> memref<1x128x128xf32, #tpu.memory_space<vmem>>
              %dma_wait3A_139 = tpu.memref_squeeze %dma_wait3A_138 : memref<1x128x128xf32, #tpu.memory_space<vmem>> -> memref<128x128xf32, #tpu.memory_space<vmem>>
              %dma_wait3A_140 = arith.constant 0 : i32
              %dma_wait3A_141 = tpu.memref_slice %arg6[%dma_wait3A_135, %dma_wait3A_140] : memref<40x128xi32, #tpu.memory_space<vmem>> -> memref<1x128xi32, #tpu.memory_space<vmem>>
              %dma_wait3A_142 = tpu.memref_squeeze %dma_wait3A_141 : memref<1x128xi32, #tpu.memory_space<vmem>> -> memref<128xi32, #tpu.memory_space<vmem>>
              %dma_wait3A_143 = arith.constant 0 : i32
              %dma_wait3A_144 = arith.constant 0 : i32
              %dma_wait3A_145 = tpu.memref_slice %arg8[%dma_wait3A_143, %dma_wait3A_144] : memref<10240x128xf32, #tpu.memory_space<vmem_shared>> -> memref<10240x128xf32, #tpu.memory_space<vmem_shared>>
              tpu.wait_indirect_dma semaphore(%arg11 : memref<!tpu.dma_semaphore, #tpu.memory_space<semaphore_mem>>) src(%dma_wait3A_139 : memref<128x128xf32, #tpu.memory_space<vmem>>) dst(%dma_wait3A_145 : memref<10240x128xf32, #tpu.memory_space<vmem_shared>>)
            } else {
            }
            %add3A_116 = arith.constant 1 : i32
            %add3A_117 = arith.addi %add3A_75, %add3A_116 : i32
            %mul3A_118 = arith.constant 128 : i32
            %mul3A_119 = arith.muli %add3A_117, %mul3A_118 : i32
            %add3A_120 = arith.addi %mul3A_10, %mul3A_119 : i32
            %dma_start3A_121 = arith.constant 0 : i32
            %dma_start3A_122 = arith.constant 0 : i32
            %dma_start3A_123 = arith.constant 0 : i32
            %dma_start3A_124 = tpu.memref_slice %arg7[%dma_start3A_121, %dma_start3A_122, %dma_start3A_123] : memref<2x128x128xf32, #tpu.memory_space<vmem>> -> memref<1x128x128xf32, #tpu.memory_space<vmem>>
            %dma_start3A_125 = tpu.memref_squeeze %dma_start3A_124 : memref<1x128x128xf32, #tpu.memory_space<vmem>> -> memref<128x128xf32, #tpu.memory_space<vmem>>
            %dma_start3A_126 = arith.constant 0 : i32
            %dma_start3A_127 = tpu.memref_slice %arg2[%add3A_120, %dma_start3A_126] : memref<163840x128xf32, #tpu.memory_space<hbm>> -> memref<128x128xf32, #tpu.memory_space<hbm>>
            %dma_start3A_128 = arith.constant 0 : i32
            %dma_start3A_129 = arith.constant 0 : i32
            %dma_start3A_130 = tpu.memref_slice %arg7[%dma_start3A_121, %dma_start3A_128, %dma_start3A_129] : memref<2x128x128xf32, #tpu.memory_space<vmem>> -> memref<1x128x128xf32, #tpu.memory_space<vmem>>
            %dma_start3A_131 = tpu.memref_squeeze %dma_start3A_130 : memref<1x128x128xf32, #tpu.memory_space<vmem>> -> memref<128x128xf32, #tpu.memory_space<vmem>>
            %dma_start3A_132 = arith.constant 0 : i32
            %dma_start3A_133 = tpu.memref_slice %arg2[%add3A_120, %dma_start3A_132] : memref<163840x128xf32, #tpu.memory_space<hbm>> -> memref<128x128xf32, #tpu.memory_space<hbm>>
            tpu.enqueue_dma source(%dma_start3A_133 : memref<128x128xf32, #tpu.memory_space<hbm>>) target(%dma_start3A_131 : memref<128x128xf32, #tpu.memory_space<vmem>>) target_semaphore(%arg9 : memref<!tpu.dma_semaphore, #tpu.memory_space<semaphore_mem>>)
          } else {
          }
          %dma_start3A_101 = arith.constant 1 : i32
          %dma_start3A_102 = arith.constant 0 : i32
          %dma_start3A_103 = arith.constant 0 : i32
          %dma_start3A_104 = tpu.memref_slice %arg7[%dma_start3A_101, %dma_start3A_102, %dma_start3A_103] : memref<2x128x128xf32, #tpu.memory_space<vmem>> -> memref<1x128x128xf32, #tpu.memory_space<vmem>>
          %dma_start3A_105 = tpu.memref_squeeze %dma_start3A_104 : memref<1x128x128xf32, #tpu.memory_space<vmem>> -> memref<128x128xf32, #tpu.memory_space<vmem>>
          %dma_start3A_106 = arith.constant 0 : i32
          %dma_start3A_107 = tpu.memref_slice %arg6[%add3A_75, %dma_start3A_106] : memref<40x128xi32, #tpu.memory_space<vmem>> -> memref<1x128xi32, #tpu.memory_space<vmem>>
          %dma_start3A_108 = tpu.memref_squeeze %dma_start3A_107 : memref<1x128xi32, #tpu.memory_space<vmem>> -> memref<128xi32, #tpu.memory_space<vmem>>
          %dma_start3A_109 = arith.constant 0 : i32
          %dma_start3A_110 = arith.constant 0 : i32
          %dma_start3A_111 = tpu.memref_slice %arg8[%dma_start3A_109, %dma_start3A_110] : memref<10240x128xf32, #tpu.memory_space<vmem_shared>> -> memref<10240x128xf32, #tpu.memory_space<vmem_shared>>
          tpu.enqueue_indirect_dma source(%dma_start3A_105 : memref<128x128xf32, #tpu.memory_space<vmem>>) target(%dma_start3A_111 : memref<10240x128xf32, #tpu.memory_space<vmem_shared>>) offsets(%dma_start3A_108 : memref<128xi32, #tpu.memory_space<vmem>>) semaphore(%arg12 : memref<!tpu.dma_semaphore, #tpu.memory_space<semaphore_mem>>) {add = true}
        } else {
        }
      }
      %scan3A_40 = arith.constant 20 : i32
      %dma_wait3A = arith.constant 0 : i32
      %dma_wait3A_41 = arith.constant 0 : i32
      %dma_wait3A_42 = arith.constant 0 : i32
      %dma_wait3A_43 = arith.constant 0 : i32
      %dma_wait3A_44 = tpu.memref_slice %arg7[%dma_wait3A, %dma_wait3A_42, %dma_wait3A_43] : memref<2x128x128xf32, #tpu.memory_space<vmem>> -> memref<1x128x128xf32, #tpu.memory_space<vmem>>
      %dma_wait3A_45 = tpu.memref_squeeze %dma_wait3A_44 : memref<1x128x128xf32, #tpu.memory_space<vmem>> -> memref<128x128xf32, #tpu.memory_space<vmem>>
      %dma_wait3A_46 = arith.constant 0 : i32
      %dma_wait3A_47 = tpu.memref_slice %arg6[%dma_wait3A_41, %dma_wait3A_46] : memref<40x128xi32, #tpu.memory_space<vmem>> -> memref<1x128xi32, #tpu.memory_space<vmem>>
      %dma_wait3A_48 = tpu.memref_squeeze %dma_wait3A_47 : memref<1x128xi32, #tpu.memory_space<vmem>> -> memref<128xi32, #tpu.memory_space<vmem>>
      %dma_wait3A_49 = arith.constant 0 : i32
      %dma_wait3A_50 = arith.constant 0 : i32
      %dma_wait3A_51 = tpu.memref_slice %arg8[%dma_wait3A_49, %dma_wait3A_50] : memref<10240x128xf32, #tpu.memory_space<vmem_shared>> -> memref<10240x128xf32, #tpu.memory_space<vmem_shared>>
      tpu.wait_indirect_dma semaphore(%arg11 : memref<!tpu.dma_semaphore, #tpu.memory_space<semaphore_mem>>) src(%dma_wait3A_45 : memref<128x128xf32, #tpu.memory_space<vmem>>) dst(%dma_wait3A_51 : memref<10240x128xf32, #tpu.memory_space<vmem_shared>>)
      %dma_wait3A_52 = arith.constant 1 : i32
      %dma_wait3A_53 = arith.constant 0 : i32
      %dma_wait3A_54 = arith.constant 0 : i32
      %dma_wait3A_55 = arith.constant 0 : i32
      %dma_wait3A_56 = tpu.memref_slice %arg7[%dma_wait3A_52, %dma_wait3A_54, %dma_wait3A_55] : memref<2x128x128xf32, #tpu.memory_space<vmem>> -> memref<1x128x128xf32, #tpu.memory_space<vmem>>
      %dma_wait3A_57 = tpu.memref_squeeze %dma_wait3A_56 : memref<1x128x128xf32, #tpu.memory_space<vmem>> -> memref<128x128xf32, #tpu.memory_space<vmem>>
      %dma_wait3A_58 = arith.constant 0 : i32
      %dma_wait3A_59 = tpu.memref_slice %arg6[%dma_wait3A_53, %dma_wait3A_58] : memref<40x128xi32, #tpu.memory_space<vmem>> -> memref<1x128xi32, #tpu.memory_space<vmem>>
      %dma_wait3A_60 = tpu.memref_squeeze %dma_wait3A_59 : memref<1x128xi32, #tpu.memory_space<vmem>> -> memref<128xi32, #tpu.memory_space<vmem>>
      %dma_wait3A_61 = arith.constant 0 : i32
      %dma_wait3A_62 = arith.constant 0 : i32
      %dma_wait3A_63 = tpu.memref_slice %arg8[%dma_wait3A_61, %dma_wait3A_62] : memref<10240x128xf32, #tpu.memory_space<vmem_shared>> -> memref<10240x128xf32, #tpu.memory_space<vmem_shared>>
      tpu.wait_indirect_dma semaphore(%arg12 : memref<!tpu.dma_semaphore, #tpu.memory_space<semaphore_mem>>) src(%dma_wait3A_57 : memref<128x128xf32, #tpu.memory_space<vmem>>) dst(%dma_wait3A_63 : memref<10240x128xf32, #tpu.memory_space<vmem_shared>>)
    } else {
    }
    %barrier3A_17 = arith.constant 0 : index
    tpu.barrier barrier_id(%barrier3A_17)
    %mul3A_18 = arith.constant 640 : i32
    %mul3A_19 = arith.muli %arg1, %mul3A_18 : i32
    %mul3A_20 = arith.constant 640 : i32
    %mul3A_21 = arith.muli %arg1, %mul3A_20 : i32
    "tpu.region"() ({
      %run_scoped3A = tpu.sem_alloc : memref<!tpu.dma_semaphore, #tpu.memory_space<semaphore_mem>>
      %dma_start3A = arith.constant 0 : i32
      %dma_start3A_22 = tpu.memref_slice %arg5[%arg0, %mul3A_21, %dma_start3A] : memref<2x10240x128xf32, #tpu.memory_space<hbm>> -> memref<1x640x128xf32, #tpu.memory_space<hbm>>
      %dma_start3A_23 = tpu.memref_squeeze %dma_start3A_22 : memref<1x640x128xf32, #tpu.memory_space<hbm>> -> memref<640x128xf32, #tpu.memory_space<hbm>>
      %dma_start3A_24 = arith.constant 0 : i32
      %dma_start3A_25 = tpu.memref_slice %arg8[%mul3A_19, %dma_start3A_24] : memref<10240x128xf32, #tpu.memory_space<vmem_shared>> -> memref<640x128xf32, #tpu.memory_space<vmem_shared>>
      tpu.enqueue_dma source(%dma_start3A_25 : memref<640x128xf32, #tpu.memory_space<vmem_shared>>) target(%dma_start3A_23 : memref<640x128xf32, #tpu.memory_space<hbm>>) target_semaphore(%run_scoped3A : memref<!tpu.dma_semaphore, #tpu.memory_space<semaphore_mem>>)
      %dma_wait3A = arith.constant 0 : i32
      %dma_wait3A_26 = tpu.memref_slice %arg5[%arg0, %mul3A_21, %dma_wait3A] : memref<2x10240x128xf32, #tpu.memory_space<hbm>> -> memref<1x640x128xf32, #tpu.memory_space<hbm>>
      %dma_wait3A_27 = tpu.memref_squeeze %dma_wait3A_26 : memref<1x640x128xf32, #tpu.memory_space<hbm>> -> memref<640x128xf32, #tpu.memory_space<hbm>>
      %dma_wait3A_28 = arith.constant 0 : i32
      %dma_wait3A_29 = tpu.memref_slice %arg8[%mul3A_19, %dma_wait3A_28] : memref<10240x128xf32, #tpu.memory_space<vmem_shared>> -> memref<640x128xf32, #tpu.memory_space<vmem_shared>>
      tpu.wait_dma2 semaphore(%run_scoped3A : memref<!tpu.dma_semaphore, #tpu.memory_space<semaphore_mem>>) src(%dma_wait3A_29 : memref<640x128xf32, #tpu.memory_space<vmem_shared>>) dst(%dma_wait3A_27 : memref<640x128xf32, #tpu.memory_space<hbm>>)
      tpu.yield
    }) : () -> ()
    return
  }
}

#map = affine_map<(d0, d1) -> (0, 0)>
module attributes {stable_mosaic.version = 14 : i64} {
  func.func @k(%arg0: i32, %arg1: i32, %arg2: memref<10000x128xf32, #tpu.memory_space<hbm>>, %arg3: memref<2560x128xi32, #tpu.memory_space<hbm>>, %arg4: memref<163840x128xf32, #tpu.memory_space<hbm>>, %arg5: memref<40x128xi32, #tpu.memory_space<vmem>>, %arg6: memref<4x128x128xf32, #tpu.memory_space<vmem>>, %arg7: memref<!tpu.dma_semaphore, #tpu.memory_space<semaphore_mem>>, %arg8: memref<!tpu.dma_semaphore, #tpu.memory_space<semaphore_mem>>, %arg9: memref<!tpu.dma_semaphore, #tpu.memory_space<semaphore_mem>>, %arg10: memref<!tpu.dma_semaphore, #tpu.memory_space<semaphore_mem>>, %arg11: memref<!tpu.dma_semaphore, #tpu.memory_space<semaphore_mem>>, %arg12: memref<!tpu.dma_semaphore, #tpu.memory_space<semaphore_mem>>, %arg13: memref<!tpu.dma_semaphore, #tpu.memory_space<semaphore_mem>>, %arg14: memref<!tpu.dma_semaphore, #tpu.memory_space<semaphore_mem>>) attributes {dimension_semantics = [#tpu.dimension_semantics<core_parallel>, #tpu.dimension_semantics<subcore_parallel>], iteration_bounds = array<i64: 2, 16>, scalar_prefetch = 0 : i64, scratch_operands = 10 : i64, tpu.core_type = #tpu.core_type<sc_vector_subcore>, window_params = [{transform_indices = #map}, {transform_indices = #map}, {transform_indices = #map}]} {
    %mul3A = arith.constant 2 : i32
    %mul3A_0 = arith.muli %arg1, %mul3A : i32
    %add3A = arith.addi %mul3A_0, %arg0 : i32
    %mul3A_1 = arith.constant 40 : i32
    %mul3A_2 = arith.muli %mul3A_1, %add3A : i32
    %add3A_3 = arith.constant 0 : i32
    %add3A_4 = arith.addi %add3A_3, %mul3A_2 : i32
    %sub3A = arith.constant 2500 : i32
    %sub3A_5 = arith.subi %sub3A, %add3A_4 : i32
    %jit3A = arith.constant 0 : i32
    %jit3A_6 = arith.constant 40 : i32
    %max3A = arith.maxsi %jit3A, %sub3A_5 : i32
    %min3A = arith.minsi %jit3A_6, %max3A : i32
    %mul3A_7 = arith.constant 40 : i32
    %mul3A_8 = arith.muli %mul3A_7, %add3A : i32
    %mul3A_9 = arith.constant 128 : i32
    %mul3A_10 = arith.muli %mul3A_8, %mul3A_9 : i32
    "tpu.region"() ({
      %run_scoped3A = tpu.sem_alloc : memref<!tpu.dma_semaphore, #tpu.memory_space<semaphore_mem>>
      %dma_start3A = arith.constant 0 : i32
      %dma_start3A_13 = tpu.memref_slice %arg3[%add3A_4, %dma_start3A] : memref<2560x128xi32, #tpu.memory_space<hbm>> -> memref<40x128xi32, #tpu.memory_space<hbm>>
      %dma_start3A_14 = arith.constant 0 : i32
      %dma_start3A_15 = tpu.memref_slice %arg3[%add3A_4, %dma_start3A_14] : memref<2560x128xi32, #tpu.memory_space<hbm>> -> memref<40x128xi32, #tpu.memory_space<hbm>>
      tpu.enqueue_dma source(%dma_start3A_15 : memref<40x128xi32, #tpu.memory_space<hbm>>) target(%arg5 : memref<40x128xi32, #tpu.memory_space<vmem>>) target_semaphore(%run_scoped3A : memref<!tpu.dma_semaphore, #tpu.memory_space<semaphore_mem>>)
      %dma_wait3A = arith.constant 0 : i32
      %dma_wait3A_16 = tpu.memref_slice %arg3[%add3A_4, %dma_wait3A] : memref<2560x128xi32, #tpu.memory_space<hbm>> -> memref<40x128xi32, #tpu.memory_space<hbm>>
      %dma_wait3A_17 = arith.constant 0 : i32
      %dma_wait3A_18 = tpu.memref_slice %arg3[%add3A_4, %dma_wait3A_17] : memref<2560x128xi32, #tpu.memory_space<hbm>> -> memref<40x128xi32, #tpu.memory_space<hbm>>
      tpu.wait_dma2 semaphore(%run_scoped3A : memref<!tpu.dma_semaphore, #tpu.memory_space<semaphore_mem>>) src(%dma_wait3A_18 : memref<40x128xi32, #tpu.memory_space<hbm>>) dst(%arg5 : memref<40x128xi32, #tpu.memory_space<vmem>>)
      tpu.yield
    }) : () -> ()
    %gt3A = arith.constant 0 : i32
    %gt3A_11 = arith.cmpi sgt, %min3A, %gt3A : i32
    %convert_element_type3A = arith.extui %gt3A_11 : i1 to i32
    %cond3A = arith.constant 0 : i32
    %cond3A_12 = arith.cmpi ne, %convert_element_type3A, %cond3A : i32
    scf.if %cond3A_12 {
      %dma_start3A = arith.constant 0 : i32
      %dma_start3A_13 = arith.constant 0 : i32
      %dma_start3A_14 = arith.constant 0 : i32
      %dma_start3A_15 = arith.constant 0 : i32
      %dma_start3A_16 = tpu.memref_slice %arg6[%dma_start3A_13, %dma_start3A_14, %dma_start3A_15] : memref<4x128x128xf32, #tpu.memory_space<vmem>> -> memref<1x128x128xf32, #tpu.memory_space<vmem>>
      %dma_start3A_17 = tpu.memref_squeeze %dma_start3A_16 : memref<1x128x128xf32, #tpu.memory_space<vmem>> -> memref<128x128xf32, #tpu.memory_space<vmem>>
      %dma_start3A_18 = arith.constant 0 : i32
      %dma_start3A_19 = tpu.memref_slice %arg5[%dma_start3A, %dma_start3A_18] : memref<40x128xi32, #tpu.memory_space<vmem>> -> memref<1x128xi32, #tpu.memory_space<vmem>>
      %dma_start3A_20 = tpu.memref_squeeze %dma_start3A_19 : memref<1x128xi32, #tpu.memory_space<vmem>> -> memref<128xi32, #tpu.memory_space<vmem>>
      %dma_start3A_21 = arith.constant 0 : i32
      %dma_start3A_22 = arith.constant 0 : i32
      %dma_start3A_23 = tpu.memref_slice %arg2[%dma_start3A_21, %dma_start3A_22] : memref<10000x128xf32, #tpu.memory_space<hbm>> -> memref<10000x128xf32, #tpu.memory_space<hbm>>
      tpu.enqueue_indirect_dma source(%dma_start3A_23 : memref<10000x128xf32, #tpu.memory_space<hbm>>) target(%dma_start3A_17 : memref<128x128xf32, #tpu.memory_space<vmem>>) offsets(%dma_start3A_20 : memref<128xi32, #tpu.memory_space<vmem>>) semaphore(%arg7 : memref<!tpu.dma_semaphore, #tpu.memory_space<semaphore_mem>>)
      %dma_start3A_24 = arith.constant 1 : i32
      %dma_start3A_25 = arith.constant 1 : i32
      %dma_start3A_26 = arith.constant 0 : i32
      %dma_start3A_27 = arith.constant 0 : i32
      %dma_start3A_28 = tpu.memref_slice %arg6[%dma_start3A_25, %dma_start3A_26, %dma_start3A_27] : memref<4x128x128xf32, #tpu.memory_space<vmem>> -> memref<1x128x128xf32, #tpu.memory_space<vmem>>
      %dma_start3A_29 = tpu.memref_squeeze %dma_start3A_28 : memref<1x128x128xf32, #tpu.memory_space<vmem>> -> memref<128x128xf32, #tpu.memory_space<vmem>>
      %dma_start3A_30 = arith.constant 0 : i32
      %dma_start3A_31 = tpu.memref_slice %arg5[%dma_start3A_24, %dma_start3A_30] : memref<40x128xi32, #tpu.memory_space<vmem>> -> memref<1x128xi32, #tpu.memory_space<vmem>>
      %dma_start3A_32 = tpu.memref_squeeze %dma_start3A_31 : memref<1x128xi32, #tpu.memory_space<vmem>> -> memref<128xi32, #tpu.memory_space<vmem>>
      %dma_start3A_33 = arith.constant 0 : i32
      %dma_start3A_34 = arith.constant 0 : i32
      %dma_start3A_35 = tpu.memref_slice %arg2[%dma_start3A_33, %dma_start3A_34] : memref<10000x128xf32, #tpu.memory_space<hbm>> -> memref<10000x128xf32, #tpu.memory_space<hbm>>
      tpu.enqueue_indirect_dma source(%dma_start3A_35 : memref<10000x128xf32, #tpu.memory_space<hbm>>) target(%dma_start3A_29 : memref<128x128xf32, #tpu.memory_space<vmem>>) offsets(%dma_start3A_32 : memref<128xi32, #tpu.memory_space<vmem>>) semaphore(%arg8 : memref<!tpu.dma_semaphore, #tpu.memory_space<semaphore_mem>>)
      %dma_start3A_36 = arith.constant 2 : i32
      %dma_start3A_37 = arith.constant 2 : i32
      %dma_start3A_38 = arith.constant 0 : i32
      %dma_start3A_39 = arith.constant 0 : i32
      %dma_start3A_40 = tpu.memref_slice %arg6[%dma_start3A_37, %dma_start3A_38, %dma_start3A_39] : memref<4x128x128xf32, #tpu.memory_space<vmem>> -> memref<1x128x128xf32, #tpu.memory_space<vmem>>
      %dma_start3A_41 = tpu.memref_squeeze %dma_start3A_40 : memref<1x128x128xf32, #tpu.memory_space<vmem>> -> memref<128x128xf32, #tpu.memory_space<vmem>>
      %dma_start3A_42 = arith.constant 0 : i32
      %dma_start3A_43 = tpu.memref_slice %arg5[%dma_start3A_36, %dma_start3A_42] : memref<40x128xi32, #tpu.memory_space<vmem>> -> memref<1x128xi32, #tpu.memory_space<vmem>>
      %dma_start3A_44 = tpu.memref_squeeze %dma_start3A_43 : memref<1x128xi32, #tpu.memory_space<vmem>> -> memref<128xi32, #tpu.memory_space<vmem>>
      %dma_start3A_45 = arith.constant 0 : i32
      %dma_start3A_46 = arith.constant 0 : i32
      %dma_start3A_47 = tpu.memref_slice %arg2[%dma_start3A_45, %dma_start3A_46] : memref<10000x128xf32, #tpu.memory_space<hbm>> -> memref<10000x128xf32, #tpu.memory_space<hbm>>
      tpu.enqueue_indirect_dma source(%dma_start3A_47 : memref<10000x128xf32, #tpu.memory_space<hbm>>) target(%dma_start3A_41 : memref<128x128xf32, #tpu.memory_space<vmem>>) offsets(%dma_start3A_44 : memref<128xi32, #tpu.memory_space<vmem>>) semaphore(%arg9 : memref<!tpu.dma_semaphore, #tpu.memory_space<semaphore_mem>>)
      %scan3A = arith.constant 0 : i32
      %scan3A_48 = arith.constant 0 : i32
      %scan3A_49 = arith.constant 10 : i32
      %scan3A_50 = arith.addi %scan3A_48, %scan3A_49 : i32
      %scan3A_51 = arith.constant 1 : i32
      scf.for %scan3A_112 = %scan3A_48 to %scan3A_50 step %scan3A_51  : i32 {
        %mul3A_113 = arith.constant 4 : i32
        %mul3A_114 = arith.muli %scan3A_112, %mul3A_113 : i32
        %add3A_115 = arith.constant 0 : i32
        %add3A_116 = arith.addi %mul3A_114, %add3A_115 : i32
        %lt3A = arith.cmpi slt, %add3A_116, %min3A : i32
        %convert_element_type3A_117 = arith.extui %lt3A : i1 to i32
        %cond3A_118 = arith.constant 0 : i32
        %cond3A_119 = arith.cmpi ne, %convert_element_type3A_117, %cond3A_118 : i32
        scf.if %cond3A_119 {
          %dma_wait3A_144 = arith.constant 0 : i32
          %dma_wait3A_145 = arith.constant 0 : i32
          %dma_wait3A_146 = arith.constant 0 : i32
          %dma_wait3A_147 = arith.constant 0 : i32
          %dma_wait3A_148 = tpu.memref_slice %arg6[%dma_wait3A_145, %dma_wait3A_146, %dma_wait3A_147] : memref<4x128x128xf32, #tpu.memory_space<vmem>> -> memref<1x128x128xf32, #tpu.memory_space<vmem>>
          %dma_wait3A_149 = tpu.memref_squeeze %dma_wait3A_148 : memref<1x128x128xf32, #tpu.memory_space<vmem>> -> memref<128x128xf32, #tpu.memory_space<vmem>>
          %dma_wait3A_150 = arith.constant 0 : i32
          %dma_wait3A_151 = tpu.memref_slice %arg5[%dma_wait3A_144, %dma_wait3A_150] : memref<40x128xi32, #tpu.memory_space<vmem>> -> memref<1x128xi32, #tpu.memory_space<vmem>>
          %dma_wait3A_152 = tpu.memref_squeeze %dma_wait3A_151 : memref<1x128xi32, #tpu.memory_space<vmem>> -> memref<128xi32, #tpu.memory_space<vmem>>
          %dma_wait3A_153 = arith.constant 0 : i32
          %dma_wait3A_154 = arith.constant 0 : i32
          %dma_wait3A_155 = tpu.memref_slice %arg2[%dma_wait3A_153, %dma_wait3A_154] : memref<10000x128xf32, #tpu.memory_space<hbm>> -> memref<10000x128xf32, #tpu.memory_space<hbm>>
          tpu.wait_indirect_dma semaphore(%arg7 : memref<!tpu.dma_semaphore, #tpu.memory_space<semaphore_mem>>) src(%dma_wait3A_155 : memref<10000x128xf32, #tpu.memory_space<hbm>>) dst(%dma_wait3A_149 : memref<128x128xf32, #tpu.memory_space<vmem>>)
          %add3A_156 = arith.constant 3 : i32
          %add3A_157 = arith.addi %add3A_116, %add3A_156 : i32
          %lt3A_158 = arith.cmpi slt, %add3A_157, %min3A : i32
          %convert_element_type3A_159 = arith.extui %lt3A_158 : i1 to i32
          %cond3A_160 = arith.constant 0 : i32
          %cond3A_161 = arith.cmpi ne, %convert_element_type3A_159, %cond3A_160 : i32
          scf.if %cond3A_161 {
            %ge3A = arith.constant 1 : i32
            %ge3A_178 = arith.cmpi sge, %add3A_116, %ge3A : i32
            %convert_element_type3A_179 = arith.extui %ge3A_178 : i1 to i32
            %cond3A_180 = arith.constant 0 : i32
            %cond3A_181 = arith.cmpi ne, %convert_element_type3A_179, %cond3A_180 : i32
            scf.if %cond3A_181 {
              %dma_wait3A_195 = arith.constant 3 : i32
              %dma_wait3A_196 = arith.constant 0 : i32
              %dma_wait3A_197 = arith.constant 0 : i32
              %dma_wait3A_198 = tpu.memref_slice %arg6[%dma_wait3A_195, %dma_wait3A_196, %dma_wait3A_197] : memref<4x128x128xf32, #tpu.memory_space<vmem>> -> memref<1x128x128xf32, #tpu.memory_space<vmem>>
              %dma_wait3A_199 = tpu.memref_squeeze %dma_wait3A_198 : memref<1x128x128xf32, #tpu.memory_space<vmem>> -> memref<128x128xf32, #tpu.memory_space<vmem>>
              %dma_wait3A_200 = arith.constant 0 : i32
              %dma_wait3A_201 = arith.constant 0 : i32
              %dma_wait3A_202 = tpu.memref_slice %arg4[%dma_wait3A_200, %dma_wait3A_201] : memref<163840x128xf32, #tpu.memory_space<hbm>> -> memref<128x128xf32, #tpu.memory_space<hbm>>
              %dma_wait3A_203 = arith.constant 0 : i32
              %dma_wait3A_204 = arith.constant 0 : i32
              %dma_wait3A_205 = tpu.memref_slice %arg4[%dma_wait3A_203, %dma_wait3A_204] : memref<163840x128xf32, #tpu.memory_space<hbm>> -> memref<128x128xf32, #tpu.memory_space<hbm>>
              %dma_wait3A_206 = arith.constant 0 : i32
              %dma_wait3A_207 = arith.constant 0 : i32
              %dma_wait3A_208 = tpu.memref_slice %arg6[%dma_wait3A_195, %dma_wait3A_206, %dma_wait3A_207] : memref<4x128x128xf32, #tpu.memory_space<vmem>> -> memref<1x128x128xf32, #tpu.memory_space<vmem>>
              %dma_wait3A_209 = tpu.memref_squeeze %dma_wait3A_208 : memref<1x128x128xf32, #tpu.memory_space<vmem>> -> memref<128x128xf32, #tpu.memory_space<vmem>>
              tpu.wait_dma2 semaphore(%arg14 : memref<!tpu.dma_semaphore, #tpu.memory_space<semaphore_mem>>) src(%dma_wait3A_209 : memref<128x128xf32, #tpu.memory_space<vmem>>) dst(%dma_wait3A_205 : memref<128x128xf32, #tpu.memory_space<hbm>>)
            } else {
            }
            %add3A_182 = arith.constant 3 : i32
            %add3A_183 = arith.addi %add3A_116, %add3A_182 : i32
            %dma_start3A_184 = arith.constant 3 : i32
            %dma_start3A_185 = arith.constant 0 : i32
            %dma_start3A_186 = arith.constant 0 : i32
            %dma_start3A_187 = tpu.memref_slice %arg6[%dma_start3A_184, %dma_start3A_185, %dma_start3A_186] : memref<4x128x128xf32, #tpu.memory_space<vmem>> -> memref<1x128x128xf32, #tpu.memory_space<vmem>>
            %dma_start3A_188 = tpu.memref_squeeze %dma_start3A_187 : memref<1x128x128xf32, #tpu.memory_space<vmem>> -> memref<128x128xf32, #tpu.memory_space<vmem>>
            %dma_start3A_189 = arith.constant 0 : i32
            %dma_start3A_190 = tpu.memref_slice %arg5[%add3A_183, %dma_start3A_189] : memref<40x128xi32, #tpu.memory_space<vmem>> -> memref<1x128xi32, #tpu.memory_space<vmem>>
            %dma_start3A_191 = tpu.memref_squeeze %dma_start3A_190 : memref<1x128xi32, #tpu.memory_space<vmem>> -> memref<128xi32, #tpu.memory_space<vmem>>
            %dma_start3A_192 = arith.constant 0 : i32
            %dma_start3A_193 = arith.constant 0 : i32
            %dma_start3A_194 = tpu.memref_slice %arg2[%dma_start3A_192, %dma_start3A_193] : memref<10000x128xf32, #tpu.memory_space<hbm>> -> memref<10000x128xf32, #tpu.memory_space<hbm>>
            tpu.enqueue_indirect_dma source(%dma_start3A_194 : memref<10000x128xf32, #tpu.memory_space<hbm>>) target(%dma_start3A_188 : memref<128x128xf32, #tpu.memory_space<vmem>>) offsets(%dma_start3A_191 : memref<128xi32, #tpu.memory_space<vmem>>) semaphore(%arg10 : memref<!tpu.dma_semaphore, #tpu.memory_space<semaphore_mem>>)
          } else {
          }
          %mul3A_162 = arith.constant 128 : i32
          %mul3A_163 = arith.muli %add3A_116, %mul3A_162 : i32
          %add3A_164 = arith.addi %mul3A_10, %mul3A_163 : i32
          %dma_start3A_165 = arith.constant 0 : i32
          %dma_start3A_166 = arith.constant 0 : i32
          %dma_start3A_167 = arith.constant 0 : i32
          %dma_start3A_168 = tpu.memref_slice %arg6[%dma_start3A_165, %dma_start3A_166, %dma_start3A_167] : memref<4x128x128xf32, #tpu.memory_space<vmem>> -> memref<1x128x128xf32, #tpu.memory_space<vmem>>
          %dma_start3A_169 = tpu.memref_squeeze %dma_start3A_168 : memref<1x128x128xf32, #tpu.memory_space<vmem>> -> memref<128x128xf32, #tpu.memory_space<vmem>>
          %dma_start3A_170 = arith.constant 0 : i32
          %dma_start3A_171 = tpu.memref_slice %arg4[%add3A_164, %dma_start3A_170] : memref<163840x128xf32, #tpu.memory_space<hbm>> -> memref<128x128xf32, #tpu.memory_space<hbm>>
          %dma_start3A_172 = arith.constant 0 : i32
          %dma_start3A_173 = tpu.memref_slice %arg4[%add3A_164, %dma_start3A_172] : memref<163840x128xf32, #tpu.memory_space<hbm>> -> memref<128x128xf32, #tpu.memory_space<hbm>>
          %dma_start3A_174 = arith.constant 0 : i32
          %dma_start3A_175 = arith.constant 0 : i32
          %dma_start3A_176 = tpu.memref_slice %arg6[%dma_start3A_165, %dma_start3A_174, %dma_start3A_175] : memref<4x128x128xf32, #tpu.memory_space<vmem>> -> memref<1x128x128xf32, #tpu.memory_space<vmem>>
          %dma_start3A_177 = tpu.memref_squeeze %dma_start3A_176 : memref<1x128x128xf32, #tpu.memory_space<vmem>> -> memref<128x128xf32, #tpu.memory_space<vmem>>
          tpu.enqueue_dma source(%dma_start3A_177 : memref<128x128xf32, #tpu.memory_space<vmem>>) target(%dma_start3A_173 : memref<128x128xf32, #tpu.memory_space<hbm>>) target_semaphore(%arg11 : memref<!tpu.dma_semaphore, #tpu.memory_space<semaphore_mem>>)
        } else {
        }
        %mul3A_120 = arith.constant 4 : i32
        %mul3A_121 = arith.muli %scan3A_112, %mul3A_120 : i32
        %add3A_122 = arith.constant 1 : i32
        %add3A_123 = arith.addi %mul3A_121, %add3A_122 : i32
        %lt3A_124 = arith.cmpi slt, %add3A_123, %min3A : i32
        %convert_element_type3A_125 = arith.extui %lt3A_124 : i1 to i32
        %cond3A_126 = arith.constant 0 : i32
        %cond3A_127 = arith.cmpi ne, %convert_element_type3A_125, %cond3A_126 : i32
        scf.if %cond3A_127 {
          %dma_wait3A_144 = arith.constant 0 : i32
          %dma_wait3A_145 = arith.constant 1 : i32
          %dma_wait3A_146 = arith.constant 0 : i32
          %dma_wait3A_147 = arith.constant 0 : i32
          %dma_wait3A_148 = tpu.memref_slice %arg6[%dma_wait3A_145, %dma_wait3A_146, %dma_wait3A_147] : memref<4x128x128xf32, #tpu.memory_space<vmem>> -> memref<1x128x128xf32, #tpu.memory_space<vmem>>
          %dma_wait3A_149 = tpu.memref_squeeze %dma_wait3A_148 : memref<1x128x128xf32, #tpu.memory_space<vmem>> -> memref<128x128xf32, #tpu.memory_space<vmem>>
          %dma_wait3A_150 = arith.constant 0 : i32
          %dma_wait3A_151 = tpu.memref_slice %arg5[%dma_wait3A_144, %dma_wait3A_150] : memref<40x128xi32, #tpu.memory_space<vmem>> -> memref<1x128xi32, #tpu.memory_space<vmem>>
          %dma_wait3A_152 = tpu.memref_squeeze %dma_wait3A_151 : memref<1x128xi32, #tpu.memory_space<vmem>> -> memref<128xi32, #tpu.memory_space<vmem>>
          %dma_wait3A_153 = arith.constant 0 : i32
          %dma_wait3A_154 = arith.constant 0 : i32
          %dma_wait3A_155 = tpu.memref_slice %arg2[%dma_wait3A_153, %dma_wait3A_154] : memref<10000x128xf32, #tpu.memory_space<hbm>> -> memref<10000x128xf32, #tpu.memory_space<hbm>>
          tpu.wait_indirect_dma semaphore(%arg8 : memref<!tpu.dma_semaphore, #tpu.memory_space<semaphore_mem>>) src(%dma_wait3A_155 : memref<10000x128xf32, #tpu.memory_space<hbm>>) dst(%dma_wait3A_149 : memref<128x128xf32, #tpu.memory_space<vmem>>)
          %add3A_156 = arith.constant 3 : i32
          %add3A_157 = arith.addi %add3A_123, %add3A_156 : i32
          %lt3A_158 = arith.cmpi slt, %add3A_157, %min3A : i32
          %convert_element_type3A_159 = arith.extui %lt3A_158 : i1 to i32
          %cond3A_160 = arith.constant 0 : i32
          %cond3A_161 = arith.cmpi ne, %convert_element_type3A_159, %cond3A_160 : i32
          scf.if %cond3A_161 {
            %ge3A = arith.constant 1 : i32
            %ge3A_178 = arith.cmpi sge, %add3A_123, %ge3A : i32
            %convert_element_type3A_179 = arith.extui %ge3A_178 : i1 to i32
            %cond3A_180 = arith.constant 0 : i32
            %cond3A_181 = arith.cmpi ne, %convert_element_type3A_179, %cond3A_180 : i32
            scf.if %cond3A_181 {
              %dma_wait3A_195 = arith.constant 0 : i32
              %dma_wait3A_196 = arith.constant 0 : i32
              %dma_wait3A_197 = arith.constant 0 : i32
              %dma_wait3A_198 = tpu.memref_slice %arg6[%dma_wait3A_195, %dma_wait3A_196, %dma_wait3A_197] : memref<4x128x128xf32, #tpu.memory_space<vmem>> -> memref<1x128x128xf32, #tpu.memory_space<vmem>>
              %dma_wait3A_199 = tpu.memref_squeeze %dma_wait3A_198 : memref<1x128x128xf32, #tpu.memory_space<vmem>> -> memref<128x128xf32, #tpu.memory_space<vmem>>
              %dma_wait3A_200 = arith.constant 0 : i32
              %dma_wait3A_201 = arith.constant 0 : i32
              %dma_wait3A_202 = tpu.memref_slice %arg4[%dma_wait3A_200, %dma_wait3A_201] : memref<163840x128xf32, #tpu.memory_space<hbm>> -> memref<128x128xf32, #tpu.memory_space<hbm>>
              %dma_wait3A_203 = arith.constant 0 : i32
              %dma_wait3A_204 = arith.constant 0 : i32
              %dma_wait3A_205 = tpu.memref_slice %arg4[%dma_wait3A_203, %dma_wait3A_204] : memref<163840x128xf32, #tpu.memory_space<hbm>> -> memref<128x128xf32, #tpu.memory_space<hbm>>
              %dma_wait3A_206 = arith.constant 0 : i32
              %dma_wait3A_207 = arith.constant 0 : i32
              %dma_wait3A_208 = tpu.memref_slice %arg6[%dma_wait3A_195, %dma_wait3A_206, %dma_wait3A_207] : memref<4x128x128xf32, #tpu.memory_space<vmem>> -> memref<1x128x128xf32, #tpu.memory_space<vmem>>
              %dma_wait3A_209 = tpu.memref_squeeze %dma_wait3A_208 : memref<1x128x128xf32, #tpu.memory_space<vmem>> -> memref<128x128xf32, #tpu.memory_space<vmem>>
              tpu.wait_dma2 semaphore(%arg11 : memref<!tpu.dma_semaphore, #tpu.memory_space<semaphore_mem>>) src(%dma_wait3A_209 : memref<128x128xf32, #tpu.memory_space<vmem>>) dst(%dma_wait3A_205 : memref<128x128xf32, #tpu.memory_space<hbm>>)
            } else {
            }
            %add3A_182 = arith.constant 3 : i32
            %add3A_183 = arith.addi %add3A_123, %add3A_182 : i32
            %dma_start3A_184 = arith.constant 0 : i32
            %dma_start3A_185 = arith.constant 0 : i32
            %dma_start3A_186 = arith.constant 0 : i32
            %dma_start3A_187 = tpu.memref_slice %arg6[%dma_start3A_184, %dma_start3A_185, %dma_start3A_186] : memref<4x128x128xf32, #tpu.memory_space<vmem>> -> memref<1x128x128xf32, #tpu.memory_space<vmem>>
            %dma_start3A_188 = tpu.memref_squeeze %dma_start3A_187 : memref<1x128x128xf32, #tpu.memory_space<vmem>> -> memref<128x128xf32, #tpu.memory_space<vmem>>
            %dma_start3A_189 = arith.constant 0 : i32
            %dma_start3A_190 = tpu.memref_slice %arg5[%add3A_183, %dma_start3A_189] : memref<40x128xi32, #tpu.memory_space<vmem>> -> memref<1x128xi32, #tpu.memory_space<vmem>>
            %dma_start3A_191 = tpu.memref_squeeze %dma_start3A_190 : memref<1x128xi32, #tpu.memory_space<vmem>> -> memref<128xi32, #tpu.memory_space<vmem>>
            %dma_start3A_192 = arith.constant 0 : i32
            %dma_start3A_193 = arith.constant 0 : i32
            %dma_start3A_194 = tpu.memref_slice %arg2[%dma_start3A_192, %dma_start3A_193] : memref<10000x128xf32, #tpu.memory_space<hbm>> -> memref<10000x128xf32, #tpu.memory_space<hbm>>
            tpu.enqueue_indirect_dma source(%dma_start3A_194 : memref<10000x128xf32, #tpu.memory_space<hbm>>) target(%dma_start3A_188 : memref<128x128xf32, #tpu.memory_space<vmem>>) offsets(%dma_start3A_191 : memref<128xi32, #tpu.memory_space<vmem>>) semaphore(%arg7 : memref<!tpu.dma_semaphore, #tpu.memory_space<semaphore_mem>>)
          } else {
          }
          %mul3A_162 = arith.constant 128 : i32
          %mul3A_163 = arith.muli %add3A_123, %mul3A_162 : i32
          %add3A_164 = arith.addi %mul3A_10, %mul3A_163 : i32
          %dma_start3A_165 = arith.constant 1 : i32
          %dma_start3A_166 = arith.constant 0 : i32
          %dma_start3A_167 = arith.constant 0 : i32
          %dma_start3A_168 = tpu.memref_slice %arg6[%dma_start3A_165, %dma_start3A_166, %dma_start3A_167] : memref<4x128x128xf32, #tpu.memory_space<vmem>> -> memref<1x128x128xf32, #tpu.memory_space<vmem>>
          %dma_start3A_169 = tpu.memref_squeeze %dma_start3A_168 : memref<1x128x128xf32, #tpu.memory_space<vmem>> -> memref<128x128xf32, #tpu.memory_space<vmem>>
          %dma_start3A_170 = arith.constant 0 : i32
          %dma_start3A_171 = tpu.memref_slice %arg4[%add3A_164, %dma_start3A_170] : memref<163840x128xf32, #tpu.memory_space<hbm>> -> memref<128x128xf32, #tpu.memory_space<hbm>>
          %dma_start3A_172 = arith.constant 0 : i32
          %dma_start3A_173 = tpu.memref_slice %arg4[%add3A_164, %dma_start3A_172] : memref<163840x128xf32, #tpu.memory_space<hbm>> -> memref<128x128xf32, #tpu.memory_space<hbm>>
          %dma_start3A_174 = arith.constant 0 : i32
          %dma_start3A_175 = arith.constant 0 : i32
          %dma_start3A_176 = tpu.memref_slice %arg6[%dma_start3A_165, %dma_start3A_174, %dma_start3A_175] : memref<4x128x128xf32, #tpu.memory_space<vmem>> -> memref<1x128x128xf32, #tpu.memory_space<vmem>>
          %dma_start3A_177 = tpu.memref_squeeze %dma_start3A_176 : memref<1x128x128xf32, #tpu.memory_space<vmem>> -> memref<128x128xf32, #tpu.memory_space<vmem>>
          tpu.enqueue_dma source(%dma_start3A_177 : memref<128x128xf32, #tpu.memory_space<vmem>>) target(%dma_start3A_173 : memref<128x128xf32, #tpu.memory_space<hbm>>) target_semaphore(%arg12 : memref<!tpu.dma_semaphore, #tpu.memory_space<semaphore_mem>>)
        } else {
        }
        %mul3A_128 = arith.constant 4 : i32
        %mul3A_129 = arith.muli %scan3A_112, %mul3A_128 : i32
        %add3A_130 = arith.constant 2 : i32
        %add3A_131 = arith.addi %mul3A_129, %add3A_130 : i32
        %lt3A_132 = arith.cmpi slt, %add3A_131, %min3A : i32
        %convert_element_type3A_133 = arith.extui %lt3A_132 : i1 to i32
        %cond3A_134 = arith.constant 0 : i32
        %cond3A_135 = arith.cmpi ne, %convert_element_type3A_133, %cond3A_134 : i32
        scf.if %cond3A_135 {
          %dma_wait3A_144 = arith.constant 0 : i32
          %dma_wait3A_145 = arith.constant 2 : i32
          %dma_wait3A_146 = arith.constant 0 : i32
          %dma_wait3A_147 = arith.constant 0 : i32
          %dma_wait3A_148 = tpu.memref_slice %arg6[%dma_wait3A_145, %dma_wait3A_146, %dma_wait3A_147] : memref<4x128x128xf32, #tpu.memory_space<vmem>> -> memref<1x128x128xf32, #tpu.memory_space<vmem>>
          %dma_wait3A_149 = tpu.memref_squeeze %dma_wait3A_148 : memref<1x128x128xf32, #tpu.memory_space<vmem>> -> memref<128x128xf32, #tpu.memory_space<vmem>>
          %dma_wait3A_150 = arith.constant 0 : i32
          %dma_wait3A_151 = tpu.memref_slice %arg5[%dma_wait3A_144, %dma_wait3A_150] : memref<40x128xi32, #tpu.memory_space<vmem>> -> memref<1x128xi32, #tpu.memory_space<vmem>>
          %dma_wait3A_152 = tpu.memref_squeeze %dma_wait3A_151 : memref<1x128xi32, #tpu.memory_space<vmem>> -> memref<128xi32, #tpu.memory_space<vmem>>
          %dma_wait3A_153 = arith.constant 0 : i32
          %dma_wait3A_154 = arith.constant 0 : i32
          %dma_wait3A_155 = tpu.memref_slice %arg2[%dma_wait3A_153, %dma_wait3A_154] : memref<10000x128xf32, #tpu.memory_space<hbm>> -> memref<10000x128xf32, #tpu.memory_space<hbm>>
          tpu.wait_indirect_dma semaphore(%arg9 : memref<!tpu.dma_semaphore, #tpu.memory_space<semaphore_mem>>) src(%dma_wait3A_155 : memref<10000x128xf32, #tpu.memory_space<hbm>>) dst(%dma_wait3A_149 : memref<128x128xf32, #tpu.memory_space<vmem>>)
          %add3A_156 = arith.constant 3 : i32
          %add3A_157 = arith.addi %add3A_131, %add3A_156 : i32
          %lt3A_158 = arith.cmpi slt, %add3A_157, %min3A : i32
          %convert_element_type3A_159 = arith.extui %lt3A_158 : i1 to i32
          %cond3A_160 = arith.constant 0 : i32
          %cond3A_161 = arith.cmpi ne, %convert_element_type3A_159, %cond3A_160 : i32
          scf.if %cond3A_161 {
            %ge3A = arith.constant 1 : i32
            %ge3A_178 = arith.cmpi sge, %add3A_131, %ge3A : i32
            %convert_element_type3A_179 = arith.extui %ge3A_178 : i1 to i32
            %cond3A_180 = arith.constant 0 : i32
            %cond3A_181 = arith.cmpi ne, %convert_element_type3A_179, %cond3A_180 : i32
            scf.if %cond3A_181 {
              %dma_wait3A_195 = arith.constant 1 : i32
              %dma_wait3A_196 = arith.constant 0 : i32
              %dma_wait3A_197 = arith.constant 0 : i32
              %dma_wait3A_198 = tpu.memref_slice %arg6[%dma_wait3A_195, %dma_wait3A_196, %dma_wait3A_197] : memref<4x128x128xf32, #tpu.memory_space<vmem>> -> memref<1x128x128xf32, #tpu.memory_space<vmem>>
              %dma_wait3A_199 = tpu.memref_squeeze %dma_wait3A_198 : memref<1x128x128xf32, #tpu.memory_space<vmem>> -> memref<128x128xf32, #tpu.memory_space<vmem>>
              %dma_wait3A_200 = arith.constant 0 : i32
              %dma_wait3A_201 = arith.constant 0 : i32
              %dma_wait3A_202 = tpu.memref_slice %arg4[%dma_wait3A_200, %dma_wait3A_201] : memref<163840x128xf32, #tpu.memory_space<hbm>> -> memref<128x128xf32, #tpu.memory_space<hbm>>
              %dma_wait3A_203 = arith.constant 0 : i32
              %dma_wait3A_204 = arith.constant 0 : i32
              %dma_wait3A_205 = tpu.memref_slice %arg4[%dma_wait3A_203, %dma_wait3A_204] : memref<163840x128xf32, #tpu.memory_space<hbm>> -> memref<128x128xf32, #tpu.memory_space<hbm>>
              %dma_wait3A_206 = arith.constant 0 : i32
              %dma_wait3A_207 = arith.constant 0 : i32
              %dma_wait3A_208 = tpu.memref_slice %arg6[%dma_wait3A_195, %dma_wait3A_206, %dma_wait3A_207] : memref<4x128x128xf32, #tpu.memory_space<vmem>> -> memref<1x128x128xf32, #tpu.memory_space<vmem>>
              %dma_wait3A_209 = tpu.memref_squeeze %dma_wait3A_208 : memref<1x128x128xf32, #tpu.memory_space<vmem>> -> memref<128x128xf32, #tpu.memory_space<vmem>>
              tpu.wait_dma2 semaphore(%arg12 : memref<!tpu.dma_semaphore, #tpu.memory_space<semaphore_mem>>) src(%dma_wait3A_209 : memref<128x128xf32, #tpu.memory_space<vmem>>) dst(%dma_wait3A_205 : memref<128x128xf32, #tpu.memory_space<hbm>>)
            } else {
            }
            %add3A_182 = arith.constant 3 : i32
            %add3A_183 = arith.addi %add3A_131, %add3A_182 : i32
            %dma_start3A_184 = arith.constant 1 : i32
            %dma_start3A_185 = arith.constant 0 : i32
            %dma_start3A_186 = arith.constant 0 : i32
            %dma_start3A_187 = tpu.memref_slice %arg6[%dma_start3A_184, %dma_start3A_185, %dma_start3A_186] : memref<4x128x128xf32, #tpu.memory_space<vmem>> -> memref<1x128x128xf32, #tpu.memory_space<vmem>>
            %dma_start3A_188 = tpu.memref_squeeze %dma_start3A_187 : memref<1x128x128xf32, #tpu.memory_space<vmem>> -> memref<128x128xf32, #tpu.memory_space<vmem>>
            %dma_start3A_189 = arith.constant 0 : i32
            %dma_start3A_190 = tpu.memref_slice %arg5[%add3A_183, %dma_start3A_189] : memref<40x128xi32, #tpu.memory_space<vmem>> -> memref<1x128xi32, #tpu.memory_space<vmem>>
            %dma_start3A_191 = tpu.memref_squeeze %dma_start3A_190 : memref<1x128xi32, #tpu.memory_space<vmem>> -> memref<128xi32, #tpu.memory_space<vmem>>
            %dma_start3A_192 = arith.constant 0 : i32
            %dma_start3A_193 = arith.constant 0 : i32
            %dma_start3A_194 = tpu.memref_slice %arg2[%dma_start3A_192, %dma_start3A_193] : memref<10000x128xf32, #tpu.memory_space<hbm>> -> memref<10000x128xf32, #tpu.memory_space<hbm>>
            tpu.enqueue_indirect_dma source(%dma_start3A_194 : memref<10000x128xf32, #tpu.memory_space<hbm>>) target(%dma_start3A_188 : memref<128x128xf32, #tpu.memory_space<vmem>>) offsets(%dma_start3A_191 : memref<128xi32, #tpu.memory_space<vmem>>) semaphore(%arg8 : memref<!tpu.dma_semaphore, #tpu.memory_space<semaphore_mem>>)
          } else {
          }
          %mul3A_162 = arith.constant 128 : i32
          %mul3A_163 = arith.muli %add3A_131, %mul3A_162 : i32
          %add3A_164 = arith.addi %mul3A_10, %mul3A_163 : i32
          %dma_start3A_165 = arith.constant 2 : i32
          %dma_start3A_166 = arith.constant 0 : i32
          %dma_start3A_167 = arith.constant 0 : i32
          %dma_start3A_168 = tpu.memref_slice %arg6[%dma_start3A_165, %dma_start3A_166, %dma_start3A_167] : memref<4x128x128xf32, #tpu.memory_space<vmem>> -> memref<1x128x128xf32, #tpu.memory_space<vmem>>
          %dma_start3A_169 = tpu.memref_squeeze %dma_start3A_168 : memref<1x128x128xf32, #tpu.memory_space<vmem>> -> memref<128x128xf32, #tpu.memory_space<vmem>>
          %dma_start3A_170 = arith.constant 0 : i32
          %dma_start3A_171 = tpu.memref_slice %arg4[%add3A_164, %dma_start3A_170] : memref<163840x128xf32, #tpu.memory_space<hbm>> -> memref<128x128xf32, #tpu.memory_space<hbm>>
          %dma_start3A_172 = arith.constant 0 : i32
          %dma_start3A_173 = tpu.memref_slice %arg4[%add3A_164, %dma_start3A_172] : memref<163840x128xf32, #tpu.memory_space<hbm>> -> memref<128x128xf32, #tpu.memory_space<hbm>>
          %dma_start3A_174 = arith.constant 0 : i32
          %dma_start3A_175 = arith.constant 0 : i32
          %dma_start3A_176 = tpu.memref_slice %arg6[%dma_start3A_165, %dma_start3A_174, %dma_start3A_175] : memref<4x128x128xf32, #tpu.memory_space<vmem>> -> memref<1x128x128xf32, #tpu.memory_space<vmem>>
          %dma_start3A_177 = tpu.memref_squeeze %dma_start3A_176 : memref<1x128x128xf32, #tpu.memory_space<vmem>> -> memref<128x128xf32, #tpu.memory_space<vmem>>
          tpu.enqueue_dma source(%dma_start3A_177 : memref<128x128xf32, #tpu.memory_space<vmem>>) target(%dma_start3A_173 : memref<128x128xf32, #tpu.memory_space<hbm>>) target_semaphore(%arg13 : memref<!tpu.dma_semaphore, #tpu.memory_space<semaphore_mem>>)
        } else {
        }
        %mul3A_136 = arith.constant 4 : i32
        %mul3A_137 = arith.muli %scan3A_112, %mul3A_136 : i32
        %add3A_138 = arith.constant 3 : i32
        %add3A_139 = arith.addi %mul3A_137, %add3A_138 : i32
        %lt3A_140 = arith.cmpi slt, %add3A_139, %min3A : i32
        %convert_element_type3A_141 = arith.extui %lt3A_140 : i1 to i32
        %cond3A_142 = arith.constant 0 : i32
        %cond3A_143 = arith.cmpi ne, %convert_element_type3A_141, %cond3A_142 : i32
        scf.if %cond3A_143 {
          %dma_wait3A_144 = arith.constant 0 : i32
          %dma_wait3A_145 = arith.constant 3 : i32
          %dma_wait3A_146 = arith.constant 0 : i32
          %dma_wait3A_147 = arith.constant 0 : i32
          %dma_wait3A_148 = tpu.memref_slice %arg6[%dma_wait3A_145, %dma_wait3A_146, %dma_wait3A_147] : memref<4x128x128xf32, #tpu.memory_space<vmem>> -> memref<1x128x128xf32, #tpu.memory_space<vmem>>
          %dma_wait3A_149 = tpu.memref_squeeze %dma_wait3A_148 : memref<1x128x128xf32, #tpu.memory_space<vmem>> -> memref<128x128xf32, #tpu.memory_space<vmem>>
          %dma_wait3A_150 = arith.constant 0 : i32
          %dma_wait3A_151 = tpu.memref_slice %arg5[%dma_wait3A_144, %dma_wait3A_150] : memref<40x128xi32, #tpu.memory_space<vmem>> -> memref<1x128xi32, #tpu.memory_space<vmem>>
          %dma_wait3A_152 = tpu.memref_squeeze %dma_wait3A_151 : memref<1x128xi32, #tpu.memory_space<vmem>> -> memref<128xi32, #tpu.memory_space<vmem>>
          %dma_wait3A_153 = arith.constant 0 : i32
          %dma_wait3A_154 = arith.constant 0 : i32
          %dma_wait3A_155 = tpu.memref_slice %arg2[%dma_wait3A_153, %dma_wait3A_154] : memref<10000x128xf32, #tpu.memory_space<hbm>> -> memref<10000x128xf32, #tpu.memory_space<hbm>>
          tpu.wait_indirect_dma semaphore(%arg10 : memref<!tpu.dma_semaphore, #tpu.memory_space<semaphore_mem>>) src(%dma_wait3A_155 : memref<10000x128xf32, #tpu.memory_space<hbm>>) dst(%dma_wait3A_149 : memref<128x128xf32, #tpu.memory_space<vmem>>)
          %add3A_156 = arith.constant 3 : i32
          %add3A_157 = arith.addi %add3A_139, %add3A_156 : i32
          %lt3A_158 = arith.cmpi slt, %add3A_157, %min3A : i32
          %convert_element_type3A_159 = arith.extui %lt3A_158 : i1 to i32
          %cond3A_160 = arith.constant 0 : i32
          %cond3A_161 = arith.cmpi ne, %convert_element_type3A_159, %cond3A_160 : i32
          scf.if %cond3A_161 {
            %ge3A = arith.constant 1 : i32
            %ge3A_178 = arith.cmpi sge, %add3A_139, %ge3A : i32
            %convert_element_type3A_179 = arith.extui %ge3A_178 : i1 to i32
            %cond3A_180 = arith.constant 0 : i32
            %cond3A_181 = arith.cmpi ne, %convert_element_type3A_179, %cond3A_180 : i32
            scf.if %cond3A_181 {
              %dma_wait3A_195 = arith.constant 2 : i32
              %dma_wait3A_196 = arith.constant 0 : i32
              %dma_wait3A_197 = arith.constant 0 : i32
              %dma_wait3A_198 = tpu.memref_slice %arg6[%dma_wait3A_195, %dma_wait3A_196, %dma_wait3A_197] : memref<4x128x128xf32, #tpu.memory_space<vmem>> -> memref<1x128x128xf32, #tpu.memory_space<vmem>>
              %dma_wait3A_199 = tpu.memref_squeeze %dma_wait3A_198 : memref<1x128x128xf32, #tpu.memory_space<vmem>> -> memref<128x128xf32, #tpu.memory_space<vmem>>
              %dma_wait3A_200 = arith.constant 0 : i32
              %dma_wait3A_201 = arith.constant 0 : i32
              %dma_wait3A_202 = tpu.memref_slice %arg4[%dma_wait3A_200, %dma_wait3A_201] : memref<163840x128xf32, #tpu.memory_space<hbm>> -> memref<128x128xf32, #tpu.memory_space<hbm>>
              %dma_wait3A_203 = arith.constant 0 : i32
              %dma_wait3A_204 = arith.constant 0 : i32
              %dma_wait3A_205 = tpu.memref_slice %arg4[%dma_wait3A_203, %dma_wait3A_204] : memref<163840x128xf32, #tpu.memory_space<hbm>> -> memref<128x128xf32, #tpu.memory_space<hbm>>
              %dma_wait3A_206 = arith.constant 0 : i32
              %dma_wait3A_207 = arith.constant 0 : i32
              %dma_wait3A_208 = tpu.memref_slice %arg6[%dma_wait3A_195, %dma_wait3A_206, %dma_wait3A_207] : memref<4x128x128xf32, #tpu.memory_space<vmem>> -> memref<1x128x128xf32, #tpu.memory_space<vmem>>
              %dma_wait3A_209 = tpu.memref_squeeze %dma_wait3A_208 : memref<1x128x128xf32, #tpu.memory_space<vmem>> -> memref<128x128xf32, #tpu.memory_space<vmem>>
              tpu.wait_dma2 semaphore(%arg13 : memref<!tpu.dma_semaphore, #tpu.memory_space<semaphore_mem>>) src(%dma_wait3A_209 : memref<128x128xf32, #tpu.memory_space<vmem>>) dst(%dma_wait3A_205 : memref<128x128xf32, #tpu.memory_space<hbm>>)
            } else {
            }
            %add3A_182 = arith.constant 3 : i32
            %add3A_183 = arith.addi %add3A_139, %add3A_182 : i32
            %dma_start3A_184 = arith.constant 2 : i32
            %dma_start3A_185 = arith.constant 0 : i32
            %dma_start3A_186 = arith.constant 0 : i32
            %dma_start3A_187 = tpu.memref_slice %arg6[%dma_start3A_184, %dma_start3A_185, %dma_start3A_186] : memref<4x128x128xf32, #tpu.memory_space<vmem>> -> memref<1x128x128xf32, #tpu.memory_space<vmem>>
            %dma_start3A_188 = tpu.memref_squeeze %dma_start3A_187 : memref<1x128x128xf32, #tpu.memory_space<vmem>> -> memref<128x128xf32, #tpu.memory_space<vmem>>
            %dma_start3A_189 = arith.constant 0 : i32
            %dma_start3A_190 = tpu.memref_slice %arg5[%add3A_183, %dma_start3A_189] : memref<40x128xi32, #tpu.memory_space<vmem>> -> memref<1x128xi32, #tpu.memory_space<vmem>>
            %dma_start3A_191 = tpu.memref_squeeze %dma_start3A_190 : memref<1x128xi32, #tpu.memory_space<vmem>> -> memref<128xi32, #tpu.memory_space<vmem>>
            %dma_start3A_192 = arith.constant 0 : i32
            %dma_start3A_193 = arith.constant 0 : i32
            %dma_start3A_194 = tpu.memref_slice %arg2[%dma_start3A_192, %dma_start3A_193] : memref<10000x128xf32, #tpu.memory_space<hbm>> -> memref<10000x128xf32, #tpu.memory_space<hbm>>
            tpu.enqueue_indirect_dma source(%dma_start3A_194 : memref<10000x128xf32, #tpu.memory_space<hbm>>) target(%dma_start3A_188 : memref<128x128xf32, #tpu.memory_space<vmem>>) offsets(%dma_start3A_191 : memref<128xi32, #tpu.memory_space<vmem>>) semaphore(%arg9 : memref<!tpu.dma_semaphore, #tpu.memory_space<semaphore_mem>>)
          } else {
          }
          %mul3A_162 = arith.constant 128 : i32
          %mul3A_163 = arith.muli %add3A_139, %mul3A_162 : i32
          %add3A_164 = arith.addi %mul3A_10, %mul3A_163 : i32
          %dma_start3A_165 = arith.constant 3 : i32
          %dma_start3A_166 = arith.constant 0 : i32
          %dma_start3A_167 = arith.constant 0 : i32
          %dma_start3A_168 = tpu.memref_slice %arg6[%dma_start3A_165, %dma_start3A_166, %dma_start3A_167] : memref<4x128x128xf32, #tpu.memory_space<vmem>> -> memref<1x128x128xf32, #tpu.memory_space<vmem>>
          %dma_start3A_169 = tpu.memref_squeeze %dma_start3A_168 : memref<1x128x128xf32, #tpu.memory_space<vmem>> -> memref<128x128xf32, #tpu.memory_space<vmem>>
          %dma_start3A_170 = arith.constant 0 : i32
          %dma_start3A_171 = tpu.memref_slice %arg4[%add3A_164, %dma_start3A_170] : memref<163840x128xf32, #tpu.memory_space<hbm>> -> memref<128x128xf32, #tpu.memory_space<hbm>>
          %dma_start3A_172 = arith.constant 0 : i32
          %dma_start3A_173 = tpu.memref_slice %arg4[%add3A_164, %dma_start3A_172] : memref<163840x128xf32, #tpu.memory_space<hbm>> -> memref<128x128xf32, #tpu.memory_space<hbm>>
          %dma_start3A_174 = arith.constant 0 : i32
          %dma_start3A_175 = arith.constant 0 : i32
          %dma_start3A_176 = tpu.memref_slice %arg6[%dma_start3A_165, %dma_start3A_174, %dma_start3A_175] : memref<4x128x128xf32, #tpu.memory_space<vmem>> -> memref<1x128x128xf32, #tpu.memory_space<vmem>>
          %dma_start3A_177 = tpu.memref_squeeze %dma_start3A_176 : memref<1x128x128xf32, #tpu.memory_space<vmem>> -> memref<128x128xf32, #tpu.memory_space<vmem>>
          tpu.enqueue_dma source(%dma_start3A_177 : memref<128x128xf32, #tpu.memory_space<vmem>>) target(%dma_start3A_173 : memref<128x128xf32, #tpu.memory_space<hbm>>) target_semaphore(%arg14 : memref<!tpu.dma_semaphore, #tpu.memory_space<semaphore_mem>>)
        } else {
        }
      }
      %scan3A_52 = arith.constant 10 : i32
      %dma_wait3A = arith.constant 0 : i32
      %dma_wait3A_53 = arith.constant 0 : i32
      %dma_wait3A_54 = arith.constant 0 : i32
      %dma_wait3A_55 = tpu.memref_slice %arg6[%dma_wait3A, %dma_wait3A_53, %dma_wait3A_54] : memref<4x128x128xf32, #tpu.memory_space<vmem>> -> memref<1x128x128xf32, #tpu.memory_space<vmem>>
      %dma_wait3A_56 = tpu.memref_squeeze %dma_wait3A_55 : memref<1x128x128xf32, #tpu.memory_space<vmem>> -> memref<128x128xf32, #tpu.memory_space<vmem>>
      %dma_wait3A_57 = arith.constant 0 : i32
      %dma_wait3A_58 = arith.constant 0 : i32
      %dma_wait3A_59 = tpu.memref_slice %arg4[%dma_wait3A_57, %dma_wait3A_58] : memref<163840x128xf32, #tpu.memory_space<hbm>> -> memref<128x128xf32, #tpu.memory_space<hbm>>
      %dma_wait3A_60 = arith.constant 0 : i32
      %dma_wait3A_61 = arith.constant 0 : i32
      %dma_wait3A_62 = tpu.memref_slice %arg4[%dma_wait3A_60, %dma_wait3A_61] : memref<163840x128xf32, #tpu.memory_space<hbm>> -> memref<128x128xf32, #tpu.memory_space<hbm>>
      %dma_wait3A_63 = arith.constant 0 : i32
      %dma_wait3A_64 = arith.constant 0 : i32
      %dma_wait3A_65 = tpu.memref_slice %arg6[%dma_wait3A, %dma_wait3A_63, %dma_wait3A_64] : memref<4x128x128xf32, #tpu.memory_space<vmem>> -> memref<1x128x128xf32, #tpu.memory_space<vmem>>
      %dma_wait3A_66 = tpu.memref_squeeze %dma_wait3A_65 : memref<1x128x128xf32, #tpu.memory_space<vmem>> -> memref<128x128xf32, #tpu.memory_space<vmem>>
      tpu.wait_dma2 semaphore(%arg11 : memref<!tpu.dma_semaphore, #tpu.memory_space<semaphore_mem>>) src(%dma_wait3A_66 : memref<128x128xf32, #tpu.memory_space<vmem>>) dst(%dma_wait3A_62 : memref<128x128xf32, #tpu.memory_space<hbm>>)
      %dma_wait3A_67 = arith.constant 1 : i32
      %dma_wait3A_68 = arith.constant 0 : i32
      %dma_wait3A_69 = arith.constant 0 : i32
      %dma_wait3A_70 = tpu.memref_slice %arg6[%dma_wait3A_67, %dma_wait3A_68, %dma_wait3A_69] : memref<4x128x128xf32, #tpu.memory_space<vmem>> -> memref<1x128x128xf32, #tpu.memory_space<vmem>>
      %dma_wait3A_71 = tpu.memref_squeeze %dma_wait3A_70 : memref<1x128x128xf32, #tpu.memory_space<vmem>> -> memref<128x128xf32, #tpu.memory_space<vmem>>
      %dma_wait3A_72 = arith.constant 0 : i32
      %dma_wait3A_73 = arith.constant 0 : i32
      %dma_wait3A_74 = tpu.memref_slice %arg4[%dma_wait3A_72, %dma_wait3A_73] : memref<163840x128xf32, #tpu.memory_space<hbm>> -> memref<128x128xf32, #tpu.memory_space<hbm>>
      %dma_wait3A_75 = arith.constant 0 : i32
      %dma_wait3A_76 = arith.constant 0 : i32
      %dma_wait3A_77 = tpu.memref_slice %arg4[%dma_wait3A_75, %dma_wait3A_76] : memref<163840x128xf32, #tpu.memory_space<hbm>> -> memref<128x128xf32, #tpu.memory_space<hbm>>
      %dma_wait3A_78 = arith.constant 0 : i32
      %dma_wait3A_79 = arith.constant 0 : i32
      %dma_wait3A_80 = tpu.memref_slice %arg6[%dma_wait3A_67, %dma_wait3A_78, %dma_wait3A_79] : memref<4x128x128xf32, #tpu.memory_space<vmem>> -> memref<1x128x128xf32, #tpu.memory_space<vmem>>
      %dma_wait3A_81 = tpu.memref_squeeze %dma_wait3A_80 : memref<1x128x128xf32, #tpu.memory_space<vmem>> -> memref<128x128xf32, #tpu.memory_space<vmem>>
      tpu.wait_dma2 semaphore(%arg12 : memref<!tpu.dma_semaphore, #tpu.memory_space<semaphore_mem>>) src(%dma_wait3A_81 : memref<128x128xf32, #tpu.memory_space<vmem>>) dst(%dma_wait3A_77 : memref<128x128xf32, #tpu.memory_space<hbm>>)
      %dma_wait3A_82 = arith.constant 2 : i32
      %dma_wait3A_83 = arith.constant 0 : i32
      %dma_wait3A_84 = arith.constant 0 : i32
      %dma_wait3A_85 = tpu.memref_slice %arg6[%dma_wait3A_82, %dma_wait3A_83, %dma_wait3A_84] : memref<4x128x128xf32, #tpu.memory_space<vmem>> -> memref<1x128x128xf32, #tpu.memory_space<vmem>>
      %dma_wait3A_86 = tpu.memref_squeeze %dma_wait3A_85 : memref<1x128x128xf32, #tpu.memory_space<vmem>> -> memref<128x128xf32, #tpu.memory_space<vmem>>
      %dma_wait3A_87 = arith.constant 0 : i32
      %dma_wait3A_88 = arith.constant 0 : i32
      %dma_wait3A_89 = tpu.memref_slice %arg4[%dma_wait3A_87, %dma_wait3A_88] : memref<163840x128xf32, #tpu.memory_space<hbm>> -> memref<128x128xf32, #tpu.memory_space<hbm>>
      %dma_wait3A_90 = arith.constant 0 : i32
      %dma_wait3A_91 = arith.constant 0 : i32
      %dma_wait3A_92 = tpu.memref_slice %arg4[%dma_wait3A_90, %dma_wait3A_91] : memref<163840x128xf32, #tpu.memory_space<hbm>> -> memref<128x128xf32, #tpu.memory_space<hbm>>
      %dma_wait3A_93 = arith.constant 0 : i32
      %dma_wait3A_94 = arith.constant 0 : i32
      %dma_wait3A_95 = tpu.memref_slice %arg6[%dma_wait3A_82, %dma_wait3A_93, %dma_wait3A_94] : memref<4x128x128xf32, #tpu.memory_space<vmem>> -> memref<1x128x128xf32, #tpu.memory_space<vmem>>
      %dma_wait3A_96 = tpu.memref_squeeze %dma_wait3A_95 : memref<1x128x128xf32, #tpu.memory_space<vmem>> -> memref<128x128xf32, #tpu.memory_space<vmem>>
      tpu.wait_dma2 semaphore(%arg13 : memref<!tpu.dma_semaphore, #tpu.memory_space<semaphore_mem>>) src(%dma_wait3A_96 : memref<128x128xf32, #tpu.memory_space<vmem>>) dst(%dma_wait3A_92 : memref<128x128xf32, #tpu.memory_space<hbm>>)
      %dma_wait3A_97 = arith.constant 3 : i32
      %dma_wait3A_98 = arith.constant 0 : i32
      %dma_wait3A_99 = arith.constant 0 : i32
      %dma_wait3A_100 = tpu.memref_slice %arg6[%dma_wait3A_97, %dma_wait3A_98, %dma_wait3A_99] : memref<4x128x128xf32, #tpu.memory_space<vmem>> -> memref<1x128x128xf32, #tpu.memory_space<vmem>>
      %dma_wait3A_101 = tpu.memref_squeeze %dma_wait3A_100 : memref<1x128x128xf32, #tpu.memory_space<vmem>> -> memref<128x128xf32, #tpu.memory_space<vmem>>
      %dma_wait3A_102 = arith.constant 0 : i32
      %dma_wait3A_103 = arith.constant 0 : i32
      %dma_wait3A_104 = tpu.memref_slice %arg4[%dma_wait3A_102, %dma_wait3A_103] : memref<163840x128xf32, #tpu.memory_space<hbm>> -> memref<128x128xf32, #tpu.memory_space<hbm>>
      %dma_wait3A_105 = arith.constant 0 : i32
      %dma_wait3A_106 = arith.constant 0 : i32
      %dma_wait3A_107 = tpu.memref_slice %arg4[%dma_wait3A_105, %dma_wait3A_106] : memref<163840x128xf32, #tpu.memory_space<hbm>> -> memref<128x128xf32, #tpu.memory_space<hbm>>
      %dma_wait3A_108 = arith.constant 0 : i32
      %dma_wait3A_109 = arith.constant 0 : i32
      %dma_wait3A_110 = tpu.memref_slice %arg6[%dma_wait3A_97, %dma_wait3A_108, %dma_wait3A_109] : memref<4x128x128xf32, #tpu.memory_space<vmem>> -> memref<1x128x128xf32, #tpu.memory_space<vmem>>
      %dma_wait3A_111 = tpu.memref_squeeze %dma_wait3A_110 : memref<1x128x128xf32, #tpu.memory_space<vmem>> -> memref<128x128xf32, #tpu.memory_space<vmem>>
      tpu.wait_dma2 semaphore(%arg14 : memref<!tpu.dma_semaphore, #tpu.memory_space<semaphore_mem>>) src(%dma_wait3A_111 : memref<128x128xf32, #tpu.memory_space<vmem>>) dst(%dma_wait3A_107 : memref<128x128xf32, #tpu.memory_space<hbm>>)
    } else {
    }
    return
  }
}

#map = affine_map<(d0, d1) -> (0, 0)>
module attributes {stable_mosaic.version = 14 : i64} {
  func.func @k(%arg0: i32, %arg1: i32, %arg2: memref<10000x128xf32, #tpu.memory_space<hbm>>, %arg3: memref<2560x128xi32, #tpu.memory_space<hbm>>, %arg4: memref<156160x128xf32, #tpu.memory_space<hbm>>, %arg5: memref<40x128xi32, #tpu.memory_space<vmem>>, %arg6: memref<4x128x128xf32, #tpu.memory_space<vmem>>, %arg7: memref<!tpu.dma_semaphore, #tpu.memory_space<semaphore_mem>>, %arg8: memref<!tpu.dma_semaphore, #tpu.memory_space<semaphore_mem>>, %arg9: memref<!tpu.dma_semaphore, #tpu.memory_space<semaphore_mem>>, %arg10: memref<!tpu.dma_semaphore, #tpu.memory_space<semaphore_mem>>, %arg11: memref<!tpu.dma_semaphore, #tpu.memory_space<semaphore_mem>>, %arg12: memref<!tpu.dma_semaphore, #tpu.memory_space<semaphore_mem>>, %arg13: memref<!tpu.dma_semaphore, #tpu.memory_space<semaphore_mem>>, %arg14: memref<!tpu.dma_semaphore, #tpu.memory_space<semaphore_mem>>) attributes {dimension_semantics = [#tpu.dimension_semantics<core_parallel>, #tpu.dimension_semantics<subcore_parallel>], iteration_bounds = array<i64: 2, 16>, scalar_prefetch = 0 : i64, scratch_operands = 10 : i64, tpu.core_type = #tpu.core_type<sc_vector_subcore>, window_params = [{transform_indices = #map}, {transform_indices = #map}, {transform_indices = #map}]} {
    %mul3A = arith.constant 2 : i32
    %mul3A_0 = arith.muli %arg1, %mul3A : i32
    %add3A = arith.addi %mul3A_0, %arg0 : i32
    %mul3A_1 = arith.constant 40 : i32
    %mul3A_2 = arith.muli %mul3A_1, %add3A : i32
    %add3A_3 = arith.constant 1280 : i32
    %add3A_4 = arith.addi %add3A_3, %mul3A_2 : i32
    %sub3A = arith.constant 2500 : i32
    %sub3A_5 = arith.subi %sub3A, %add3A_4 : i32
    %jit3A = arith.constant 0 : i32
    %jit3A_6 = arith.constant 40 : i32
    %max3A = arith.maxsi %jit3A, %sub3A_5 : i32
    %min3A = arith.minsi %jit3A_6, %max3A : i32
    %mul3A_7 = arith.constant 40 : i32
    %mul3A_8 = arith.muli %mul3A_7, %add3A : i32
    %mul3A_9 = arith.constant 128 : i32
    %mul3A_10 = arith.muli %mul3A_8, %mul3A_9 : i32
    "tpu.region"() ({
      %run_scoped3A = tpu.sem_alloc : memref<!tpu.dma_semaphore, #tpu.memory_space<semaphore_mem>>
      %dma_start3A = arith.constant 0 : i32
      %dma_start3A_13 = tpu.memref_slice %arg3[%add3A_4, %dma_start3A] : memref<2560x128xi32, #tpu.memory_space<hbm>> -> memref<40x128xi32, #tpu.memory_space<hbm>>
      %dma_start3A_14 = arith.constant 0 : i32
      %dma_start3A_15 = tpu.memref_slice %arg3[%add3A_4, %dma_start3A_14] : memref<2560x128xi32, #tpu.memory_space<hbm>> -> memref<40x128xi32, #tpu.memory_space<hbm>>
      tpu.enqueue_dma source(%dma_start3A_15 : memref<40x128xi32, #tpu.memory_space<hbm>>) target(%arg5 : memref<40x128xi32, #tpu.memory_space<vmem>>) target_semaphore(%run_scoped3A : memref<!tpu.dma_semaphore, #tpu.memory_space<semaphore_mem>>)
      %dma_wait3A = arith.constant 0 : i32
      %dma_wait3A_16 = tpu.memref_slice %arg3[%add3A_4, %dma_wait3A] : memref<2560x128xi32, #tpu.memory_space<hbm>> -> memref<40x128xi32, #tpu.memory_space<hbm>>
      %dma_wait3A_17 = arith.constant 0 : i32
      %dma_wait3A_18 = tpu.memref_slice %arg3[%add3A_4, %dma_wait3A_17] : memref<2560x128xi32, #tpu.memory_space<hbm>> -> memref<40x128xi32, #tpu.memory_space<hbm>>
      tpu.wait_dma2 semaphore(%run_scoped3A : memref<!tpu.dma_semaphore, #tpu.memory_space<semaphore_mem>>) src(%dma_wait3A_18 : memref<40x128xi32, #tpu.memory_space<hbm>>) dst(%arg5 : memref<40x128xi32, #tpu.memory_space<vmem>>)
      tpu.yield
    }) : () -> ()
    %gt3A = arith.constant 0 : i32
    %gt3A_11 = arith.cmpi sgt, %min3A, %gt3A : i32
    %convert_element_type3A = arith.extui %gt3A_11 : i1 to i32
    %cond3A = arith.constant 0 : i32
    %cond3A_12 = arith.cmpi ne, %convert_element_type3A, %cond3A : i32
    scf.if %cond3A_12 {
      %dma_start3A = arith.constant 0 : i32
      %dma_start3A_13 = arith.constant 0 : i32
      %dma_start3A_14 = arith.constant 0 : i32
      %dma_start3A_15 = arith.constant 0 : i32
      %dma_start3A_16 = tpu.memref_slice %arg6[%dma_start3A_13, %dma_start3A_14, %dma_start3A_15] : memref<4x128x128xf32, #tpu.memory_space<vmem>> -> memref<1x128x128xf32, #tpu.memory_space<vmem>>
      %dma_start3A_17 = tpu.memref_squeeze %dma_start3A_16 : memref<1x128x128xf32, #tpu.memory_space<vmem>> -> memref<128x128xf32, #tpu.memory_space<vmem>>
      %dma_start3A_18 = arith.constant 0 : i32
      %dma_start3A_19 = tpu.memref_slice %arg5[%dma_start3A, %dma_start3A_18] : memref<40x128xi32, #tpu.memory_space<vmem>> -> memref<1x128xi32, #tpu.memory_space<vmem>>
      %dma_start3A_20 = tpu.memref_squeeze %dma_start3A_19 : memref<1x128xi32, #tpu.memory_space<vmem>> -> memref<128xi32, #tpu.memory_space<vmem>>
      %dma_start3A_21 = arith.constant 0 : i32
      %dma_start3A_22 = arith.constant 0 : i32
      %dma_start3A_23 = tpu.memref_slice %arg2[%dma_start3A_21, %dma_start3A_22] : memref<10000x128xf32, #tpu.memory_space<hbm>> -> memref<10000x128xf32, #tpu.memory_space<hbm>>
      tpu.enqueue_indirect_dma source(%dma_start3A_23 : memref<10000x128xf32, #tpu.memory_space<hbm>>) target(%dma_start3A_17 : memref<128x128xf32, #tpu.memory_space<vmem>>) offsets(%dma_start3A_20 : memref<128xi32, #tpu.memory_space<vmem>>) semaphore(%arg7 : memref<!tpu.dma_semaphore, #tpu.memory_space<semaphore_mem>>)
      %dma_start3A_24 = arith.constant 1 : i32
      %dma_start3A_25 = arith.constant 1 : i32
      %dma_start3A_26 = arith.constant 0 : i32
      %dma_start3A_27 = arith.constant 0 : i32
      %dma_start3A_28 = tpu.memref_slice %arg6[%dma_start3A_25, %dma_start3A_26, %dma_start3A_27] : memref<4x128x128xf32, #tpu.memory_space<vmem>> -> memref<1x128x128xf32, #tpu.memory_space<vmem>>
      %dma_start3A_29 = tpu.memref_squeeze %dma_start3A_28 : memref<1x128x128xf32, #tpu.memory_space<vmem>> -> memref<128x128xf32, #tpu.memory_space<vmem>>
      %dma_start3A_30 = arith.constant 0 : i32
      %dma_start3A_31 = tpu.memref_slice %arg5[%dma_start3A_24, %dma_start3A_30] : memref<40x128xi32, #tpu.memory_space<vmem>> -> memref<1x128xi32, #tpu.memory_space<vmem>>
      %dma_start3A_32 = tpu.memref_squeeze %dma_start3A_31 : memref<1x128xi32, #tpu.memory_space<vmem>> -> memref<128xi32, #tpu.memory_space<vmem>>
      %dma_start3A_33 = arith.constant 0 : i32
      %dma_start3A_34 = arith.constant 0 : i32
      %dma_start3A_35 = tpu.memref_slice %arg2[%dma_start3A_33, %dma_start3A_34] : memref<10000x128xf32, #tpu.memory_space<hbm>> -> memref<10000x128xf32, #tpu.memory_space<hbm>>
      tpu.enqueue_indirect_dma source(%dma_start3A_35 : memref<10000x128xf32, #tpu.memory_space<hbm>>) target(%dma_start3A_29 : memref<128x128xf32, #tpu.memory_space<vmem>>) offsets(%dma_start3A_32 : memref<128xi32, #tpu.memory_space<vmem>>) semaphore(%arg8 : memref<!tpu.dma_semaphore, #tpu.memory_space<semaphore_mem>>)
      %dma_start3A_36 = arith.constant 2 : i32
      %dma_start3A_37 = arith.constant 2 : i32
      %dma_start3A_38 = arith.constant 0 : i32
      %dma_start3A_39 = arith.constant 0 : i32
      %dma_start3A_40 = tpu.memref_slice %arg6[%dma_start3A_37, %dma_start3A_38, %dma_start3A_39] : memref<4x128x128xf32, #tpu.memory_space<vmem>> -> memref<1x128x128xf32, #tpu.memory_space<vmem>>
      %dma_start3A_41 = tpu.memref_squeeze %dma_start3A_40 : memref<1x128x128xf32, #tpu.memory_space<vmem>> -> memref<128x128xf32, #tpu.memory_space<vmem>>
      %dma_start3A_42 = arith.constant 0 : i32
      %dma_start3A_43 = tpu.memref_slice %arg5[%dma_start3A_36, %dma_start3A_42] : memref<40x128xi32, #tpu.memory_space<vmem>> -> memref<1x128xi32, #tpu.memory_space<vmem>>
      %dma_start3A_44 = tpu.memref_squeeze %dma_start3A_43 : memref<1x128xi32, #tpu.memory_space<vmem>> -> memref<128xi32, #tpu.memory_space<vmem>>
      %dma_start3A_45 = arith.constant 0 : i32
      %dma_start3A_46 = arith.constant 0 : i32
      %dma_start3A_47 = tpu.memref_slice %arg2[%dma_start3A_45, %dma_start3A_46] : memref<10000x128xf32, #tpu.memory_space<hbm>> -> memref<10000x128xf32, #tpu.memory_space<hbm>>
      tpu.enqueue_indirect_dma source(%dma_start3A_47 : memref<10000x128xf32, #tpu.memory_space<hbm>>) target(%dma_start3A_41 : memref<128x128xf32, #tpu.memory_space<vmem>>) offsets(%dma_start3A_44 : memref<128xi32, #tpu.memory_space<vmem>>) semaphore(%arg9 : memref<!tpu.dma_semaphore, #tpu.memory_space<semaphore_mem>>)
      %scan3A = arith.constant 0 : i32
      %scan3A_48 = arith.constant 0 : i32
      %scan3A_49 = arith.constant 10 : i32
      %scan3A_50 = arith.addi %scan3A_48, %scan3A_49 : i32
      %scan3A_51 = arith.constant 1 : i32
      scf.for %scan3A_112 = %scan3A_48 to %scan3A_50 step %scan3A_51  : i32 {
        %mul3A_113 = arith.constant 4 : i32
        %mul3A_114 = arith.muli %scan3A_112, %mul3A_113 : i32
        %add3A_115 = arith.constant 0 : i32
        %add3A_116 = arith.addi %mul3A_114, %add3A_115 : i32
        %lt3A = arith.cmpi slt, %add3A_116, %min3A : i32
        %convert_element_type3A_117 = arith.extui %lt3A : i1 to i32
        %cond3A_118 = arith.constant 0 : i32
        %cond3A_119 = arith.cmpi ne, %convert_element_type3A_117, %cond3A_118 : i32
        scf.if %cond3A_119 {
          %dma_wait3A_144 = arith.constant 0 : i32
          %dma_wait3A_145 = arith.constant 0 : i32
          %dma_wait3A_146 = arith.constant 0 : i32
          %dma_wait3A_147 = arith.constant 0 : i32
          %dma_wait3A_148 = tpu.memref_slice %arg6[%dma_wait3A_145, %dma_wait3A_146, %dma_wait3A_147] : memref<4x128x128xf32, #tpu.memory_space<vmem>> -> memref<1x128x128xf32, #tpu.memory_space<vmem>>
          %dma_wait3A_149 = tpu.memref_squeeze %dma_wait3A_148 : memref<1x128x128xf32, #tpu.memory_space<vmem>> -> memref<128x128xf32, #tpu.memory_space<vmem>>
          %dma_wait3A_150 = arith.constant 0 : i32
          %dma_wait3A_151 = tpu.memref_slice %arg5[%dma_wait3A_144, %dma_wait3A_150] : memref<40x128xi32, #tpu.memory_space<vmem>> -> memref<1x128xi32, #tpu.memory_space<vmem>>
          %dma_wait3A_152 = tpu.memref_squeeze %dma_wait3A_151 : memref<1x128xi32, #tpu.memory_space<vmem>> -> memref<128xi32, #tpu.memory_space<vmem>>
          %dma_wait3A_153 = arith.constant 0 : i32
          %dma_wait3A_154 = arith.constant 0 : i32
          %dma_wait3A_155 = tpu.memref_slice %arg2[%dma_wait3A_153, %dma_wait3A_154] : memref<10000x128xf32, #tpu.memory_space<hbm>> -> memref<10000x128xf32, #tpu.memory_space<hbm>>
          tpu.wait_indirect_dma semaphore(%arg7 : memref<!tpu.dma_semaphore, #tpu.memory_space<semaphore_mem>>) src(%dma_wait3A_155 : memref<10000x128xf32, #tpu.memory_space<hbm>>) dst(%dma_wait3A_149 : memref<128x128xf32, #tpu.memory_space<vmem>>)
          %add3A_156 = arith.constant 3 : i32
          %add3A_157 = arith.addi %add3A_116, %add3A_156 : i32
          %lt3A_158 = arith.cmpi slt, %add3A_157, %min3A : i32
          %convert_element_type3A_159 = arith.extui %lt3A_158 : i1 to i32
          %cond3A_160 = arith.constant 0 : i32
          %cond3A_161 = arith.cmpi ne, %convert_element_type3A_159, %cond3A_160 : i32
          scf.if %cond3A_161 {
            %ge3A = arith.constant 1 : i32
            %ge3A_178 = arith.cmpi sge, %add3A_116, %ge3A : i32
            %convert_element_type3A_179 = arith.extui %ge3A_178 : i1 to i32
            %cond3A_180 = arith.constant 0 : i32
            %cond3A_181 = arith.cmpi ne, %convert_element_type3A_179, %cond3A_180 : i32
            scf.if %cond3A_181 {
              %dma_wait3A_195 = arith.constant 3 : i32
              %dma_wait3A_196 = arith.constant 0 : i32
              %dma_wait3A_197 = arith.constant 0 : i32
              %dma_wait3A_198 = tpu.memref_slice %arg6[%dma_wait3A_195, %dma_wait3A_196, %dma_wait3A_197] : memref<4x128x128xf32, #tpu.memory_space<vmem>> -> memref<1x128x128xf32, #tpu.memory_space<vmem>>
              %dma_wait3A_199 = tpu.memref_squeeze %dma_wait3A_198 : memref<1x128x128xf32, #tpu.memory_space<vmem>> -> memref<128x128xf32, #tpu.memory_space<vmem>>
              %dma_wait3A_200 = arith.constant 0 : i32
              %dma_wait3A_201 = arith.constant 0 : i32
              %dma_wait3A_202 = tpu.memref_slice %arg4[%dma_wait3A_200, %dma_wait3A_201] : memref<156160x128xf32, #tpu.memory_space<hbm>> -> memref<128x128xf32, #tpu.memory_space<hbm>>
              %dma_wait3A_203 = arith.constant 0 : i32
              %dma_wait3A_204 = arith.constant 0 : i32
              %dma_wait3A_205 = tpu.memref_slice %arg4[%dma_wait3A_203, %dma_wait3A_204] : memref<156160x128xf32, #tpu.memory_space<hbm>> -> memref<128x128xf32, #tpu.memory_space<hbm>>
              %dma_wait3A_206 = arith.constant 0 : i32
              %dma_wait3A_207 = arith.constant 0 : i32
              %dma_wait3A_208 = tpu.memref_slice %arg6[%dma_wait3A_195, %dma_wait3A_206, %dma_wait3A_207] : memref<4x128x128xf32, #tpu.memory_space<vmem>> -> memref<1x128x128xf32, #tpu.memory_space<vmem>>
              %dma_wait3A_209 = tpu.memref_squeeze %dma_wait3A_208 : memref<1x128x128xf32, #tpu.memory_space<vmem>> -> memref<128x128xf32, #tpu.memory_space<vmem>>
              tpu.wait_dma2 semaphore(%arg14 : memref<!tpu.dma_semaphore, #tpu.memory_space<semaphore_mem>>) src(%dma_wait3A_209 : memref<128x128xf32, #tpu.memory_space<vmem>>) dst(%dma_wait3A_205 : memref<128x128xf32, #tpu.memory_space<hbm>>)
            } else {
            }
            %add3A_182 = arith.constant 3 : i32
            %add3A_183 = arith.addi %add3A_116, %add3A_182 : i32
            %dma_start3A_184 = arith.constant 3 : i32
            %dma_start3A_185 = arith.constant 0 : i32
            %dma_start3A_186 = arith.constant 0 : i32
            %dma_start3A_187 = tpu.memref_slice %arg6[%dma_start3A_184, %dma_start3A_185, %dma_start3A_186] : memref<4x128x128xf32, #tpu.memory_space<vmem>> -> memref<1x128x128xf32, #tpu.memory_space<vmem>>
            %dma_start3A_188 = tpu.memref_squeeze %dma_start3A_187 : memref<1x128x128xf32, #tpu.memory_space<vmem>> -> memref<128x128xf32, #tpu.memory_space<vmem>>
            %dma_start3A_189 = arith.constant 0 : i32
            %dma_start3A_190 = tpu.memref_slice %arg5[%add3A_183, %dma_start3A_189] : memref<40x128xi32, #tpu.memory_space<vmem>> -> memref<1x128xi32, #tpu.memory_space<vmem>>
            %dma_start3A_191 = tpu.memref_squeeze %dma_start3A_190 : memref<1x128xi32, #tpu.memory_space<vmem>> -> memref<128xi32, #tpu.memory_space<vmem>>
            %dma_start3A_192 = arith.constant 0 : i32
            %dma_start3A_193 = arith.constant 0 : i32
            %dma_start3A_194 = tpu.memref_slice %arg2[%dma_start3A_192, %dma_start3A_193] : memref<10000x128xf32, #tpu.memory_space<hbm>> -> memref<10000x128xf32, #tpu.memory_space<hbm>>
            tpu.enqueue_indirect_dma source(%dma_start3A_194 : memref<10000x128xf32, #tpu.memory_space<hbm>>) target(%dma_start3A_188 : memref<128x128xf32, #tpu.memory_space<vmem>>) offsets(%dma_start3A_191 : memref<128xi32, #tpu.memory_space<vmem>>) semaphore(%arg10 : memref<!tpu.dma_semaphore, #tpu.memory_space<semaphore_mem>>)
          } else {
          }
          %mul3A_162 = arith.constant 128 : i32
          %mul3A_163 = arith.muli %add3A_116, %mul3A_162 : i32
          %add3A_164 = arith.addi %mul3A_10, %mul3A_163 : i32
          %dma_start3A_165 = arith.constant 0 : i32
          %dma_start3A_166 = arith.constant 0 : i32
          %dma_start3A_167 = arith.constant 0 : i32
          %dma_start3A_168 = tpu.memref_slice %arg6[%dma_start3A_165, %dma_start3A_166, %dma_start3A_167] : memref<4x128x128xf32, #tpu.memory_space<vmem>> -> memref<1x128x128xf32, #tpu.memory_space<vmem>>
          %dma_start3A_169 = tpu.memref_squeeze %dma_start3A_168 : memref<1x128x128xf32, #tpu.memory_space<vmem>> -> memref<128x128xf32, #tpu.memory_space<vmem>>
          %dma_start3A_170 = arith.constant 0 : i32
          %dma_start3A_171 = tpu.memref_slice %arg4[%add3A_164, %dma_start3A_170] : memref<156160x128xf32, #tpu.memory_space<hbm>> -> memref<128x128xf32, #tpu.memory_space<hbm>>
          %dma_start3A_172 = arith.constant 0 : i32
          %dma_start3A_173 = tpu.memref_slice %arg4[%add3A_164, %dma_start3A_172] : memref<156160x128xf32, #tpu.memory_space<hbm>> -> memref<128x128xf32, #tpu.memory_space<hbm>>
          %dma_start3A_174 = arith.constant 0 : i32
          %dma_start3A_175 = arith.constant 0 : i32
          %dma_start3A_176 = tpu.memref_slice %arg6[%dma_start3A_165, %dma_start3A_174, %dma_start3A_175] : memref<4x128x128xf32, #tpu.memory_space<vmem>> -> memref<1x128x128xf32, #tpu.memory_space<vmem>>
          %dma_start3A_177 = tpu.memref_squeeze %dma_start3A_176 : memref<1x128x128xf32, #tpu.memory_space<vmem>> -> memref<128x128xf32, #tpu.memory_space<vmem>>
          tpu.enqueue_dma source(%dma_start3A_177 : memref<128x128xf32, #tpu.memory_space<vmem>>) target(%dma_start3A_173 : memref<128x128xf32, #tpu.memory_space<hbm>>) target_semaphore(%arg11 : memref<!tpu.dma_semaphore, #tpu.memory_space<semaphore_mem>>)
        } else {
        }
        %mul3A_120 = arith.constant 4 : i32
        %mul3A_121 = arith.muli %scan3A_112, %mul3A_120 : i32
        %add3A_122 = arith.constant 1 : i32
        %add3A_123 = arith.addi %mul3A_121, %add3A_122 : i32
        %lt3A_124 = arith.cmpi slt, %add3A_123, %min3A : i32
        %convert_element_type3A_125 = arith.extui %lt3A_124 : i1 to i32
        %cond3A_126 = arith.constant 0 : i32
        %cond3A_127 = arith.cmpi ne, %convert_element_type3A_125, %cond3A_126 : i32
        scf.if %cond3A_127 {
          %dma_wait3A_144 = arith.constant 0 : i32
          %dma_wait3A_145 = arith.constant 1 : i32
          %dma_wait3A_146 = arith.constant 0 : i32
          %dma_wait3A_147 = arith.constant 0 : i32
          %dma_wait3A_148 = tpu.memref_slice %arg6[%dma_wait3A_145, %dma_wait3A_146, %dma_wait3A_147] : memref<4x128x128xf32, #tpu.memory_space<vmem>> -> memref<1x128x128xf32, #tpu.memory_space<vmem>>
          %dma_wait3A_149 = tpu.memref_squeeze %dma_wait3A_148 : memref<1x128x128xf32, #tpu.memory_space<vmem>> -> memref<128x128xf32, #tpu.memory_space<vmem>>
          %dma_wait3A_150 = arith.constant 0 : i32
          %dma_wait3A_151 = tpu.memref_slice %arg5[%dma_wait3A_144, %dma_wait3A_150] : memref<40x128xi32, #tpu.memory_space<vmem>> -> memref<1x128xi32, #tpu.memory_space<vmem>>
          %dma_wait3A_152 = tpu.memref_squeeze %dma_wait3A_151 : memref<1x128xi32, #tpu.memory_space<vmem>> -> memref<128xi32, #tpu.memory_space<vmem>>
          %dma_wait3A_153 = arith.constant 0 : i32
          %dma_wait3A_154 = arith.constant 0 : i32
          %dma_wait3A_155 = tpu.memref_slice %arg2[%dma_wait3A_153, %dma_wait3A_154] : memref<10000x128xf32, #tpu.memory_space<hbm>> -> memref<10000x128xf32, #tpu.memory_space<hbm>>
          tpu.wait_indirect_dma semaphore(%arg8 : memref<!tpu.dma_semaphore, #tpu.memory_space<semaphore_mem>>) src(%dma_wait3A_155 : memref<10000x128xf32, #tpu.memory_space<hbm>>) dst(%dma_wait3A_149 : memref<128x128xf32, #tpu.memory_space<vmem>>)
          %add3A_156 = arith.constant 3 : i32
          %add3A_157 = arith.addi %add3A_123, %add3A_156 : i32
          %lt3A_158 = arith.cmpi slt, %add3A_157, %min3A : i32
          %convert_element_type3A_159 = arith.extui %lt3A_158 : i1 to i32
          %cond3A_160 = arith.constant 0 : i32
          %cond3A_161 = arith.cmpi ne, %convert_element_type3A_159, %cond3A_160 : i32
          scf.if %cond3A_161 {
            %ge3A = arith.constant 1 : i32
            %ge3A_178 = arith.cmpi sge, %add3A_123, %ge3A : i32
            %convert_element_type3A_179 = arith.extui %ge3A_178 : i1 to i32
            %cond3A_180 = arith.constant 0 : i32
            %cond3A_181 = arith.cmpi ne, %convert_element_type3A_179, %cond3A_180 : i32
            scf.if %cond3A_181 {
              %dma_wait3A_195 = arith.constant 0 : i32
              %dma_wait3A_196 = arith.constant 0 : i32
              %dma_wait3A_197 = arith.constant 0 : i32
              %dma_wait3A_198 = tpu.memref_slice %arg6[%dma_wait3A_195, %dma_wait3A_196, %dma_wait3A_197] : memref<4x128x128xf32, #tpu.memory_space<vmem>> -> memref<1x128x128xf32, #tpu.memory_space<vmem>>
              %dma_wait3A_199 = tpu.memref_squeeze %dma_wait3A_198 : memref<1x128x128xf32, #tpu.memory_space<vmem>> -> memref<128x128xf32, #tpu.memory_space<vmem>>
              %dma_wait3A_200 = arith.constant 0 : i32
              %dma_wait3A_201 = arith.constant 0 : i32
              %dma_wait3A_202 = tpu.memref_slice %arg4[%dma_wait3A_200, %dma_wait3A_201] : memref<156160x128xf32, #tpu.memory_space<hbm>> -> memref<128x128xf32, #tpu.memory_space<hbm>>
              %dma_wait3A_203 = arith.constant 0 : i32
              %dma_wait3A_204 = arith.constant 0 : i32
              %dma_wait3A_205 = tpu.memref_slice %arg4[%dma_wait3A_203, %dma_wait3A_204] : memref<156160x128xf32, #tpu.memory_space<hbm>> -> memref<128x128xf32, #tpu.memory_space<hbm>>
              %dma_wait3A_206 = arith.constant 0 : i32
              %dma_wait3A_207 = arith.constant 0 : i32
              %dma_wait3A_208 = tpu.memref_slice %arg6[%dma_wait3A_195, %dma_wait3A_206, %dma_wait3A_207] : memref<4x128x128xf32, #tpu.memory_space<vmem>> -> memref<1x128x128xf32, #tpu.memory_space<vmem>>
              %dma_wait3A_209 = tpu.memref_squeeze %dma_wait3A_208 : memref<1x128x128xf32, #tpu.memory_space<vmem>> -> memref<128x128xf32, #tpu.memory_space<vmem>>
              tpu.wait_dma2 semaphore(%arg11 : memref<!tpu.dma_semaphore, #tpu.memory_space<semaphore_mem>>) src(%dma_wait3A_209 : memref<128x128xf32, #tpu.memory_space<vmem>>) dst(%dma_wait3A_205 : memref<128x128xf32, #tpu.memory_space<hbm>>)
            } else {
            }
            %add3A_182 = arith.constant 3 : i32
            %add3A_183 = arith.addi %add3A_123, %add3A_182 : i32
            %dma_start3A_184 = arith.constant 0 : i32
            %dma_start3A_185 = arith.constant 0 : i32
            %dma_start3A_186 = arith.constant 0 : i32
            %dma_start3A_187 = tpu.memref_slice %arg6[%dma_start3A_184, %dma_start3A_185, %dma_start3A_186] : memref<4x128x128xf32, #tpu.memory_space<vmem>> -> memref<1x128x128xf32, #tpu.memory_space<vmem>>
            %dma_start3A_188 = tpu.memref_squeeze %dma_start3A_187 : memref<1x128x128xf32, #tpu.memory_space<vmem>> -> memref<128x128xf32, #tpu.memory_space<vmem>>
            %dma_start3A_189 = arith.constant 0 : i32
            %dma_start3A_190 = tpu.memref_slice %arg5[%add3A_183, %dma_start3A_189] : memref<40x128xi32, #tpu.memory_space<vmem>> -> memref<1x128xi32, #tpu.memory_space<vmem>>
            %dma_start3A_191 = tpu.memref_squeeze %dma_start3A_190 : memref<1x128xi32, #tpu.memory_space<vmem>> -> memref<128xi32, #tpu.memory_space<vmem>>
            %dma_start3A_192 = arith.constant 0 : i32
            %dma_start3A_193 = arith.constant 0 : i32
            %dma_start3A_194 = tpu.memref_slice %arg2[%dma_start3A_192, %dma_start3A_193] : memref<10000x128xf32, #tpu.memory_space<hbm>> -> memref<10000x128xf32, #tpu.memory_space<hbm>>
            tpu.enqueue_indirect_dma source(%dma_start3A_194 : memref<10000x128xf32, #tpu.memory_space<hbm>>) target(%dma_start3A_188 : memref<128x128xf32, #tpu.memory_space<vmem>>) offsets(%dma_start3A_191 : memref<128xi32, #tpu.memory_space<vmem>>) semaphore(%arg7 : memref<!tpu.dma_semaphore, #tpu.memory_space<semaphore_mem>>)
          } else {
          }
          %mul3A_162 = arith.constant 128 : i32
          %mul3A_163 = arith.muli %add3A_123, %mul3A_162 : i32
          %add3A_164 = arith.addi %mul3A_10, %mul3A_163 : i32
          %dma_start3A_165 = arith.constant 1 : i32
          %dma_start3A_166 = arith.constant 0 : i32
          %dma_start3A_167 = arith.constant 0 : i32
          %dma_start3A_168 = tpu.memref_slice %arg6[%dma_start3A_165, %dma_start3A_166, %dma_start3A_167] : memref<4x128x128xf32, #tpu.memory_space<vmem>> -> memref<1x128x128xf32, #tpu.memory_space<vmem>>
          %dma_start3A_169 = tpu.memref_squeeze %dma_start3A_168 : memref<1x128x128xf32, #tpu.memory_space<vmem>> -> memref<128x128xf32, #tpu.memory_space<vmem>>
          %dma_start3A_170 = arith.constant 0 : i32
          %dma_start3A_171 = tpu.memref_slice %arg4[%add3A_164, %dma_start3A_170] : memref<156160x128xf32, #tpu.memory_space<hbm>> -> memref<128x128xf32, #tpu.memory_space<hbm>>
          %dma_start3A_172 = arith.constant 0 : i32
          %dma_start3A_173 = tpu.memref_slice %arg4[%add3A_164, %dma_start3A_172] : memref<156160x128xf32, #tpu.memory_space<hbm>> -> memref<128x128xf32, #tpu.memory_space<hbm>>
          %dma_start3A_174 = arith.constant 0 : i32
          %dma_start3A_175 = arith.constant 0 : i32
          %dma_start3A_176 = tpu.memref_slice %arg6[%dma_start3A_165, %dma_start3A_174, %dma_start3A_175] : memref<4x128x128xf32, #tpu.memory_space<vmem>> -> memref<1x128x128xf32, #tpu.memory_space<vmem>>
          %dma_start3A_177 = tpu.memref_squeeze %dma_start3A_176 : memref<1x128x128xf32, #tpu.memory_space<vmem>> -> memref<128x128xf32, #tpu.memory_space<vmem>>
          tpu.enqueue_dma source(%dma_start3A_177 : memref<128x128xf32, #tpu.memory_space<vmem>>) target(%dma_start3A_173 : memref<128x128xf32, #tpu.memory_space<hbm>>) target_semaphore(%arg12 : memref<!tpu.dma_semaphore, #tpu.memory_space<semaphore_mem>>)
        } else {
        }
        %mul3A_128 = arith.constant 4 : i32
        %mul3A_129 = arith.muli %scan3A_112, %mul3A_128 : i32
        %add3A_130 = arith.constant 2 : i32
        %add3A_131 = arith.addi %mul3A_129, %add3A_130 : i32
        %lt3A_132 = arith.cmpi slt, %add3A_131, %min3A : i32
        %convert_element_type3A_133 = arith.extui %lt3A_132 : i1 to i32
        %cond3A_134 = arith.constant 0 : i32
        %cond3A_135 = arith.cmpi ne, %convert_element_type3A_133, %cond3A_134 : i32
        scf.if %cond3A_135 {
          %dma_wait3A_144 = arith.constant 0 : i32
          %dma_wait3A_145 = arith.constant 2 : i32
          %dma_wait3A_146 = arith.constant 0 : i32
          %dma_wait3A_147 = arith.constant 0 : i32
          %dma_wait3A_148 = tpu.memref_slice %arg6[%dma_wait3A_145, %dma_wait3A_146, %dma_wait3A_147] : memref<4x128x128xf32, #tpu.memory_space<vmem>> -> memref<1x128x128xf32, #tpu.memory_space<vmem>>
          %dma_wait3A_149 = tpu.memref_squeeze %dma_wait3A_148 : memref<1x128x128xf32, #tpu.memory_space<vmem>> -> memref<128x128xf32, #tpu.memory_space<vmem>>
          %dma_wait3A_150 = arith.constant 0 : i32
          %dma_wait3A_151 = tpu.memref_slice %arg5[%dma_wait3A_144, %dma_wait3A_150] : memref<40x128xi32, #tpu.memory_space<vmem>> -> memref<1x128xi32, #tpu.memory_space<vmem>>
          %dma_wait3A_152 = tpu.memref_squeeze %dma_wait3A_151 : memref<1x128xi32, #tpu.memory_space<vmem>> -> memref<128xi32, #tpu.memory_space<vmem>>
          %dma_wait3A_153 = arith.constant 0 : i32
          %dma_wait3A_154 = arith.constant 0 : i32
          %dma_wait3A_155 = tpu.memref_slice %arg2[%dma_wait3A_153, %dma_wait3A_154] : memref<10000x128xf32, #tpu.memory_space<hbm>> -> memref<10000x128xf32, #tpu.memory_space<hbm>>
          tpu.wait_indirect_dma semaphore(%arg9 : memref<!tpu.dma_semaphore, #tpu.memory_space<semaphore_mem>>) src(%dma_wait3A_155 : memref<10000x128xf32, #tpu.memory_space<hbm>>) dst(%dma_wait3A_149 : memref<128x128xf32, #tpu.memory_space<vmem>>)
          %add3A_156 = arith.constant 3 : i32
          %add3A_157 = arith.addi %add3A_131, %add3A_156 : i32
          %lt3A_158 = arith.cmpi slt, %add3A_157, %min3A : i32
          %convert_element_type3A_159 = arith.extui %lt3A_158 : i1 to i32
          %cond3A_160 = arith.constant 0 : i32
          %cond3A_161 = arith.cmpi ne, %convert_element_type3A_159, %cond3A_160 : i32
          scf.if %cond3A_161 {
            %ge3A = arith.constant 1 : i32
            %ge3A_178 = arith.cmpi sge, %add3A_131, %ge3A : i32
            %convert_element_type3A_179 = arith.extui %ge3A_178 : i1 to i32
            %cond3A_180 = arith.constant 0 : i32
            %cond3A_181 = arith.cmpi ne, %convert_element_type3A_179, %cond3A_180 : i32
            scf.if %cond3A_181 {
              %dma_wait3A_195 = arith.constant 1 : i32
              %dma_wait3A_196 = arith.constant 0 : i32
              %dma_wait3A_197 = arith.constant 0 : i32
              %dma_wait3A_198 = tpu.memref_slice %arg6[%dma_wait3A_195, %dma_wait3A_196, %dma_wait3A_197] : memref<4x128x128xf32, #tpu.memory_space<vmem>> -> memref<1x128x128xf32, #tpu.memory_space<vmem>>
              %dma_wait3A_199 = tpu.memref_squeeze %dma_wait3A_198 : memref<1x128x128xf32, #tpu.memory_space<vmem>> -> memref<128x128xf32, #tpu.memory_space<vmem>>
              %dma_wait3A_200 = arith.constant 0 : i32
              %dma_wait3A_201 = arith.constant 0 : i32
              %dma_wait3A_202 = tpu.memref_slice %arg4[%dma_wait3A_200, %dma_wait3A_201] : memref<156160x128xf32, #tpu.memory_space<hbm>> -> memref<128x128xf32, #tpu.memory_space<hbm>>
              %dma_wait3A_203 = arith.constant 0 : i32
              %dma_wait3A_204 = arith.constant 0 : i32
              %dma_wait3A_205 = tpu.memref_slice %arg4[%dma_wait3A_203, %dma_wait3A_204] : memref<156160x128xf32, #tpu.memory_space<hbm>> -> memref<128x128xf32, #tpu.memory_space<hbm>>
              %dma_wait3A_206 = arith.constant 0 : i32
              %dma_wait3A_207 = arith.constant 0 : i32
              %dma_wait3A_208 = tpu.memref_slice %arg6[%dma_wait3A_195, %dma_wait3A_206, %dma_wait3A_207] : memref<4x128x128xf32, #tpu.memory_space<vmem>> -> memref<1x128x128xf32, #tpu.memory_space<vmem>>
              %dma_wait3A_209 = tpu.memref_squeeze %dma_wait3A_208 : memref<1x128x128xf32, #tpu.memory_space<vmem>> -> memref<128x128xf32, #tpu.memory_space<vmem>>
              tpu.wait_dma2 semaphore(%arg12 : memref<!tpu.dma_semaphore, #tpu.memory_space<semaphore_mem>>) src(%dma_wait3A_209 : memref<128x128xf32, #tpu.memory_space<vmem>>) dst(%dma_wait3A_205 : memref<128x128xf32, #tpu.memory_space<hbm>>)
            } else {
            }
            %add3A_182 = arith.constant 3 : i32
            %add3A_183 = arith.addi %add3A_131, %add3A_182 : i32
            %dma_start3A_184 = arith.constant 1 : i32
            %dma_start3A_185 = arith.constant 0 : i32
            %dma_start3A_186 = arith.constant 0 : i32
            %dma_start3A_187 = tpu.memref_slice %arg6[%dma_start3A_184, %dma_start3A_185, %dma_start3A_186] : memref<4x128x128xf32, #tpu.memory_space<vmem>> -> memref<1x128x128xf32, #tpu.memory_space<vmem>>
            %dma_start3A_188 = tpu.memref_squeeze %dma_start3A_187 : memref<1x128x128xf32, #tpu.memory_space<vmem>> -> memref<128x128xf32, #tpu.memory_space<vmem>>
            %dma_start3A_189 = arith.constant 0 : i32
            %dma_start3A_190 = tpu.memref_slice %arg5[%add3A_183, %dma_start3A_189] : memref<40x128xi32, #tpu.memory_space<vmem>> -> memref<1x128xi32, #tpu.memory_space<vmem>>
            %dma_start3A_191 = tpu.memref_squeeze %dma_start3A_190 : memref<1x128xi32, #tpu.memory_space<vmem>> -> memref<128xi32, #tpu.memory_space<vmem>>
            %dma_start3A_192 = arith.constant 0 : i32
            %dma_start3A_193 = arith.constant 0 : i32
            %dma_start3A_194 = tpu.memref_slice %arg2[%dma_start3A_192, %dma_start3A_193] : memref<10000x128xf32, #tpu.memory_space<hbm>> -> memref<10000x128xf32, #tpu.memory_space<hbm>>
            tpu.enqueue_indirect_dma source(%dma_start3A_194 : memref<10000x128xf32, #tpu.memory_space<hbm>>) target(%dma_start3A_188 : memref<128x128xf32, #tpu.memory_space<vmem>>) offsets(%dma_start3A_191 : memref<128xi32, #tpu.memory_space<vmem>>) semaphore(%arg8 : memref<!tpu.dma_semaphore, #tpu.memory_space<semaphore_mem>>)
          } else {
          }
          %mul3A_162 = arith.constant 128 : i32
          %mul3A_163 = arith.muli %add3A_131, %mul3A_162 : i32
          %add3A_164 = arith.addi %mul3A_10, %mul3A_163 : i32
          %dma_start3A_165 = arith.constant 2 : i32
          %dma_start3A_166 = arith.constant 0 : i32
          %dma_start3A_167 = arith.constant 0 : i32
          %dma_start3A_168 = tpu.memref_slice %arg6[%dma_start3A_165, %dma_start3A_166, %dma_start3A_167] : memref<4x128x128xf32, #tpu.memory_space<vmem>> -> memref<1x128x128xf32, #tpu.memory_space<vmem>>
          %dma_start3A_169 = tpu.memref_squeeze %dma_start3A_168 : memref<1x128x128xf32, #tpu.memory_space<vmem>> -> memref<128x128xf32, #tpu.memory_space<vmem>>
          %dma_start3A_170 = arith.constant 0 : i32
          %dma_start3A_171 = tpu.memref_slice %arg4[%add3A_164, %dma_start3A_170] : memref<156160x128xf32, #tpu.memory_space<hbm>> -> memref<128x128xf32, #tpu.memory_space<hbm>>
          %dma_start3A_172 = arith.constant 0 : i32
          %dma_start3A_173 = tpu.memref_slice %arg4[%add3A_164, %dma_start3A_172] : memref<156160x128xf32, #tpu.memory_space<hbm>> -> memref<128x128xf32, #tpu.memory_space<hbm>>
          %dma_start3A_174 = arith.constant 0 : i32
          %dma_start3A_175 = arith.constant 0 : i32
          %dma_start3A_176 = tpu.memref_slice %arg6[%dma_start3A_165, %dma_start3A_174, %dma_start3A_175] : memref<4x128x128xf32, #tpu.memory_space<vmem>> -> memref<1x128x128xf32, #tpu.memory_space<vmem>>
          %dma_start3A_177 = tpu.memref_squeeze %dma_start3A_176 : memref<1x128x128xf32, #tpu.memory_space<vmem>> -> memref<128x128xf32, #tpu.memory_space<vmem>>
          tpu.enqueue_dma source(%dma_start3A_177 : memref<128x128xf32, #tpu.memory_space<vmem>>) target(%dma_start3A_173 : memref<128x128xf32, #tpu.memory_space<hbm>>) target_semaphore(%arg13 : memref<!tpu.dma_semaphore, #tpu.memory_space<semaphore_mem>>)
        } else {
        }
        %mul3A_136 = arith.constant 4 : i32
        %mul3A_137 = arith.muli %scan3A_112, %mul3A_136 : i32
        %add3A_138 = arith.constant 3 : i32
        %add3A_139 = arith.addi %mul3A_137, %add3A_138 : i32
        %lt3A_140 = arith.cmpi slt, %add3A_139, %min3A : i32
        %convert_element_type3A_141 = arith.extui %lt3A_140 : i1 to i32
        %cond3A_142 = arith.constant 0 : i32
        %cond3A_143 = arith.cmpi ne, %convert_element_type3A_141, %cond3A_142 : i32
        scf.if %cond3A_143 {
          %dma_wait3A_144 = arith.constant 0 : i32
          %dma_wait3A_145 = arith.constant 3 : i32
          %dma_wait3A_146 = arith.constant 0 : i32
          %dma_wait3A_147 = arith.constant 0 : i32
          %dma_wait3A_148 = tpu.memref_slice %arg6[%dma_wait3A_145, %dma_wait3A_146, %dma_wait3A_147] : memref<4x128x128xf32, #tpu.memory_space<vmem>> -> memref<1x128x128xf32, #tpu.memory_space<vmem>>
          %dma_wait3A_149 = tpu.memref_squeeze %dma_wait3A_148 : memref<1x128x128xf32, #tpu.memory_space<vmem>> -> memref<128x128xf32, #tpu.memory_space<vmem>>
          %dma_wait3A_150 = arith.constant 0 : i32
          %dma_wait3A_151 = tpu.memref_slice %arg5[%dma_wait3A_144, %dma_wait3A_150] : memref<40x128xi32, #tpu.memory_space<vmem>> -> memref<1x128xi32, #tpu.memory_space<vmem>>
          %dma_wait3A_152 = tpu.memref_squeeze %dma_wait3A_151 : memref<1x128xi32, #tpu.memory_space<vmem>> -> memref<128xi32, #tpu.memory_space<vmem>>
          %dma_wait3A_153 = arith.constant 0 : i32
          %dma_wait3A_154 = arith.constant 0 : i32
          %dma_wait3A_155 = tpu.memref_slice %arg2[%dma_wait3A_153, %dma_wait3A_154] : memref<10000x128xf32, #tpu.memory_space<hbm>> -> memref<10000x128xf32, #tpu.memory_space<hbm>>
          tpu.wait_indirect_dma semaphore(%arg10 : memref<!tpu.dma_semaphore, #tpu.memory_space<semaphore_mem>>) src(%dma_wait3A_155 : memref<10000x128xf32, #tpu.memory_space<hbm>>) dst(%dma_wait3A_149 : memref<128x128xf32, #tpu.memory_space<vmem>>)
          %add3A_156 = arith.constant 3 : i32
          %add3A_157 = arith.addi %add3A_139, %add3A_156 : i32
          %lt3A_158 = arith.cmpi slt, %add3A_157, %min3A : i32
          %convert_element_type3A_159 = arith.extui %lt3A_158 : i1 to i32
          %cond3A_160 = arith.constant 0 : i32
          %cond3A_161 = arith.cmpi ne, %convert_element_type3A_159, %cond3A_160 : i32
          scf.if %cond3A_161 {
            %ge3A = arith.constant 1 : i32
            %ge3A_178 = arith.cmpi sge, %add3A_139, %ge3A : i32
            %convert_element_type3A_179 = arith.extui %ge3A_178 : i1 to i32
            %cond3A_180 = arith.constant 0 : i32
            %cond3A_181 = arith.cmpi ne, %convert_element_type3A_179, %cond3A_180 : i32
            scf.if %cond3A_181 {
              %dma_wait3A_195 = arith.constant 2 : i32
              %dma_wait3A_196 = arith.constant 0 : i32
              %dma_wait3A_197 = arith.constant 0 : i32
              %dma_wait3A_198 = tpu.memref_slice %arg6[%dma_wait3A_195, %dma_wait3A_196, %dma_wait3A_197] : memref<4x128x128xf32, #tpu.memory_space<vmem>> -> memref<1x128x128xf32, #tpu.memory_space<vmem>>
              %dma_wait3A_199 = tpu.memref_squeeze %dma_wait3A_198 : memref<1x128x128xf32, #tpu.memory_space<vmem>> -> memref<128x128xf32, #tpu.memory_space<vmem>>
              %dma_wait3A_200 = arith.constant 0 : i32
              %dma_wait3A_201 = arith.constant 0 : i32
              %dma_wait3A_202 = tpu.memref_slice %arg4[%dma_wait3A_200, %dma_wait3A_201] : memref<156160x128xf32, #tpu.memory_space<hbm>> -> memref<128x128xf32, #tpu.memory_space<hbm>>
              %dma_wait3A_203 = arith.constant 0 : i32
              %dma_wait3A_204 = arith.constant 0 : i32
              %dma_wait3A_205 = tpu.memref_slice %arg4[%dma_wait3A_203, %dma_wait3A_204] : memref<156160x128xf32, #tpu.memory_space<hbm>> -> memref<128x128xf32, #tpu.memory_space<hbm>>
              %dma_wait3A_206 = arith.constant 0 : i32
              %dma_wait3A_207 = arith.constant 0 : i32
              %dma_wait3A_208 = tpu.memref_slice %arg6[%dma_wait3A_195, %dma_wait3A_206, %dma_wait3A_207] : memref<4x128x128xf32, #tpu.memory_space<vmem>> -> memref<1x128x128xf32, #tpu.memory_space<vmem>>
              %dma_wait3A_209 = tpu.memref_squeeze %dma_wait3A_208 : memref<1x128x128xf32, #tpu.memory_space<vmem>> -> memref<128x128xf32, #tpu.memory_space<vmem>>
              tpu.wait_dma2 semaphore(%arg13 : memref<!tpu.dma_semaphore, #tpu.memory_space<semaphore_mem>>) src(%dma_wait3A_209 : memref<128x128xf32, #tpu.memory_space<vmem>>) dst(%dma_wait3A_205 : memref<128x128xf32, #tpu.memory_space<hbm>>)
            } else {
            }
            %add3A_182 = arith.constant 3 : i32
            %add3A_183 = arith.addi %add3A_139, %add3A_182 : i32
            %dma_start3A_184 = arith.constant 2 : i32
            %dma_start3A_185 = arith.constant 0 : i32
            %dma_start3A_186 = arith.constant 0 : i32
            %dma_start3A_187 = tpu.memref_slice %arg6[%dma_start3A_184, %dma_start3A_185, %dma_start3A_186] : memref<4x128x128xf32, #tpu.memory_space<vmem>> -> memref<1x128x128xf32, #tpu.memory_space<vmem>>
            %dma_start3A_188 = tpu.memref_squeeze %dma_start3A_187 : memref<1x128x128xf32, #tpu.memory_space<vmem>> -> memref<128x128xf32, #tpu.memory_space<vmem>>
            %dma_start3A_189 = arith.constant 0 : i32
            %dma_start3A_190 = tpu.memref_slice %arg5[%add3A_183, %dma_start3A_189] : memref<40x128xi32, #tpu.memory_space<vmem>> -> memref<1x128xi32, #tpu.memory_space<vmem>>
            %dma_start3A_191 = tpu.memref_squeeze %dma_start3A_190 : memref<1x128xi32, #tpu.memory_space<vmem>> -> memref<128xi32, #tpu.memory_space<vmem>>
            %dma_start3A_192 = arith.constant 0 : i32
            %dma_start3A_193 = arith.constant 0 : i32
            %dma_start3A_194 = tpu.memref_slice %arg2[%dma_start3A_192, %dma_start3A_193] : memref<10000x128xf32, #tpu.memory_space<hbm>> -> memref<10000x128xf32, #tpu.memory_space<hbm>>
            tpu.enqueue_indirect_dma source(%dma_start3A_194 : memref<10000x128xf32, #tpu.memory_space<hbm>>) target(%dma_start3A_188 : memref<128x128xf32, #tpu.memory_space<vmem>>) offsets(%dma_start3A_191 : memref<128xi32, #tpu.memory_space<vmem>>) semaphore(%arg9 : memref<!tpu.dma_semaphore, #tpu.memory_space<semaphore_mem>>)
          } else {
          }
          %mul3A_162 = arith.constant 128 : i32
          %mul3A_163 = arith.muli %add3A_139, %mul3A_162 : i32
          %add3A_164 = arith.addi %mul3A_10, %mul3A_163 : i32
          %dma_start3A_165 = arith.constant 3 : i32
          %dma_start3A_166 = arith.constant 0 : i32
          %dma_start3A_167 = arith.constant 0 : i32
          %dma_start3A_168 = tpu.memref_slice %arg6[%dma_start3A_165, %dma_start3A_166, %dma_start3A_167] : memref<4x128x128xf32, #tpu.memory_space<vmem>> -> memref<1x128x128xf32, #tpu.memory_space<vmem>>
          %dma_start3A_169 = tpu.memref_squeeze %dma_start3A_168 : memref<1x128x128xf32, #tpu.memory_space<vmem>> -> memref<128x128xf32, #tpu.memory_space<vmem>>
          %dma_start3A_170 = arith.constant 0 : i32
          %dma_start3A_171 = tpu.memref_slice %arg4[%add3A_164, %dma_start3A_170] : memref<156160x128xf32, #tpu.memory_space<hbm>> -> memref<128x128xf32, #tpu.memory_space<hbm>>
          %dma_start3A_172 = arith.constant 0 : i32
          %dma_start3A_173 = tpu.memref_slice %arg4[%add3A_164, %dma_start3A_172] : memref<156160x128xf32, #tpu.memory_space<hbm>> -> memref<128x128xf32, #tpu.memory_space<hbm>>
          %dma_start3A_174 = arith.constant 0 : i32
          %dma_start3A_175 = arith.constant 0 : i32
          %dma_start3A_176 = tpu.memref_slice %arg6[%dma_start3A_165, %dma_start3A_174, %dma_start3A_175] : memref<4x128x128xf32, #tpu.memory_space<vmem>> -> memref<1x128x128xf32, #tpu.memory_space<vmem>>
          %dma_start3A_177 = tpu.memref_squeeze %dma_start3A_176 : memref<1x128x128xf32, #tpu.memory_space<vmem>> -> memref<128x128xf32, #tpu.memory_space<vmem>>
          tpu.enqueue_dma source(%dma_start3A_177 : memref<128x128xf32, #tpu.memory_space<vmem>>) target(%dma_start3A_173 : memref<128x128xf32, #tpu.memory_space<hbm>>) target_semaphore(%arg14 : memref<!tpu.dma_semaphore, #tpu.memory_space<semaphore_mem>>)
        } else {
        }
      }
      %scan3A_52 = arith.constant 10 : i32
      %dma_wait3A = arith.constant 0 : i32
      %dma_wait3A_53 = arith.constant 0 : i32
      %dma_wait3A_54 = arith.constant 0 : i32
      %dma_wait3A_55 = tpu.memref_slice %arg6[%dma_wait3A, %dma_wait3A_53, %dma_wait3A_54] : memref<4x128x128xf32, #tpu.memory_space<vmem>> -> memref<1x128x128xf32, #tpu.memory_space<vmem>>
      %dma_wait3A_56 = tpu.memref_squeeze %dma_wait3A_55 : memref<1x128x128xf32, #tpu.memory_space<vmem>> -> memref<128x128xf32, #tpu.memory_space<vmem>>
      %dma_wait3A_57 = arith.constant 0 : i32
      %dma_wait3A_58 = arith.constant 0 : i32
      %dma_wait3A_59 = tpu.memref_slice %arg4[%dma_wait3A_57, %dma_wait3A_58] : memref<156160x128xf32, #tpu.memory_space<hbm>> -> memref<128x128xf32, #tpu.memory_space<hbm>>
      %dma_wait3A_60 = arith.constant 0 : i32
      %dma_wait3A_61 = arith.constant 0 : i32
      %dma_wait3A_62 = tpu.memref_slice %arg4[%dma_wait3A_60, %dma_wait3A_61] : memref<156160x128xf32, #tpu.memory_space<hbm>> -> memref<128x128xf32, #tpu.memory_space<hbm>>
      %dma_wait3A_63 = arith.constant 0 : i32
      %dma_wait3A_64 = arith.constant 0 : i32
      %dma_wait3A_65 = tpu.memref_slice %arg6[%dma_wait3A, %dma_wait3A_63, %dma_wait3A_64] : memref<4x128x128xf32, #tpu.memory_space<vmem>> -> memref<1x128x128xf32, #tpu.memory_space<vmem>>
      %dma_wait3A_66 = tpu.memref_squeeze %dma_wait3A_65 : memref<1x128x128xf32, #tpu.memory_space<vmem>> -> memref<128x128xf32, #tpu.memory_space<vmem>>
      tpu.wait_dma2 semaphore(%arg11 : memref<!tpu.dma_semaphore, #tpu.memory_space<semaphore_mem>>) src(%dma_wait3A_66 : memref<128x128xf32, #tpu.memory_space<vmem>>) dst(%dma_wait3A_62 : memref<128x128xf32, #tpu.memory_space<hbm>>)
      %dma_wait3A_67 = arith.constant 1 : i32
      %dma_wait3A_68 = arith.constant 0 : i32
      %dma_wait3A_69 = arith.constant 0 : i32
      %dma_wait3A_70 = tpu.memref_slice %arg6[%dma_wait3A_67, %dma_wait3A_68, %dma_wait3A_69] : memref<4x128x128xf32, #tpu.memory_space<vmem>> -> memref<1x128x128xf32, #tpu.memory_space<vmem>>
      %dma_wait3A_71 = tpu.memref_squeeze %dma_wait3A_70 : memref<1x128x128xf32, #tpu.memory_space<vmem>> -> memref<128x128xf32, #tpu.memory_space<vmem>>
      %dma_wait3A_72 = arith.constant 0 : i32
      %dma_wait3A_73 = arith.constant 0 : i32
      %dma_wait3A_74 = tpu.memref_slice %arg4[%dma_wait3A_72, %dma_wait3A_73] : memref<156160x128xf32, #tpu.memory_space<hbm>> -> memref<128x128xf32, #tpu.memory_space<hbm>>
      %dma_wait3A_75 = arith.constant 0 : i32
      %dma_wait3A_76 = arith.constant 0 : i32
      %dma_wait3A_77 = tpu.memref_slice %arg4[%dma_wait3A_75, %dma_wait3A_76] : memref<156160x128xf32, #tpu.memory_space<hbm>> -> memref<128x128xf32, #tpu.memory_space<hbm>>
      %dma_wait3A_78 = arith.constant 0 : i32
      %dma_wait3A_79 = arith.constant 0 : i32
      %dma_wait3A_80 = tpu.memref_slice %arg6[%dma_wait3A_67, %dma_wait3A_78, %dma_wait3A_79] : memref<4x128x128xf32, #tpu.memory_space<vmem>> -> memref<1x128x128xf32, #tpu.memory_space<vmem>>
      %dma_wait3A_81 = tpu.memref_squeeze %dma_wait3A_80 : memref<1x128x128xf32, #tpu.memory_space<vmem>> -> memref<128x128xf32, #tpu.memory_space<vmem>>
      tpu.wait_dma2 semaphore(%arg12 : memref<!tpu.dma_semaphore, #tpu.memory_space<semaphore_mem>>) src(%dma_wait3A_81 : memref<128x128xf32, #tpu.memory_space<vmem>>) dst(%dma_wait3A_77 : memref<128x128xf32, #tpu.memory_space<hbm>>)
      %dma_wait3A_82 = arith.constant 2 : i32
      %dma_wait3A_83 = arith.constant 0 : i32
      %dma_wait3A_84 = arith.constant 0 : i32
      %dma_wait3A_85 = tpu.memref_slice %arg6[%dma_wait3A_82, %dma_wait3A_83, %dma_wait3A_84] : memref<4x128x128xf32, #tpu.memory_space<vmem>> -> memref<1x128x128xf32, #tpu.memory_space<vmem>>
      %dma_wait3A_86 = tpu.memref_squeeze %dma_wait3A_85 : memref<1x128x128xf32, #tpu.memory_space<vmem>> -> memref<128x128xf32, #tpu.memory_space<vmem>>
      %dma_wait3A_87 = arith.constant 0 : i32
      %dma_wait3A_88 = arith.constant 0 : i32
      %dma_wait3A_89 = tpu.memref_slice %arg4[%dma_wait3A_87, %dma_wait3A_88] : memref<156160x128xf32, #tpu.memory_space<hbm>> -> memref<128x128xf32, #tpu.memory_space<hbm>>
      %dma_wait3A_90 = arith.constant 0 : i32
      %dma_wait3A_91 = arith.constant 0 : i32
      %dma_wait3A_92 = tpu.memref_slice %arg4[%dma_wait3A_90, %dma_wait3A_91] : memref<156160x128xf32, #tpu.memory_space<hbm>> -> memref<128x128xf32, #tpu.memory_space<hbm>>
      %dma_wait3A_93 = arith.constant 0 : i32
      %dma_wait3A_94 = arith.constant 0 : i32
      %dma_wait3A_95 = tpu.memref_slice %arg6[%dma_wait3A_82, %dma_wait3A_93, %dma_wait3A_94] : memref<4x128x128xf32, #tpu.memory_space<vmem>> -> memref<1x128x128xf32, #tpu.memory_space<vmem>>
      %dma_wait3A_96 = tpu.memref_squeeze %dma_wait3A_95 : memref<1x128x128xf32, #tpu.memory_space<vmem>> -> memref<128x128xf32, #tpu.memory_space<vmem>>
      tpu.wait_dma2 semaphore(%arg13 : memref<!tpu.dma_semaphore, #tpu.memory_space<semaphore_mem>>) src(%dma_wait3A_96 : memref<128x128xf32, #tpu.memory_space<vmem>>) dst(%dma_wait3A_92 : memref<128x128xf32, #tpu.memory_space<hbm>>)
      %dma_wait3A_97 = arith.constant 3 : i32
      %dma_wait3A_98 = arith.constant 0 : i32
      %dma_wait3A_99 = arith.constant 0 : i32
      %dma_wait3A_100 = tpu.memref_slice %arg6[%dma_wait3A_97, %dma_wait3A_98, %dma_wait3A_99] : memref<4x128x128xf32, #tpu.memory_space<vmem>> -> memref<1x128x128xf32, #tpu.memory_space<vmem>>
      %dma_wait3A_101 = tpu.memref_squeeze %dma_wait3A_100 : memref<1x128x128xf32, #tpu.memory_space<vmem>> -> memref<128x128xf32, #tpu.memory_space<vmem>>
      %dma_wait3A_102 = arith.constant 0 : i32
      %dma_wait3A_103 = arith.constant 0 : i32
      %dma_wait3A_104 = tpu.memref_slice %arg4[%dma_wait3A_102, %dma_wait3A_103] : memref<156160x128xf32, #tpu.memory_space<hbm>> -> memref<128x128xf32, #tpu.memory_space<hbm>>
      %dma_wait3A_105 = arith.constant 0 : i32
      %dma_wait3A_106 = arith.constant 0 : i32
      %dma_wait3A_107 = tpu.memref_slice %arg4[%dma_wait3A_105, %dma_wait3A_106] : memref<156160x128xf32, #tpu.memory_space<hbm>> -> memref<128x128xf32, #tpu.memory_space<hbm>>
      %dma_wait3A_108 = arith.constant 0 : i32
      %dma_wait3A_109 = arith.constant 0 : i32
      %dma_wait3A_110 = tpu.memref_slice %arg6[%dma_wait3A_97, %dma_wait3A_108, %dma_wait3A_109] : memref<4x128x128xf32, #tpu.memory_space<vmem>> -> memref<1x128x128xf32, #tpu.memory_space<vmem>>
      %dma_wait3A_111 = tpu.memref_squeeze %dma_wait3A_110 : memref<1x128x128xf32, #tpu.memory_space<vmem>> -> memref<128x128xf32, #tpu.memory_space<vmem>>
      tpu.wait_dma2 semaphore(%arg14 : memref<!tpu.dma_semaphore, #tpu.memory_space<semaphore_mem>>) src(%dma_wait3A_111 : memref<128x128xf32, #tpu.memory_space<vmem>>) dst(%dma_wait3A_107 : memref<128x128xf32, #tpu.memory_space<hbm>>)
    } else {
    }
    return
  }
}

module attributes {stable_mosaic.version = 14 : i64} {
  func.func @_tc_edge_body(%arg0: i32, %arg1: memref<2560x1xi32, #tpu.memory_space<vmem>>, %arg2: memref<2560x128xf32, #tpu.memory_space<vmem>>, %arg3: memref<2560x128xf32, #tpu.memory_space<vmem>>, %arg4: memref<256x640xbf16, #tpu.memory_space<vmem>>, %arg5: memref<128x512xbf16, #tpu.memory_space<vmem>>, %arg6: memref<128x128xbf16, #tpu.memory_space<vmem>>, %arg7: memref<2560x128xf32, #tpu.memory_space<vmem>>) attributes {dimension_semantics = [#tpu.dimension_semantics<arbitrary>], iteration_bounds = array<i64: 64>, scalar_prefetch = 0 : i64, scratch_operands = 0 : i64, tpu.core_type = #tpu.core_type<tc>, window_params = [{transform_indices = @transform_0, window_bounds = array<i64: 2560, 1>}, {transform_indices = @transform_1, window_bounds = array<i64: 2560, 128>}, {transform_indices = @transform_2, window_bounds = array<i64: 2560, 128>}, {pipeline_mode = #tpu.pipeline_mode<synchronous>, transform_indices = @transform_3, window_bounds = array<i64: 256, 640>}, {pipeline_mode = #tpu.pipeline_mode<synchronous>, transform_indices = @transform_4, window_bounds = array<i64: 128, 512>}, {pipeline_mode = #tpu.pipeline_mode<synchronous>, transform_indices = @transform_5, window_bounds = array<i64: 128, 128>}, {transform_indices = @transform_6, window_bounds = array<i64: 2560, 128>}]} {
    %get3A = arith.constant 0 : index
    %get3A_0 = arith.constant 0 : index
    %get3A_1 = vector.load %arg1[%get3A, %get3A_0] : memref<2560x1xi32, #tpu.memory_space<vmem>>, vector<2560x1xi32>
    %iota3A = tpu.iota {dimensions = array<i32: 1>} : vector<2560x256xi32>
    %eq3A = vector.broadcast %get3A_1 : vector<2560x1xi32> to vector<2560x256xi32>
    %eq3A_2 = arith.cmpi eq, %eq3A, %iota3A : vector<2560x256xi32>
    %convert_element_type3A = arith.extui %eq3A_2 : vector<2560x256xi1> to vector<2560x256xi32>
    %convert_element_type3A_3 = arith.sitofp %convert_element_type3A : vector<2560x256xi32> to vector<2560x256xf32>
    %convert_element_type3A_4 = arith.truncf %convert_element_type3A_3 : vector<2560x256xf32> to vector<2560x256xbf16>
    %get3A_5 = arith.constant 0 : index
    %get3A_6 = arith.constant 0 : index
    %get3A_7 = vector.load %arg4[%get3A_5, %get3A_6] : memref<256x640xbf16, #tpu.memory_space<vmem>>, vector<256x640xbf16>
    %dot_general3A = arith.constant dense<0.000000e+00> : vector<2560x640xf32>
    %dot_general3A_8 = tpu.matmul %convert_element_type3A_4, %get3A_7, %dot_general3A {dimension_numbers = #tpu.dot_dimension_numbers<[1], [0], [0], [1], [0, 0, 1, 1], [], []>, transpose_lhs_hint = false} : vector<2560x256xbf16>, vector<256x640xbf16>, vector<2560x640xf32> -> vector<2560x640xf32>
    %get3A_9 = arith.constant 0 : index
    %get3A_10 = arith.constant 0 : index
    %get3A_11 = vector.load %arg2[%get3A_9, %get3A_10] : memref<2560x128xf32, #tpu.memory_space<vmem>>, vector<2560x128xf32>
    %convert_element_type3A_12 = arith.truncf %get3A_11 : vector<2560x128xf32> to vector<2560x128xbf16>
    %get3A_13 = arith.constant 0 : index
    %get3A_14 = arith.constant 0 : index
    %get3A_15 = vector.load %arg5[%get3A_13, %get3A_14] : memref<128x512xbf16, #tpu.memory_space<vmem>>, vector<128x512xbf16>
    %dot_general3A_16 = arith.constant dense<0.000000e+00> : vector<2560x512xf32>
    %dot_general3A_17 = tpu.matmul %convert_element_type3A_12, %get3A_15, %dot_general3A_16 {dimension_numbers = #tpu.dot_dimension_numbers<[1], [0], [0], [1], [0, 0, 1, 1], [], []>, transpose_lhs_hint = false} : vector<2560x128xbf16>, vector<128x512xbf16>, vector<2560x512xf32> -> vector<2560x512xf32>
    %slice3A = vector.extract_strided_slice %dot_general3A_17 {offsets = [0, 0], sizes = [2560, 128], strides = [1, 1]} : vector<2560x512xf32> to vector<2560x128xf32>
    %slice3A_18 = vector.extract_strided_slice %dot_general3A_8 {offsets = [0, 0], sizes = [2560, 128], strides = [1, 1]} : vector<2560x640xf32> to vector<2560x128xf32>
    %mul3A = arith.mulf %slice3A, %slice3A_18 : vector<2560x128xf32>
    %slice3A_19 = vector.extract_strided_slice %dot_general3A_17 {offsets = [0, 128], sizes = [2560, 128], strides = [1, 1]} : vector<2560x512xf32> to vector<2560x128xf32>
    %slice3A_20 = vector.extract_strided_slice %dot_general3A_8 {offsets = [0, 128], sizes = [2560, 128], strides = [1, 1]} : vector<2560x640xf32> to vector<2560x128xf32>
    %mul3A_21 = arith.mulf %slice3A_19, %slice3A_20 : vector<2560x128xf32>
    %add3A = arith.addf %mul3A, %mul3A_21 : vector<2560x128xf32>
    %slice3A_22 = vector.extract_strided_slice %dot_general3A_17 {offsets = [0, 256], sizes = [2560, 128], strides = [1, 1]} : vector<2560x512xf32> to vector<2560x128xf32>
    %slice3A_23 = vector.extract_strided_slice %dot_general3A_8 {offsets = [0, 256], sizes = [2560, 128], strides = [1, 1]} : vector<2560x640xf32> to vector<2560x128xf32>
    %mul3A_24 = arith.mulf %slice3A_22, %slice3A_23 : vector<2560x128xf32>
    %add3A_25 = arith.addf %add3A, %mul3A_24 : vector<2560x128xf32>
    %slice3A_26 = vector.extract_strided_slice %dot_general3A_17 {offsets = [0, 384], sizes = [2560, 128], strides = [1, 1]} : vector<2560x512xf32> to vector<2560x128xf32>
    %slice3A_27 = vector.extract_strided_slice %dot_general3A_8 {offsets = [0, 384], sizes = [2560, 128], strides = [1, 1]} : vector<2560x640xf32> to vector<2560x128xf32>
    %mul3A_28 = arith.mulf %slice3A_26, %slice3A_27 : vector<2560x128xf32>
    %add3A_29 = arith.addf %add3A_25, %mul3A_28 : vector<2560x128xf32>
    %get3A_30 = arith.constant 0 : index
    %get3A_31 = arith.constant 0 : index
    %get3A_32 = vector.load %arg3[%get3A_30, %get3A_31] : memref<2560x128xf32, #tpu.memory_space<vmem>>, vector<2560x128xf32>
    %convert_element_type3A_33 = arith.truncf %get3A_32 : vector<2560x128xf32> to vector<2560x128xbf16>
    %get3A_34 = arith.constant 0 : index
    %get3A_35 = arith.constant 0 : index
    %get3A_36 = vector.load %arg6[%get3A_34, %get3A_35] : memref<128x128xbf16, #tpu.memory_space<vmem>>, vector<128x128xbf16>
    %dot_general3A_37 = arith.constant dense<0.000000e+00> : vector<2560x128xf32>
    %dot_general3A_38 = tpu.matmul %convert_element_type3A_33, %get3A_36, %dot_general3A_37 {dimension_numbers = #tpu.dot_dimension_numbers<[1], [0], [0], [1], [0, 0, 1, 1], [], []>, transpose_lhs_hint = false} : vector<2560x128xbf16>, vector<128x128xbf16>, vector<2560x128xf32> -> vector<2560x128xf32>
    %slice3A_39 = vector.extract_strided_slice %dot_general3A_8 {offsets = [0, 512], sizes = [2560, 128], strides = [1, 1]} : vector<2560x640xf32> to vector<2560x128xf32>
    %mul3A_40 = arith.mulf %slice3A_39, %dot_general3A_38 : vector<2560x128xf32>
    %gt3A = arith.constant 0.000000e+00 : f32
    %gt3A_41 = vector.broadcast %gt3A : f32 to vector<2560x128xf32>
    %gt3A_42 = arith.cmpf ogt, %mul3A_40, %gt3A_41 : vector<2560x128xf32>
    %mul3A_43 = arith.constant 2.000000e-01 : f32
    %mul3A_44 = vector.broadcast %mul3A_43 : f32 to vector<2560x128xf32>
    %mul3A_45 = arith.mulf %mul3A_44, %mul3A_40 : vector<2560x128xf32>
    %select_n3A = arith.select %gt3A_42, %mul3A_40, %mul3A_45 : vector<2560x128xi1>, vector<2560x128xf32>
    %add3A_46 = arith.addf %add3A_29, %select_n3A : vector<2560x128xf32>
    %swap3A = arith.constant 0 : index
    %swap3A_47 = arith.constant 0 : index
    %swap3A_48 = vector.load %arg7[%swap3A, %swap3A_47] : memref<2560x128xf32, #tpu.memory_space<vmem>>, vector<2560x128xf32>
    tpu.vector_store %arg7[%swap3A, %swap3A_47], %add3A_46 {strides = array<i32>} : memref<2560x128xf32, #tpu.memory_space<vmem>>, vector<2560x128xf32>,
    return
  }
  func.func @transform_0(%arg0: i32) -> (i32, i32) {
    %add3A = arith.constant 0 : i32
    %add3A_0 = arith.addi %arg0, %add3A : i32
    %c0_i32 = arith.constant 0 : i32
    %c0_i32_1 = arith.constant 0 : i32
    return %add3A_0, %c0_i32 : i32, i32
  }
  func.func @transform_1(%arg0: i32) -> (i32, i32) {
    %c0_i32 = arith.constant 0 : i32
    %c0_i32_0 = arith.constant 0 : i32
    return %arg0, %c0_i32 : i32, i32
  }
  func.func @transform_2(%arg0: i32) -> (i32, i32) {
    %add3A = arith.constant 0 : i32
    %add3A_0 = arith.addi %arg0, %add3A : i32
    %c0_i32 = arith.constant 0 : i32
    %c0_i32_1 = arith.constant 0 : i32
    return %add3A_0, %c0_i32 : i32, i32
  }
  func.func @transform_3(%arg0: i32) -> (i32, i32) {
    %c0_i32 = arith.constant 0 : i32
    %c0_i32_0 = arith.constant 0 : i32
    %c0_i32_1 = arith.constant 0 : i32
    return %c0_i32, %c0_i32_0 : i32, i32
  }
  func.func @transform_4(%arg0: i32) -> (i32, i32) {
    %c0_i32 = arith.constant 0 : i32
    %c0_i32_0 = arith.constant 0 : i32
    %c0_i32_1 = arith.constant 0 : i32
    return %c0_i32, %c0_i32_0 : i32, i32
  }
  func.func @transform_5(%arg0: i32) -> (i32, i32) {
    %c0_i32 = arith.constant 0 : i32
    %c0_i32_0 = arith.constant 0 : i32
    %c0_i32_1 = arith.constant 0 : i32
    return %c0_i32, %c0_i32_0 : i32, i32
  }
  func.func @transform_6(%arg0: i32) -> (i32, i32) {
    %c0_i32 = arith.constant 0 : i32
    %c0_i32_0 = arith.constant 0 : i32
    return %arg0, %c0_i32 : i32, i32
  }
}

module attributes {stable_mosaic.version = 14 : i64} {
  func.func @_tc_edge_body(%arg0: i32, %arg1: memref<2560x1xi32, #tpu.memory_space<vmem>>, %arg2: memref<2560x128xf32, #tpu.memory_space<vmem>>, %arg3: memref<2560x128xf32, #tpu.memory_space<vmem>>, %arg4: memref<256x640xbf16, #tpu.memory_space<vmem>>, %arg5: memref<128x512xbf16, #tpu.memory_space<vmem>>, %arg6: memref<128x128xbf16, #tpu.memory_space<vmem>>, %arg7: memref<2560x128xf32, #tpu.memory_space<vmem>>) attributes {dimension_semantics = [#tpu.dimension_semantics<arbitrary>], iteration_bounds = array<i64: 61>, scalar_prefetch = 0 : i64, scratch_operands = 0 : i64, tpu.core_type = #tpu.core_type<tc>, window_params = [{transform_indices = @transform_0, window_bounds = array<i64: 2560, 1>}, {transform_indices = @transform_1, window_bounds = array<i64: 2560, 128>}, {transform_indices = @transform_2, window_bounds = array<i64: 2560, 128>}, {pipeline_mode = #tpu.pipeline_mode<synchronous>, transform_indices = @transform_3, window_bounds = array<i64: 256, 640>}, {pipeline_mode = #tpu.pipeline_mode<synchronous>, transform_indices = @transform_4, window_bounds = array<i64: 128, 512>}, {pipeline_mode = #tpu.pipeline_mode<synchronous>, transform_indices = @transform_5, window_bounds = array<i64: 128, 128>}, {transform_indices = @transform_6, window_bounds = array<i64: 2560, 128>}]} {
    %get3A = arith.constant 0 : index
    %get3A_0 = arith.constant 0 : index
    %get3A_1 = vector.load %arg1[%get3A, %get3A_0] : memref<2560x1xi32, #tpu.memory_space<vmem>>, vector<2560x1xi32>
    %iota3A = tpu.iota {dimensions = array<i32: 1>} : vector<2560x256xi32>
    %eq3A = vector.broadcast %get3A_1 : vector<2560x1xi32> to vector<2560x256xi32>
    %eq3A_2 = arith.cmpi eq, %eq3A, %iota3A : vector<2560x256xi32>
    %convert_element_type3A = arith.extui %eq3A_2 : vector<2560x256xi1> to vector<2560x256xi32>
    %convert_element_type3A_3 = arith.sitofp %convert_element_type3A : vector<2560x256xi32> to vector<2560x256xf32>
    %convert_element_type3A_4 = arith.truncf %convert_element_type3A_3 : vector<2560x256xf32> to vector<2560x256xbf16>
    %get3A_5 = arith.constant 0 : index
    %get3A_6 = arith.constant 0 : index
    %get3A_7 = vector.load %arg4[%get3A_5, %get3A_6] : memref<256x640xbf16, #tpu.memory_space<vmem>>, vector<256x640xbf16>
    %dot_general3A = arith.constant dense<0.000000e+00> : vector<2560x640xf32>
    %dot_general3A_8 = tpu.matmul %convert_element_type3A_4, %get3A_7, %dot_general3A {dimension_numbers = #tpu.dot_dimension_numbers<[1], [0], [0], [1], [0, 0, 1, 1], [], []>, transpose_lhs_hint = false} : vector<2560x256xbf16>, vector<256x640xbf16>, vector<2560x640xf32> -> vector<2560x640xf32>
    %get3A_9 = arith.constant 0 : index
    %get3A_10 = arith.constant 0 : index
    %get3A_11 = vector.load %arg2[%get3A_9, %get3A_10] : memref<2560x128xf32, #tpu.memory_space<vmem>>, vector<2560x128xf32>
    %convert_element_type3A_12 = arith.truncf %get3A_11 : vector<2560x128xf32> to vector<2560x128xbf16>
    %get3A_13 = arith.constant 0 : index
    %get3A_14 = arith.constant 0 : index
    %get3A_15 = vector.load %arg5[%get3A_13, %get3A_14] : memref<128x512xbf16, #tpu.memory_space<vmem>>, vector<128x512xbf16>
    %dot_general3A_16 = arith.constant dense<0.000000e+00> : vector<2560x512xf32>
    %dot_general3A_17 = tpu.matmul %convert_element_type3A_12, %get3A_15, %dot_general3A_16 {dimension_numbers = #tpu.dot_dimension_numbers<[1], [0], [0], [1], [0, 0, 1, 1], [], []>, transpose_lhs_hint = false} : vector<2560x128xbf16>, vector<128x512xbf16>, vector<2560x512xf32> -> vector<2560x512xf32>
    %slice3A = vector.extract_strided_slice %dot_general3A_17 {offsets = [0, 0], sizes = [2560, 128], strides = [1, 1]} : vector<2560x512xf32> to vector<2560x128xf32>
    %slice3A_18 = vector.extract_strided_slice %dot_general3A_8 {offsets = [0, 0], sizes = [2560, 128], strides = [1, 1]} : vector<2560x640xf32> to vector<2560x128xf32>
    %mul3A = arith.mulf %slice3A, %slice3A_18 : vector<2560x128xf32>
    %slice3A_19 = vector.extract_strided_slice %dot_general3A_17 {offsets = [0, 128], sizes = [2560, 128], strides = [1, 1]} : vector<2560x512xf32> to vector<2560x128xf32>
    %slice3A_20 = vector.extract_strided_slice %dot_general3A_8 {offsets = [0, 128], sizes = [2560, 128], strides = [1, 1]} : vector<2560x640xf32> to vector<2560x128xf32>
    %mul3A_21 = arith.mulf %slice3A_19, %slice3A_20 : vector<2560x128xf32>
    %add3A = arith.addf %mul3A, %mul3A_21 : vector<2560x128xf32>
    %slice3A_22 = vector.extract_strided_slice %dot_general3A_17 {offsets = [0, 256], sizes = [2560, 128], strides = [1, 1]} : vector<2560x512xf32> to vector<2560x128xf32>
    %slice3A_23 = vector.extract_strided_slice %dot_general3A_8 {offsets = [0, 256], sizes = [2560, 128], strides = [1, 1]} : vector<2560x640xf32> to vector<2560x128xf32>
    %mul3A_24 = arith.mulf %slice3A_22, %slice3A_23 : vector<2560x128xf32>
    %add3A_25 = arith.addf %add3A, %mul3A_24 : vector<2560x128xf32>
    %slice3A_26 = vector.extract_strided_slice %dot_general3A_17 {offsets = [0, 384], sizes = [2560, 128], strides = [1, 1]} : vector<2560x512xf32> to vector<2560x128xf32>
    %slice3A_27 = vector.extract_strided_slice %dot_general3A_8 {offsets = [0, 384], sizes = [2560, 128], strides = [1, 1]} : vector<2560x640xf32> to vector<2560x128xf32>
    %mul3A_28 = arith.mulf %slice3A_26, %slice3A_27 : vector<2560x128xf32>
    %add3A_29 = arith.addf %add3A_25, %mul3A_28 : vector<2560x128xf32>
    %get3A_30 = arith.constant 0 : index
    %get3A_31 = arith.constant 0 : index
    %get3A_32 = vector.load %arg3[%get3A_30, %get3A_31] : memref<2560x128xf32, #tpu.memory_space<vmem>>, vector<2560x128xf32>
    %convert_element_type3A_33 = arith.truncf %get3A_32 : vector<2560x128xf32> to vector<2560x128xbf16>
    %get3A_34 = arith.constant 0 : index
    %get3A_35 = arith.constant 0 : index
    %get3A_36 = vector.load %arg6[%get3A_34, %get3A_35] : memref<128x128xbf16, #tpu.memory_space<vmem>>, vector<128x128xbf16>
    %dot_general3A_37 = arith.constant dense<0.000000e+00> : vector<2560x128xf32>
    %dot_general3A_38 = tpu.matmul %convert_element_type3A_33, %get3A_36, %dot_general3A_37 {dimension_numbers = #tpu.dot_dimension_numbers<[1], [0], [0], [1], [0, 0, 1, 1], [], []>, transpose_lhs_hint = false} : vector<2560x128xbf16>, vector<128x128xbf16>, vector<2560x128xf32> -> vector<2560x128xf32>
    %slice3A_39 = vector.extract_strided_slice %dot_general3A_8 {offsets = [0, 512], sizes = [2560, 128], strides = [1, 1]} : vector<2560x640xf32> to vector<2560x128xf32>
    %mul3A_40 = arith.mulf %slice3A_39, %dot_general3A_38 : vector<2560x128xf32>
    %gt3A = arith.constant 0.000000e+00 : f32
    %gt3A_41 = vector.broadcast %gt3A : f32 to vector<2560x128xf32>
    %gt3A_42 = arith.cmpf ogt, %mul3A_40, %gt3A_41 : vector<2560x128xf32>
    %mul3A_43 = arith.constant 2.000000e-01 : f32
    %mul3A_44 = vector.broadcast %mul3A_43 : f32 to vector<2560x128xf32>
    %mul3A_45 = arith.mulf %mul3A_44, %mul3A_40 : vector<2560x128xf32>
    %select_n3A = arith.select %gt3A_42, %mul3A_40, %mul3A_45 : vector<2560x128xi1>, vector<2560x128xf32>
    %add3A_46 = arith.addf %add3A_29, %select_n3A : vector<2560x128xf32>
    %swap3A = arith.constant 0 : index
    %swap3A_47 = arith.constant 0 : index
    %swap3A_48 = vector.load %arg7[%swap3A, %swap3A_47] : memref<2560x128xf32, #tpu.memory_space<vmem>>, vector<2560x128xf32>
    tpu.vector_store %arg7[%swap3A, %swap3A_47], %add3A_46 {strides = array<i32>} : memref<2560x128xf32, #tpu.memory_space<vmem>>, vector<2560x128xf32>,
    return
  }
  func.func @transform_0(%arg0: i32) -> (i32, i32) {
    %add3A = arith.constant 64 : i32
    %add3A_0 = arith.addi %arg0, %add3A : i32
    %c0_i32 = arith.constant 0 : i32
    %c0_i32_1 = arith.constant 0 : i32
    return %add3A_0, %c0_i32 : i32, i32
  }
  func.func @transform_1(%arg0: i32) -> (i32, i32) {
    %c0_i32 = arith.constant 0 : i32
    %c0_i32_0 = arith.constant 0 : i32
    return %arg0, %c0_i32 : i32, i32
  }
  func.func @transform_2(%arg0: i32) -> (i32, i32) {
    %add3A = arith.constant 64 : i32
    %add3A_0 = arith.addi %arg0, %add3A : i32
    %c0_i32 = arith.constant 0 : i32
    %c0_i32_1 = arith.constant 0 : i32
    return %add3A_0, %c0_i32 : i32, i32
  }
  func.func @transform_3(%arg0: i32) -> (i32, i32) {
    %c0_i32 = arith.constant 0 : i32
    %c0_i32_0 = arith.constant 0 : i32
    %c0_i32_1 = arith.constant 0 : i32
    return %c0_i32, %c0_i32_0 : i32, i32
  }
  func.func @transform_4(%arg0: i32) -> (i32, i32) {
    %c0_i32 = arith.constant 0 : i32
    %c0_i32_0 = arith.constant 0 : i32
    %c0_i32_1 = arith.constant 0 : i32
    return %c0_i32, %c0_i32_0 : i32, i32
  }
  func.func @transform_5(%arg0: i32) -> (i32, i32) {
    %c0_i32 = arith.constant 0 : i32
    %c0_i32_0 = arith.constant 0 : i32
    %c0_i32_1 = arith.constant 0 : i32
    return %c0_i32, %c0_i32_0 : i32, i32
  }
  func.func @transform_6(%arg0: i32) -> (i32, i32) {
    %c0_i32 = arith.constant 0 : i32
    %c0_i32_0 = arith.constant 0 : i32
    return %arg0, %c0_i32 : i32, i32
  }
}

module attributes {stable_mosaic.version = 14 : i64} {
  func.func @_tc_combine_body(%arg0: i32, %arg1: memref<2x1000x128xf32, #tpu.memory_space<vmem>>, %arg2: memref<2x1000x128xf32, #tpu.memory_space<vmem>>, %arg3: memref<1000x1xf32, #tpu.memory_space<vmem>>, %arg4: memref<1000x128xf32, #tpu.memory_space<vmem>>) attributes {dimension_semantics = [#tpu.dimension_semantics<arbitrary>], iteration_bounds = array<i64: 10>, scalar_prefetch = 0 : i64, scratch_operands = 0 : i64, tpu.core_type = #tpu.core_type<tc>, window_params = [{transform_indices = @transform_0, window_bounds = array<i64: 2, 1000, 128>}, {transform_indices = @transform_1, window_bounds = array<i64: 2, 1000, 128>}, {transform_indices = @transform_2, window_bounds = array<i64: 1000, 1>}, {transform_indices = @transform_3, window_bounds = array<i64: 1000, 128>}]} {
    %get3A = arith.constant 0 : index
    %get3A_0 = arith.constant 0 : index
    %get3A_1 = arith.constant 0 : index
    %get3A_2 = vector.load %arg1[%get3A, %get3A_0, %get3A_1] : memref<2x1000x128xf32, #tpu.memory_space<vmem>>, vector<1x1000x128xf32>
    %get3A_3 = vector.shape_cast %get3A_2 : vector<1x1000x128xf32> to vector<1000x128xf32>
    %get3A_4 = arith.constant 1 : index
    %get3A_5 = arith.constant 0 : index
    %get3A_6 = arith.constant 0 : index
    %get3A_7 = vector.load %arg1[%get3A_4, %get3A_5, %get3A_6] : memref<2x1000x128xf32, #tpu.memory_space<vmem>>, vector<1x1000x128xf32>
    %get3A_8 = vector.shape_cast %get3A_7 : vector<1x1000x128xf32> to vector<1000x128xf32>
    %add3A = arith.addf %get3A_3, %get3A_8 : vector<1000x128xf32>
    %get3A_9 = arith.constant 0 : index
    %get3A_10 = arith.constant 0 : index
    %get3A_11 = arith.constant 0 : index
    %get3A_12 = vector.load %arg2[%get3A_9, %get3A_10, %get3A_11] : memref<2x1000x128xf32, #tpu.memory_space<vmem>>, vector<1x1000x128xf32>
    %get3A_13 = vector.shape_cast %get3A_12 : vector<1x1000x128xf32> to vector<1000x128xf32>
    %add3A_14 = arith.addf %add3A, %get3A_13 : vector<1000x128xf32>
    %get3A_15 = arith.constant 1 : index
    %get3A_16 = arith.constant 0 : index
    %get3A_17 = arith.constant 0 : index
    %get3A_18 = vector.load %arg2[%get3A_15, %get3A_16, %get3A_17] : memref<2x1000x128xf32, #tpu.memory_space<vmem>>, vector<1x1000x128xf32>
    %get3A_19 = vector.shape_cast %get3A_18 : vector<1x1000x128xf32> to vector<1000x128xf32>
    %add3A_20 = arith.addf %add3A_14, %get3A_19 : vector<1000x128xf32>
    %get3A_21 = arith.constant 0 : index
    %get3A_22 = arith.constant 0 : index
    %get3A_23 = vector.load %arg3[%get3A_21, %get3A_22] : memref<1000x1xf32, #tpu.memory_space<vmem>>, vector<1000x1xf32>
    %mul3A = vector.broadcast %get3A_23 : vector<1000x1xf32> to vector<1000x128xf32>
    %mul3A_24 = arith.mulf %add3A_20, %mul3A : vector<1000x128xf32>
    %swap3A = arith.constant 0 : index
    %swap3A_25 = arith.constant 0 : index
    %swap3A_26 = vector.load %arg4[%swap3A, %swap3A_25] : memref<1000x128xf32, #tpu.memory_space<vmem>>, vector<1000x128xf32>
    tpu.vector_store %arg4[%swap3A, %swap3A_25], %mul3A_24 {strides = array<i32>} : memref<1000x128xf32, #tpu.memory_space<vmem>>, vector<1000x128xf32>,
    return
  }
  func.func @transform_0(%arg0: i32) -> (i32, i32, i32) {
    %c0_i32 = arith.constant 0 : i32
    %c0_i32_0 = arith.constant 0 : i32
    %c0_i32_1 = arith.constant 0 : i32
    return %c0_i32, %arg0, %c0_i32_0 : i32, i32, i32
  }
  func.func @transform_1(%arg0: i32) -> (i32, i32, i32) {
    %c0_i32 = arith.constant 0 : i32
    %c0_i32_0 = arith.constant 0 : i32
    %c0_i32_1 = arith.constant 0 : i32
    return %c0_i32, %arg0, %c0_i32_0 : i32, i32, i32
  }
  func.func @transform_2(%arg0: i32) -> (i32, i32) {
    %c0_i32 = arith.constant 0 : i32
    %c0_i32_0 = arith.constant 0 : i32
    return %arg0, %c0_i32 : i32, i32
  }
  func.func @transform_3(%arg0: i32) -> (i32, i32) {
    %c0_i32 = arith.constant 0 : i32
    %c0_i32_0 = arith.constant 0 : i32
    return %arg0, %c0_i32 : i32, i32
  }
}

</mosaic_0001>

<sc_bundles>
// kernel: kernel.12.cloned.1.call-start
scs
__scs_entry_jumppad:
0x0: {  	(pc) =	sbr.rel $0x88, $3  }
0x1: {  	(tag) =	ssettag $0x0;
	lr =	simm.s32 $0x1  }
0x2: {  	[smem:$0x3F99] =	sst lr;
	_ =	strace $0xD0000000  }
0x3: {  	_ = 	snop  }
0x4: {  	_ = 	snop  }
0x5: {  	_ = 	snop  }
0x6: {  	_ = 	snop  }
0x7: {  	_ = 	snop  }
__scs_overlays_trampoline_lowered:
0x8: {  	[smem:$0x3FA8] =	sst s0  }
0x9: {  	[smem:$0x3FA9] =	sst s1  }
0xa: {  	[smem:$0x3FAA] =	sst s2  }
0xb: {  	[smem:$0x3FAB] =	sst s3  }
0xc: {  	[smem:$0x3FAC] =	sst s4  }
0xd: {  	[smem:$0x3FAD] =	sst s5  }
0xe: {  	[smem:$0x3FAE] =	sst s6  }
0xf: {  	[smem:$0x3FAF] =	sst s7  }
0x10: {  	[smem:$0x3FB0] =	sst s8  }
0x11: {  	[smem:$0x3FB1] =	sst s9;
	s0 =	simm.s32 @!p0 $0x0  }
0x12: {  	s1 =	sld [smem:$0x3F97];
	s0 =	simm.s32 @p0 $0x1  }
0x13: {  	[smem:$0x3FB2] =	sst s0;
	s0 =	simm.s32 @!p1 $0x0  }
0x14: {  	s2 =	sld [smem:$0x3F96];
	s0 =	simm.s32 @p1 $0x1  }
0x15: {  	[smem:$0x3FB3] =	sst s0;
	s0 =	simm.s32 @!p2 $0x0  }
0x16: {  	s3 =	sld [smem:$0x3FDB];
	s0 =	simm.s32 @p2 $0x1  }
0x17: {  	s4 =	simm.s32 $0x1BF5;
	[smem:$0x3FB5] =	sst s0  }
0x18: {  	s0 =	sld [smem:$0x3F98];
	_ =	swait.ge [sflag:s4], $0x0  }
0x19: {  	s7 =	sld [smem:$0x3F99]  }
0x1a: {  	s8 =	sadd.s32 $0xFFFFE003, lr  }
0x1b: {  	s9 =	sadd.s32 $0xFFFFFEF7, lr;
	s5 =	simm.s32 $0xFFFFFFFF;
	p2 =	slt.u32 s8, $0xFFFFF086  }
0x1c: {  	p1 =	slt.u32 s9, $0xF7A;
	s5 =	simm.s32 @!p2 $0x0  }
0x1d: {  	s5 =	simm.s32 @p1 $0x1;
	p0 =	seq.s32 s7, s2  }
0x1e: {  	s7 =	smul.u32 @!p0 $0xF7A, s2;
	p2 =	seq.s32 @!p0 s5, $0x0  }
0x1f: {  	s9 =	smul.u32 $0xF7A, s1;
	s8 =	simm.s32 @!p0 $0x1BF5;
	p2 =	por !p2, p0  }
0x20: {  	[sflag:s8] =	ssyncset.s32 @!p0 $0xFFFFF086;
	s6 =	sadd.s32 @!p0 s3, s7;
	s7 =	simm.s32 @!p0 $0x108  }
0x21: {  	s3 =	sadd.s32 s3, s9;
	s6 =	sadd.s32 @!p0 $0x88, s6;
	s7 =	simm.s32 @p2 $0x1082  }
0x22: {  	[simem:s7], [sflag:s8] =	dma.local @!p0 [hbm:s6], $0xF7A  }
0x23: {  	s9 =	sor.u32 $0xD0000000, s2;
	s6 =	simm.s32 $0x108;
	_ =	swait.ge @!p0 [sflag:s8], $0x0  }
0x24: {  	s3 =	sadd.s32 $0x88, s3;
	s6 =	simm.s32 @!p1 $0x1082;
	[sflag:s4] =	ssyncset.s32 $0xFFFFF086  }
0x25: {  	[simem:s6], [sflag:s4] =	dma.local [hbm:s3], $0xF7A  }
0x26: {  	[smem:$0x3F99] =	sst s1;
	(tag) =	ssettag s2;
	_ =	strace s9  }
0x27: {  	s1 =	sld [smem:$0x3FA9]  }
0x28: {  	s2 =	sld [smem:$0x3FAA]  }
0x29: {  	s4 =	sld [smem:$0x3FAC]  }
0x2a: {  	p0 =	seq.s32 s5, $0x0;
	s5 =	sld [smem:$0x3FAD]  }
0x2b: {  	s6 =	sld [smem:$0x3FAE]  }
0x2c: {  	s7 =	sld [smem:$0x3FAF]  }
0x2d: {  	s3 =	simm.s32 $0x108;
	s8 =	sld [smem:$0x3FB0]  }
0x2e: {  	s3 =	simm.s32 @!p0 $0x1082;
	s9 =	sld [smem:$0x3FB1]  }
0x2f: {  	lr =	sadd.s32 s0, s3;
	s0 =	sld [smem:$0x3FA8]  }
0x30: {  	s3 =	sld [smem:$0x3FAB]  }
0x31: {  	[smem:$0x3FB4] =	sst s10  }
0x32: {  	s10 =	sld [smem:$0x3FB2];
	_ =	sdelay $0x3  }
0x33: {  	p0 =	seq.s32 s10, $0x1;
	s10 =	sld [smem:$0x3FB4];
	_ =	sdelay $0x3  }
0x34: {  	[smem:$0x3FB4] =	sst s10  }
0x35: {  	s10 =	sld [smem:$0x3FB3];
	_ =	sdelay $0x3  }
0x36: {  	p1 =	seq.s32 s10, $0x1;
	s10 =	sld [smem:$0x3FB4];
	_ =	sdelay $0x3  }
0x37: {  	[smem:$0x3FB4] =	sst s10  }
0x38: {  	s10 =	sld [smem:$0x3FB5]  }
0x39: {  	_ = 	snop;
	(pc) =	sbr.ind lr, $3  }
0x3a: {  	_ = 	snop  }
0x3b: {  	_ = 	snop  }
0x3c: {  	p2 =	seq.s32 s10, $0x1;
	s10 =	sld [smem:$0x3FB4]  }
0x3d: {  	_ =	shalt  }
0x3e: {  	_ =	shalt  }
0x3f: {  	_ =	shalt  }
0x40: {  	_ =	shalt  }
0x41: {  	_ =	shalt  }
0x42: {  	_ =	shalt  }
0x43: {  	_ =	shalt  }
0x44: {  	_ =	shalt  }
0x45: {  	_ =	shalt  }
0x46: {  	_ =	shalt  }
0x47: {  	_ =	shalt  }
0x48: {  	_ =	shalt  }
0x49: {  	_ =	shalt  }
0x4a: {  	_ =	shalt  }
0x4b: {  	_ =	shalt  }
0x4c: {  	_ =	shalt  }
0x4d: {  	_ =	shalt  }
0x4e: {  	_ =	shalt  }
0x4f: {  	_ =	shalt  }
0x50: {  	_ =	shalt  }
0x51: {  	_ =	shalt  }
0x52: {  	_ =	shalt  }
0x53: {  	_ =	shalt  }
0x54: {  	_ =	shalt  }
0x55: {  	_ =	shalt  }
0x56: {  	_ =	shalt  }
0x57: {  	_ =	shalt  }
0x58: {  	_ =	shalt  }
0x59: {  	_ =	shalt  }
0x5a: {  	_ =	shalt  }
0x5b: {  	_ =	shalt  }
0x5c: {  	_ =	shalt  }
0x5d: {  	_ =	shalt  }
0x5e: {  	_ =	shalt  }
0x5f: {  	_ =	shalt  }
0x60: {  	_ =	shalt  }
0x61: {  	_ =	shalt  }
0x62: {  	_ =	shalt  }
0x63: {  	_ =	shalt  }
0x64: {  	_ =	shalt  }
0x65: {  	_ =	shalt  }
0x66: {  	_ =	shalt  }
0x67: {  	_ =	shalt  }
0x68: {  	_ =	shalt  }
0x69: {  	_ =	shalt  }
0x6a: {  	_ =	shalt  }
0x6b: {  	_ =	shalt  }
0x6c: {  	_ =	shalt  }
0x6d: {  	_ =	shalt  }
0x6e: {  	_ =	shalt  }
0x6f: {  	_ =	shalt  }
0x70: {  	_ =	shalt  }
0x71: {  	_ =	shalt  }
0x72: {  	_ =	shalt  }
0x73: {  	_ =	shalt  }
0x74: {  	_ =	shalt  }
0x75: {  	_ =	shalt  }
0x76: {  	_ =	shalt  }
0x77: {  	_ =	shalt  }
0x78: {  	_ =	shalt  }
0x79: {  	_ =	shalt  }
0x7a: {  	_ =	shalt  }
0x7b: {  	_ =	shalt  }
0x7c: {  	_ =	shalt  }
0x7d: {  	_ =	shalt  }
0x7e: {  	_ =	shalt  }
0x7f: {  	_ =	shalt  }
0x80: {  	_ =	shalt  }
0x81: {  	_ =	shalt  }
0x82: {  	_ =	shalt  }
0x83: {  	_ =	shalt  }
0x84: {  	_ =	shalt  }
0x85: {  	_ =	shalt  }
0x86: {  	_ =	shalt  }
0x87: {  	_ =	shalt  }
.Lfunc_end0:
.L_simem_size_0:
called_computation.1_lowered:
.L_overlay_start_0:
0x88: {  	s2 =	sld [smem:$0x3FD9]  }
0x89: {  	s3 =	sld [smem:$0x3FFE];
	_ =	sdelay $0x1  }
0x8a: {  	s1 =	srdreg.scid  }
0x8b: {  	s0 =	sand.u32 $0x1, s1  }
0x8c: {  	s17 =	sshll.u32 s0, $0xA;
	s2 =	sadd.s32 s3, s2  }
0x8d: {  	s2 =	sadd.s32 s2, s17  }
0x8e: {  	[smem:$0x3FC0] =	sst s2  }
0x8f: {  	_ = 	snop  }
0x90: {  	s18 =	sld [smem:$0x3FC9]  }
0x91: {  	s4 =	sld [smem:$0x3FD0];
	(tm) =	ssettm $0x1  }
0x92: {  	s19 =	sld [smem:$0x3FFB];
	_ =	sdelay $0x3  }
0x93: {  	_ =	strace s19  }
0x94: {  	s2 =	sld [smem:$0x3FFC];
	_ =	sdelay $0x3  }
0x95: {  	_ =	strace s2  }
0x96: {  	s2 =	sld [smem:$0x3FFD];
	_ =	sdelay $0x3  }
0x97: {  	_ =	strace s2  }
0x98: {  	_ =	strace $0x8FFFFFFF  }
0x99: {  	s20 =	sld [smem:$0x3FDB];
	_ =	sdelay $0x1  }
0x9a: {  	s5 =	simm.s32 $_scs_section_size  }
0x9b: {  	s6 =	simm.s32 $_size__tile_overlayer_lowered;
	s7 =	simm.s32 $_tile_overlayer_lowered  }
0x9c: {  	s8 =	simm.s32 $0x1BFF;
	s21 =	sshll.u32 s7, $0x1;
	s5 =	sadd.s32 s5, s20  }
0x9d: {  	s22 =	simm.s32 $0x0;
	s6 =	sshll.u32 s6, $0x1;
	s7 =	sadd.s32 s21, s5  }
0x9e: {  	[timem:s22], [sflag:s8] =	dma.local [hbm:s7], s6  }
0x9f: {  	_ =	swait.ge [sflag:s8], s6  }
0xa0: {  	s6 =	ssub.s32 $0x0, s6;
	[sflag:s8] =	ssyncset.done $0x0  }
0xa1: {  	[sflag:s8] =	ssyncadd.s32 s6;
	_ =	sdelay $0x1  }
0xa2: {  	s23 =	simm.s32 $0x1B8B  }
0xa3: {  	_ =	swait.ge [sflag:s23], $0x1  }
0xa4: {  	[sflag:s23] =	ssyncset.done $0x0  }
0xa5: {  	[sflag:s23] =	ssyncadd.s32 $0xFFFFFFFF  }
0xa6: {  	s6 =	sld [smem:$0x0]  }
0xa7: {  	s7 =	sand.u32 $0xFFFFFFFE, s1  }
0xa8: {  	p0 =	sne.s32 s1, s7  }
0xa9: {  	s7 =	sshll.u32 @p0 s7, $0xE  }
0xaa: {  	s7 =	sadd.s32 @p0 $0x11B8D, s7;
	s8 =	sshll.u32 @p0 s6, $0x11  }
0xab: {  	s7 =	sor.u32 @p0 s8, s7  }
0xac: {  	[sflag:s7] =	ssyncadd.remote.s32 @p0 $0x1;
	_ =	sdelay $0x1  }
0xad: {  	s7 =	simm.s32 @p0 $0x1B8D  }
0xae: {  	_ =	swait.eq @p0 [sflag:s7], $0x1  }
0xaf: {  	[sflag:s7] =	ssyncadd.s32 @p0 $0xFFFFFFFF  }
0xb0: {  	s8 =	sshll.u32 @!p0 s1, $0xE  }
0xb1: {  	s8 =	sor.u32 @!p0 $0x4000, s8;
	s7 =	simm.s32 @!p0 $0x1B8D  }
0xb2: {  	s6 =	sshll.u32 @!p0 s6, $0x11;
	s8 =	sadd.s32 @!p0 $0x11B8D, s8;
	_ =	swait.eq @!p0 [sflag:s7], $0x1  }
0xb3: {  	s6 =	sor.u32 @!p0 s6, s8;
	[sflag:s7] =	ssyncadd.s32 @!p0 $0xFFFFFFFF  }
0xb4: {  	s25 =	simm.s32 $0x1B8E;
	s24 =	sld [smem:$0x3FFE];
	[sflag:s6] =	ssyncadd.remote.s32 @!p0 $0x1  }
0xb5: {  	s26 =	simm.s32 $execute0_lowered;
	[smem:$0x3FD2] =	sst s25  }
0xb6: {  	s7 =	sshll.u32 s26, $0x1;
	_ =	strace $0x80000049;
	[dreg:$0x1] =	wrdreg $0xFFFFFFFF  }
0xb7: {  	s28 =	simm.s32 $_size_execute0_lowered;
	s5 =	sadd.s32 s5, s7;
	[dreg:$0x0] =	wrdreg $0x0  }
0xb8: {  	s7 =	sshll.u32 s28, $0x1;
	[dreg:$0x2] =	wrdreg s5  }
0xb9: {  	[dreg:$0x3] =	wrdreg s7  }
0xba: {  	[dreg:$0x4] =	wrdreg $0xC0  }
0xbb: {  	_ =	task [dreg:s22], $0x5FFFF  }
0xbc: {  	[dreg:$0x1] =	wrdreg $0xFFFFFFFF  }
0xbd: {  	[dreg:$0x0] =	wrdreg $0x60  }
0xbe: {  	[dreg:$0x2] =	wrdreg s18  }
0xbf: {  	[dreg:$0x3] =	wrdreg s4  }
0xc0: {  	[dreg:$0x4] =	wrdreg s24  }
0xc1: {  	[dreg:$0x5] =	wrdreg $0x9  }
0xc2: {  	_ =	task.clear_ibuf [dreg:s22], $0x6FFFF;
	_ =	strace $0x90000049  }
0xc3: {  	s29 =	simm.s32 $0x9;
	_ =	strace $0x8000004B  }
0xc4: {  	_ =	swait.ge [sflag:s29], $0x1  }
0xc5: {  	[sflag:s29] =	ssyncadd.s32 $0xFFFFFFFF  }
0xc6: {  	_ =	strace $0x9000004B  }
0xc7: {  	_ =	sfence  }
0xc8: {  	s30 =	sld [smem:$0x0];
	_ =	sdelay $0x2  }
0xc9: {  	s31 =	sshll.u32 s1, $0xD;
	s1 =	sshrl.u32 s1, $0x2  }
0xca: {  	s4 =	sand.u32 $0x4000, s31;
	s1 =	sadd.s32 s1, s30  }
0xcb: {  	s0 =	sor.u32 s4, s0;
	s1 =	sshll.u32 s1, $0x11  }
0xcc: {  	s0 =	sor.u32 s1, s0  }
0xcd: {  	s0 =	sadd.s32 $0x8F2B, s0  }
0xce: {  	[sflag:s0] =	ssyncadd.remote.s32 $0x1  }
0xcf: {  	_ =	sfence.sel $0xFFFF  }
0xd0: {  	[dreg:$0x0] =	wrdreg $0xFFFFFFFF;
	(pc) =	sbr.abs _section_cstart, $3  }
0xd1: {  	[dreg:$0x1] =	wrdreg $0xFFFFFFFF  }
0xd2: {  	_ =	task.clear_ibuf [dreg:s22], $0x2FFFF;
	_ =	strace $0x9FFFFFFF  }
0xd3: {  	(tm) =	ssettm $0x7FFFFFFF  }
tec
execute0_lowered:
.L_overlay_start_1:
0x0: {  	(tag) =	ssettag $0x1  }
0x1: {  	s1 =	rddreg [dreg:$0x0];
	s0 =	srdreg.scid  }
0x2: {  	s8 =	stileid.u32;
	s2 =	rddreg [dreg:$0x1]  }
0x3: {  	s4 =	rddreg [dreg:$0x2];
	s28 =	simm.s32 $0x0;
	s21 =	simm.s32 $0x0  }
0x4: {  	s0 =	sand.u32 $0x1, s0;
	s3 =	sshll.u32 s8, $0x1;
	s8 =	smul.u32 $0x140000, s8  }
0x5: {  	s5 =	sor.u32 s0, s3;
	s7 =	ssub.s32 $0x2, s0;
	s0 =	smul.u32 $0xA0000, s0  }
0x6: {  	[smem:$0x7FF] =	sst s28;
	s10 =	sadd.s32 $0x28B600, s4;
	s6 =	smul.u32 $0xFFFFFFD8, s5  }
0x7: {  	_ =	strace $0x8000004A;
	s5 =	smul.u32 $0x1400, s5;
	s9 =	sshrl.u32 s7, $0x1  }
0x8: {  	s7 =	ssub.s32 s7, s9;
	s0 =	sadd.s32 s0, s8;
	p0 =	sgt.s32 s6, $0xFFFFFB3C  }
0x9: {  	s5 =	sshrl.u32 s5, $0x3;
	s8 =	sshrl.u32 s0, $0x3;
	s30 =	sor.u32 $0xC000, s0  }
0xa: {  	s31 =	sor.u32 $0x8000, s0;
	s0 =	sor.u32 $0x4000, s0;
	s6 =	simm.s32 @!p0 $0xFFFFFB3C  }
0xb: {  	s2 =	sadd.s32 s2, s5;
	s11 =	sshrl.u32 s0, $0x3;
	s29 =	sadd.s32 $0x4C4, s6  }
.Ltmp0:
0xc: {  	s5 =	sadd.s32 $0x5000, s2;
	s6 =	smax.u32 s7, $0x1;
	(pc) =	sbr.rel .LBB2_1-.Ltmp0, $4  }
0xd: {  	s7 =	sadd.s32 s8, s10;
	s2 =	sshrl.u32 s30, $0x3;
	p0 =	seq.s32 s29, $0x0  }
0xe: {  	s8 =	sshrl.u32 s31, $0x3;
	s0 =	sadd.s32 s2, s10;
	s2 =	simm.s32 @!p0 $0x0  }
0xf: {  	s4 =	smin.u32 s29, $0x28;
	s15 =	sadd.s32 s8, s10;
	s2 =	simm.s32 @p0 $0x1  }
0x10: {  	s10 =	sadd.s32 s11, s10;
	s11 =	simm.s32 $0x9;
	[smem:$0x7FD] =	sst s2  }
.LBB2_5:
0x11: {  	s21 =	sadd.s32 $0x1, s21  }
0x12: {  	p0 =	sne.s32 s21, s6  }
.Ltmp1:
0x13: {  	_ = 	snop;
	(pc) =	sbr.rel @!p0 .LBB2_6-.Ltmp1, $1  }
0x14: {  	_ =	sdelay $0x3  }
.LBB2_1:
0x15: {  	s2 =	simm.s32 $0x0  }
0x16: {  	[tilespmem:s2], [sflag:$0x9] =	stream.linear.gather [hbm4b:s5+s2], $0x1400, $0x38;
	[tilespmem:$0x11400] =	vst v63  }
0x17: {  	_ =	swait.ge [sflag:s11], $0x1400  }
0x18: {  	s31 =	sld [smem:$0x7FD];
	_ =	sdelay $0x2  }
0x19: {  	p0 =	seq.s32 s31, $0x1  }
.Ltmp2:
0x1a: {  	_ = 	snop;
	(pc) =	sbr.rel @p0 .LBB2_5-.Ltmp2, $3  }
0x1b: {  	_ =	sdelay $0x1  }
0x1c: {  	[sflag:s11] =	ssyncset.done $0x0  }
0x1d: {  	[sflag:s11] =	ssyncadd.s32 $0xFFFFEC00  }
0x1e: {  	s2 =	simm.s32 $0x0  }
0x1f: {  	s3 =	simm.s32 $0x80;
	s8 =	simm.s32 $0x1400;
	p0 =	sle.u32 s4, $0x0  }
0x20: {  	[tilespmem:s8], [sflag:$0x1] =	stream.indirect.gather [hbm4b:s1+s3], $0x80, s2, s3, $0xb8;
	[tilespmem:$0x11400] =	vst v63  }
0x21: {  	s25 =	simm.s32 $0x5400;
	p2 =	sle.u32 @!p0 s4, $0x3  }
0x22: {  	s26 =	simm.s32 $0x100;
	s9 =	simm.s32 $0x9400;
	p1 =	por p2, p0  }
0x23: {  	[tilespmem:s25], [sflag:$0x2] =	stream.indirect.gather [hbm4b:s1+s3], $0x80, s3, s3, $0xb8;
	[tilespmem:$0x11400] =	vst v63  }
0x24: {  	s31 =	simm.s32 $0x180;
	s8 =	simm.s32 @!p0 $0x1;
	p3 =	por @!p1 $0x1, $0x1  }
0x25: {  	[tilespmem:s9], [sflag:$0x3] =	stream.indirect.gather [hbm4b:s1+s3], $0x80, s26, s3, $0xb8;
	[tilespmem:$0x11400] =	vst v63  }
0x26: {  	s22 =	simm.s32 $0x4;
	p2 =	por @!p0 p3, p2;
	_ =	swait.ge @!p0 [sflag:s8], $0x4000  }
0x27: {  	s14 =	simm.s32 $0x3;
	p2 =	por p2, p0;
	[sflag:s8] =	ssyncset.done @!p0 $0x0  }
0x28: {  	s30 =	simm.s32 $0x8;
	s9 =	simm.s32 @!p2 $0x8;
	[sflag:s8] =	ssyncadd.s32 @!p0 $0xFFFFC000  }
0x29: {  	s29 =	sadd.s32 $0x2000, s7;
	s28 =	sadd.s32 $0x2000, s10;
	_ =	swait.ge @!p2 [sflag:s9], $0x4000  }
0x2a: {  	s13 =	simm.s32 @!p1 $0xD400;
	s25 =	simm.s32 $0x7;
	[sflag:s9] =	ssyncset.done @!p2 $0x0  }
0x2b: {  	p3 =	sle.u32 s4, $0x1;
	s8 =	simm.s32 @!p1 $0x80;
	[sflag:s9] =	ssyncadd.s32 @!p2 $0xFFFFC000  }
0x2c: {  	[tilespmem:s13], [sflag:$0x4] =	stream.indirect.gather @!p1 [hbm4b:s1+s8], $0x80, s31, s8, $0xb8;
	[tilespmem:$0x11400] =	vst v63  }
0x2d: {  	s9 =	simm.s32 @!p0 $0x1400;
	s8 =	simm.s32 @!p0 $0x0;
	s13 =	simm.s32 @!p3 $0x2  }
0x2e: {  	[hbm4b:s7+s8] =	stream.linear.scatter @!p0 [tilespmem:s9], [sflag:$0x5], $0x4000, $0x38;
	[tilespmem:$0x11400] =	vst v63  }
0x2f: {  	p4 =	sle.u32 @!p3 s4, $0x4;
	s24 =	simm.s32 @!p3 $0x0;
	_ =	swait.ge @!p3 [sflag:s13], $0x4000  }
0x30: {  	p2 =	sle.u32 s4, $0x2;
	p1 =	por p4, p3;
	[sflag:s13] =	ssyncset.done @!p3 $0x0  }
0x31: {  	s16 =	simm.s32 @!p2 $0x3;
	[sflag:s13] =	ssyncadd.s32 @!p3 $0xFFFFC000;
	s13 =	simm.s32 @!p1 $0x5  }
0x32: {  	s23 =	simm.s32 @!p1 $0x200;
	s26 =	simm.s32 @!p1 $0x80;
	_ =	swait.ge @!p1 [sflag:s13], $0x4000  }
0x33: {  	s8 =	simm.s32 @!p3 $0x5400;
	p0 =	sle.u32 @!p2 s4, $0x5;
	[sflag:s13] =	ssyncset.done @!p1 $0x0  }
0x34: {  	s9 =	simm.s32 @!p1 $0x1400;
	p5 =	por p0, p2;
	[sflag:s13] =	ssyncadd.s32 @!p1 $0xFFFFC000  }
0x35: {  	[tilespmem:s9], [sflag:$0x1] =	stream.indirect.gather @!p1 [hbm4b:s1+s26], $0x80, s23, s26, $0xb8;
	[tilespmem:$0x11400] =	vst v63  }
0x36: {  	s23 =	simm.s32 $0x380;
	p1 =	sle.u32 s4, $0x4;
	s26 =	sadd.s32 $0x2000, s15  }
0x37: {  	[hbm4b:s10+s24] =	stream.linear.scatter @!p3 [tilespmem:s8], [sflag:$0x6], $0x4000, $0x38;
	[tilespmem:$0x11400] =	vst v63  }
0x38: {  	s9 =	smov.u32 s15;
	s24 =	sadd.s32 $0x2000, s0;
	_ =	swait.ge @!p2 [sflag:s16], $0x4000  }
0x39: {  	p3 =	sle.u32 @!p1 s4, $0x7;
	s8 =	smov.u32 s0;
	[sflag:s16] =	ssyncset.done @!p2 $0x0  }
.LBB2_3:
0x3a: {  	[sflag:s16] =	ssyncadd.s32 @!p2 $0xFFFFC000;
	s3 =	simm.s32 @!p5 $0x6;
	s12 =	sadd.s32 @!p5 $0x100, s31  }
0x3b: {  	s16 =	smov.u32 s30;
	s30 =	sadd.s32 $0x4, s30;
	_ =	swait.ge @!p5 [sflag:s3], $0x4000  }
0x3c: {  	s17 =	simm.s32 @!p5 $0x80;
	p6 =	sge.u32 s14, s4;
	[sflag:s3] =	ssyncset.done @!p5 $0x0  }
0x3d: {  	s18 =	simm.s32 @!p5 $0x5400;
	p4 =	sne.s32 s30, $0x28;
	[sflag:s3] =	ssyncadd.s32 @!p5 $0xFFFFC000  }
0x3e: {  	[tilespmem:s18], [sflag:$0x2] =	stream.indirect.gather @!p5 [hbm4b:s1+s17], $0x80, s12, s17, $0xb8;
	[tilespmem:$0x11400] =	vst v63  }
0x3f: {  	s2 =	sadd.s32 @!p6 $0x6, s2;
	s17 =	simm.s32 @!p4 $0x0  }
0x40: {  	s14 =	simm.s32 @!p6 $0x4;
	p0 =	sge.u32 @!p6 s2, s4;
	s17 =	simm.s32 @p4 $0x1  }
0x41: {  	s2 =	simm.s32 @!p2 $0x0;
	s3 =	simm.s32 @!p2 $0x9400;
	[smem:$0x7FC] =	sst s17  }
0x42: {  	[hbm4b:s9+s2] =	stream.linear.scatter @!p2 [tilespmem:s3], [sflag:$0x7], $0x4000, $0x38;
	[tilespmem:$0x11400] =	vst v63  }
0x43: {  	_ =	swait.ge @!p6 [sflag:s14], $0x4000  }
0x44: {  	p0 =	por p0, p6;
	[sflag:s14] =	ssyncset.done @!p6 $0x0  }
0x45: {  	s2 =	simm.s32 @!p0 $0x7;
	[sflag:s14] =	ssyncadd.s32 @!p6 $0xFFFFC000  }
0x46: {  	s3 =	simm.s32 @!p0 $0x9400;
	_ =	swait.ge @!p0 [sflag:s2], $0x4000  }
0x47: {  	s9 =	sadd.s32 @!p0 $0x180, s31;
	p2 =	por p3, p1;
	[sflag:s2] =	ssyncset.done @!p0 $0x0  }
0x48: {  	s17 =	simm.s32 @!p0 $0x80;
	p4 =	seq.s32 @!p2 s22, $0x0;
	[sflag:s2] =	ssyncadd.s32 @!p0 $0xFFFFC000  }
0x49: {  	[tilespmem:s3], [sflag:$0x3] =	stream.indirect.gather @!p0 [hbm4b:s1+s17], $0x80, s9, s17, $0xb8;
	[tilespmem:$0x11400] =	vst v63  }
0x4a: {  	s2 =	simm.s32 @!p6 $0x0;
	s3 =	simm.s32 @!p1 $0x1;
	s9 =	simm.s32 @!p6 $0xD400  }
0x4b: {  	[hbm4b:s8+s2] =	stream.linear.scatter @!p6 [tilespmem:s9], [sflag:$0x8], $0x4000, $0x38;
	[tilespmem:$0x11400] =	vst v63  }
0x4c: {  	p3 =	por @!p1 p4, p3;
	_ =	swait.ge @!p1 [sflag:s3], $0x4000  }
0x4d: {  	s20 =	sadd.s32 $0x1, s22;
	p0 =	por p3, p1;
	[sflag:s3] =	ssyncset.done @!p1 $0x0  }
0x4e: {  	p5 =	sge.u32 s20, s4;
	s8 =	simm.s32 @!p0 $0x8;
	[sflag:s3] =	ssyncadd.s32 @!p1 $0xFFFFC000  }
0x4f: {  	s19 =	sadd.s32 $0x3, s16;
	s12 =	simm.s32 @!p5 $0x2;
	_ =	swait.ge @!p0 [sflag:s8], $0x4000  }
0x50: {  	s14 =	sadd.s32 @!p5 $0x4, s22;
	s17 =	simm.s32 @!p2 $0xD400;
	[sflag:s8] =	ssyncset.done @!p0 $0x0  }
0x51: {  	s9 =	simm.s32 @!p2 $0x80;
	s2 =	smov.u32 s22;
	[sflag:s8] =	ssyncadd.s32 @!p0 $0xFFFFC000  }
0x52: {  	[tilespmem:s17], [sflag:$0x4] =	stream.indirect.gather @!p2 [hbm4b:s1+s9], $0x80, s23, s9, $0xb8;
	[tilespmem:$0x11400] =	vst v63  }
0x53: {  	s22 =	smov.u32 s16;
	s16 =	simm.s32 @!p1 $0x1400;
	s3 =	simm.s32 @!p1 $0x0  }
0x54: {  	[hbm4b:s29+s3] =	stream.linear.scatter @!p1 [tilespmem:s16], [sflag:$0x5], $0x4000, $0x38;
	[tilespmem:$0x11400] =	vst v63  }
0x55: {  	p4 =	sge.u32 @!p5 s14, s4;
	_ =	swait.ge @!p5 [sflag:s12], $0x4000  }
0x56: {  	s13 =	smov.u32 s28;
	p4 =	por p4, p5;
	[sflag:s12] =	ssyncset.done @!p5 $0x0  }
0x57: {  	s14 =	smov.u32 s25;
	[sflag:s12] =	ssyncadd.s32 @!p5 $0xFFFFC000;
	s12 =	simm.s32 @!p4 $0x5  }
0x58: {  	s25 =	smov.u32 s19;
	s19 =	sadd.s32 $0x2, s2;
	_ =	swait.ge @!p4 [sflag:s12], $0x4000  }
0x59: {  	s20 =	simm.s32 @!p4 $0x80;
	p2 =	sge.u32 s19, s4;
	[sflag:s12] =	ssyncset.done @!p4 $0x0  }
0x5a: {  	s17 =	simm.s32 @!p4 $0x1400;
	s19 =	sadd.s32 @!p4 $0x80, s23;
	[sflag:s12] =	ssyncadd.s32 @!p4 $0xFFFFC000  }
0x5b: {  	[tilespmem:s17], [sflag:$0x1] =	stream.indirect.gather @!p4 [hbm4b:s1+s20], $0x80, s19, s20, $0xb8;
	[tilespmem:$0x11400] =	vst v63  }
0x5c: {  	s18 =	simm.s32 @!p5 $0x0;
	s3 =	simm.s32 @!p5 $0x5400;
	s16 =	simm.s32 @!p2 $0x3  }
0x5d: {  	[hbm4b:s13+s18] =	stream.linear.scatter @!p5 [tilespmem:s3], [sflag:$0x6], $0x4000, $0x38;
	[tilespmem:$0x11400] =	vst v63  }
0x5e: {  	_ =	swait.ge @!p2 [sflag:s16], $0x4000  }
0x5f: {  	s20 =	sld [smem:$0x7FC];
	_ =	sdelay $0x2  }
0x60: {  	s28 =	sadd.s32 $0x2000, s28;
	p0 =	seq.s32 s20, $0x1  }
.Ltmp3:
0x61: {  	s31 =	smov.u32 s23;
	s9 =	smov.u32 s26;
	(pc) =	sbr.rel @p0 .LBB2_3-.Ltmp3, $4  }
0x62: {  	s23 =	sadd.s32 $0x200, s23;
	s26 =	sadd.s32 $0x2000, s26;
	s8 =	sadd.s32 @!p2 $0x5, s2  }
0x63: {  	p6 =	sge.u32 @!p2 s8, s4;
	s8 =	smov.u32 s24;
	p1 =	sge.u32 s22, s4  }
0x64: {  	s29 =	sadd.s32 $0x2000, s29;
	s24 =	sadd.s32 $0x2000, s24;
	s3 =	sadd.s32 @!p1 $0x3, s22  }
0x65: {  	p5 =	por p6, p2;
	p3 =	sge.u32 @!p1 s3, s4;
	[sflag:s16] =	ssyncset.done @!p2 $0x0  }
0x66: {  	[sflag:s16] =	ssyncadd.s32 @!p2 $0xFFFFC000;
	s3 =	simm.s32 @!p5 $0x6  }
0x67: {  	s12 =	sadd.s32 @!p5 $0x100, s31;
	_ =	swait.ge @!p5 [sflag:s3], $0x4000  }
0x68: {  	s13 =	simm.s32 @!p5 $0x80;
	p0 =	sge.u32 s14, s4;
	[sflag:s3] =	ssyncset.done @!p5 $0x0  }
0x69: {  	s16 =	simm.s32 @!p5 $0x5400;
	s14 =	simm.s32 @!p0 $0x4;
	[sflag:s3] =	ssyncadd.s32 @!p5 $0xFFFFC000  }
0x6a: {  	[tilespmem:s16], [sflag:$0x2] =	stream.indirect.gather @!p5 [hbm4b:s1+s13], $0x80, s12, s13, $0xb8;
	[tilespmem:$0x11400] =	vst v63  }
0x6b: {  	s2 =	sadd.s32 @!p0 $0x6, s2;
	s3 =	simm.s32 @!p2 $0x0;
	s12 =	simm.s32 @!p2 $0x9400  }
0x6c: {  	[hbm4b:s9+s3] =	stream.linear.scatter @!p2 [tilespmem:s12], [sflag:$0x7], $0x4000, $0x38;
	[tilespmem:$0x11400] =	vst v63  }
0x6d: {  	p2 =	sge.u32 @!p0 s2, s4;
	_ =	swait.ge @!p0 [sflag:s14], $0x4000  }
0x6e: {  	p2 =	por p2, p0;
	[sflag:s14] =	ssyncset.done @!p0 $0x0  }
0x6f: {  	s2 =	simm.s32 @!p2 $0x7;
	[sflag:s14] =	ssyncadd.s32 @!p0 $0xFFFFC000  }
0x70: {  	p4 =	por p3, p1;
	_ =	swait.ge @!p2 [sflag:s2], $0x4000  }
0x71: {  	p5 =	seq.s32 @!p4 s22, $0x0;
	s3 =	simm.s32 @!p2 $0x9400;
	[sflag:s2] =	ssyncset.done @!p2 $0x0  }
0x72: {  	s9 =	sadd.s32 @!p2 $0x180, s31;
	s12 =	simm.s32 @!p2 $0x80;
	[sflag:s2] =	ssyncadd.s32 @!p2 $0xFFFFC000  }
0x73: {  	[tilespmem:s3], [sflag:$0x3] =	stream.indirect.gather @!p2 [hbm4b:s1+s12], $0x80, s9, s12, $0xb8;
	[tilespmem:$0x11400] =	vst v63  }
0x74: {  	s2 =	simm.s32 @!p0 $0x0;
	s3 =	simm.s32 @!p1 $0x1;
	s9 =	simm.s32 @!p0 $0xD400  }
0x75: {  	[hbm4b:s8+s2] =	stream.linear.scatter @!p0 [tilespmem:s9], [sflag:$0x8], $0x4000, $0x38;
	[tilespmem:$0x11400] =	vst v63  }
0x76: {  	p0 =	por @!p1 p5, p3;
	_ =	swait.ge @!p1 [sflag:s3], $0x4000  }
0x77: {  	p0 =	por p0, p1;
	[sflag:s3] =	ssyncset.done @!p1 $0x0  }
0x78: {  	s19 =	sadd.s32 $0x1, s22;
	s8 =	simm.s32 @!p0 $0x8;
	[sflag:s3] =	ssyncadd.s32 @!p1 $0xFFFFC000  }
0x79: {  	p2 =	sge.u32 s19, s4;
	_ =	swait.ge @!p0 [sflag:s8], $0x4000  }
0x7a: {  	s2 =	sadd.s32 @!p2 $0x4, s22;
	[sflag:s8] =	ssyncset.done @!p0 $0x0  }
0x7b: {  	s9 =	simm.s32 @!p4 $0xD400;
	s3 =	simm.s32 @!p4 $0x80;
	[sflag:s8] =	ssyncadd.s32 @!p0 $0xFFFFC000  }
0x7c: {  	[tilespmem:s9], [sflag:$0x4] =	stream.indirect.gather @!p4 [hbm4b:s1+s3], $0x80, s23, s3, $0xb8;
	[tilespmem:$0x11400] =	vst v63  }
0x7d: {  	s8 =	simm.s32 @!p1 $0x1400;
	s3 =	simm.s32 @!p1 $0x0;
	s9 =	simm.s32 @!p2 $0x2  }
0x7e: {  	[hbm4b:s29+s3] =	stream.linear.scatter @!p1 [tilespmem:s8], [sflag:$0x5], $0x4000, $0x38;
	[tilespmem:$0x11400] =	vst v63  }
0x7f: {  	p0 =	sge.u32 @!p2 s2, s4;
	_ =	swait.ge @!p2 [sflag:s9], $0x4000  }
0x80: {  	p0 =	por p0, p2;
	[sflag:s9] =	ssyncset.done @!p2 $0x0  }
0x81: {  	s3 =	simm.s32 @!p0 $0x5;
	[sflag:s9] =	ssyncadd.s32 @!p2 $0xFFFFC000  }
0x82: {  	s20 =	sadd.s32 $0x2, s22;
	s2 =	simm.s32 @!p2 $0x5400;
	_ =	swait.ge @!p0 [sflag:s3], $0x4000  }
0x83: {  	s12 =	simm.s32 @!p0 $0x80;
	p1 =	sge.u32 s20, s4;
	[sflag:s3] =	ssyncset.done @!p0 $0x0  }
0x84: {  	s8 =	simm.s32 @!p0 $0x1400;
	s9 =	sadd.s32 @!p0 $0x80, s23;
	[sflag:s3] =	ssyncadd.s32 @!p0 $0xFFFFC000  }
0x85: {  	[tilespmem:s8], [sflag:$0x1] =	stream.indirect.gather @!p0 [hbm4b:s1+s12], $0x80, s9, s12, $0xb8;
	[tilespmem:$0x11400] =	vst v63  }
0x86: {  	s3 =	sadd.s32 @!p1 $0x5, s22;
	s8 =	simm.s32 @!p2 $0x0;
	s9 =	simm.s32 @!p1 $0x3  }
0x87: {  	[hbm4b:s28+s8] =	stream.linear.scatter @!p2 [tilespmem:s2], [sflag:$0x6], $0x4000, $0x38;
	[tilespmem:$0x11400] =	vst v63  }
0x88: {  	p0 =	sge.u32 @!p1 s3, s4;
	_ =	swait.ge @!p1 [sflag:s9], $0x4000  }
0x89: {  	p2 =	por p0, p1;
	[sflag:s9] =	ssyncset.done @!p1 $0x0  }
0x8a: {  	s2 =	simm.s32 @!p2 $0x6;
	[sflag:s9] =	ssyncadd.s32 @!p1 $0xFFFFC000  }
0x8b: {  	p0 =	sge.u32 s25, s4;
	_ =	swait.ge @!p2 [sflag:s2], $0x4000  }
0x8c: {  	s3 =	sadd.s32 @!p2 $0x100, s23;
	s8 =	simm.s32 @!p2 $0x80;
	[sflag:s2] =	ssyncset.done @!p2 $0x0  }
0x8d: {  	s12 =	simm.s32 @!p2 $0x5400;
	s9 =	simm.s32 @!p0 $0x4;
	[sflag:s2] =	ssyncadd.s32 @!p2 $0xFFFFC000  }
0x8e: {  	[tilespmem:s12], [sflag:$0x2] =	stream.indirect.gather @!p2 [hbm4b:s1+s8], $0x80, s3, s8, $0xb8;
	[tilespmem:$0x11400] =	vst v63  }
0x8f: {  	s2 =	sadd.s32 @!p0 $0x6, s22;
	s3 =	simm.s32 @!p1 $0x0;
	s8 =	simm.s32 @!p1 $0x9400  }
0x90: {  	[hbm4b:s26+s3] =	stream.linear.scatter @!p1 [tilespmem:s8], [sflag:$0x7], $0x4000, $0x38;
	[tilespmem:$0x11400] =	vst v63  }
0x91: {  	p1 =	sge.u32 @!p0 s2, s4;
	_ =	swait.ge @!p0 [sflag:s9], $0x4000  }
0x92: {  	p1 =	por p1, p0;
	[sflag:s9] =	ssyncset.done @!p0 $0x0  }
0x93: {  	s2 =	simm.s32 @!p1 $0x7;
	[sflag:s9] =	ssyncadd.s32 @!p0 $0xFFFFC000  }
0x94: {  	_ =	swait.ge @!p1 [sflag:s2], $0x4000  }
0x95: {  	s3 =	simm.s32 @!p1 $0x9400;
	[sflag:s2] =	ssyncset.done @!p1 $0x0  }
0x96: {  	s8 =	sadd.s32 @!p1 $0x180, s23;
	s9 =	simm.s32 @!p1 $0x80;
	[sflag:s2] =	ssyncadd.s32 @!p1 $0xFFFFC000  }
0x97: {  	[tilespmem:s3], [sflag:$0x3] =	stream.indirect.gather @!p1 [hbm4b:s1+s9], $0x80, s8, s9, $0xb8;
	[tilespmem:$0x11400] =	vst v63  }
0x98: {  	s28 =	simm.s32 $0x5;
	s2 =	simm.s32 @!p0 $0x0;
	s3 =	simm.s32 @!p0 $0xD400  }
0x99: {  	[hbm4b:s24+s2] =	stream.linear.scatter @!p0 [tilespmem:s3], [sflag:$0x8], $0x4000, $0x38;
	[tilespmem:$0x11400] =	vst v63  }
0x9a: {  	_ =	swait.ge [sflag:s28], $0x4000  }
0x9b: {  	[sflag:s28] =	ssyncset.done $0x0  }
0x9c: {  	s29 =	simm.s32 $0x6;
	[sflag:s28] =	ssyncadd.s32 $0xFFFFC000  }
0x9d: {  	_ =	swait.ge [sflag:s29], $0x4000  }
0x9e: {  	[sflag:s29] =	ssyncset.done $0x0  }
0x9f: {  	s30 =	simm.s32 $0x7;
	[sflag:s29] =	ssyncadd.s32 $0xFFFFC000  }
0xa0: {  	_ =	swait.ge [sflag:s30], $0x4000  }
.Ltmp4:
0xa1: {  	[sflag:s30] =	ssyncset.done $0x0;
	(pc) =	sbr.rel .LBB2_5-.Ltmp4, $4  }
0xa2: {  	s31 =	simm.s32 $0x8;
	[sflag:s30] =	ssyncadd.s32 $0xFFFFC000  }
0xa3: {  	_ =	swait.ge [sflag:s31], $0x4000  }
0xa4: {  	[sflag:s31] =	ssyncset.done $0x0  }
0xa5: {  	[sflag:s31] =	ssyncadd.s32 $0xFFFFC000  }
.LBB2_6:
0xa6: {  	_ =	sfence.sel $0x180000  }
0xa7: {  	[bflag:$0x0] =	sbarrier.arrive $0xFFFF  }
0xa8: {  	_ =	strace $0x9000004A  }
0xa9: {  	s0 =	stileid.u32;
	[bflag:$0x2] =	sbarrier.arrive $0xFFFF  }
0xaa: {  	p0 =	sne.s32 s0, $0x0;
	s0 =	rddreg [dreg:$0x3]  }
0xab: {  	s0 =	sadd.s32 @!p0 $0x100000, s0  }
0xac: {  	[sflag:s0] =	ssyncadd.tile.s32 @!p0 $0x1;
	_ =	shalt  }
.Lfunc_end2:
_tile_overlayer_lowered:
.L_overlay_start_2:
0xad: {  	(tag) =	ssettag $0x2  }
0xae: {  	s0 =	rddreg [dreg:$0x0];
	s2 =	stileid.u32  }
0xaf: {  	s1 =	rddreg [dreg:$0x1];
	p0 =	sne.s32 s2, $0x0  }
0xb0: {  	s3 =	rddreg [dreg:$0x2];
	[bflag:$0x3] =	sbarrier.arrive $0xFFFF;
	s2 =	simm.s32 @!p0 $0x1C09  }
0xb1: {  	[timem:s3], [sflag:s2] =	dma.local @!p0 [hbm:s0], s1  }
0xb2: {  	s0 =	simm.s32 @!p0 $0x9  }
0xb3: {  	_ =	swait.ge @!p0 [sflag:s0], s1  }
0xb4: {  	s1 =	ssub.s32 @!p0 $0x0, s1;
	[sflag:s0] =	ssyncset.done @!p0 $0x0  }
0xb5: {  	[sflag:s0] =	ssyncadd.s32 @!p0 s1  }
0xb6: {  	[bflag:$0x3] =	sbarrier.arrive $0xFFFF  }
0xb7: {  	_ =	shalt  }

// kernel: kernel.15.cloned.1.call-start
scs
__scs_entry_jumppad:
0x0: {  	(pc) =	sbr.rel $0x88, $3  }
0x1: {  	(tag) =	ssettag $0x0;
	lr =	simm.s32 $0x1  }
0x2: {  	[smem:$0x3F99] =	sst lr;
	_ =	strace $0xD0000000  }
0x3: {  	_ = 	snop  }
0x4: {  	_ = 	snop  }
0x5: {  	_ = 	snop  }
0x6: {  	_ = 	snop  }
0x7: {  	_ = 	snop  }
__scs_overlays_trampoline_lowered:
0x8: {  	[smem:$0x3FA8] =	sst s0  }
0x9: {  	[smem:$0x3FA9] =	sst s1  }
0xa: {  	[smem:$0x3FAA] =	sst s2  }
0xb: {  	[smem:$0x3FAB] =	sst s3  }
0xc: {  	[smem:$0x3FAC] =	sst s4  }
0xd: {  	[smem:$0x3FAD] =	sst s5  }
0xe: {  	[smem:$0x3FAE] =	sst s6  }
0xf: {  	[smem:$0x3FAF] =	sst s7  }
0x10: {  	[smem:$0x3FB0] =	sst s8  }
0x11: {  	[smem:$0x3FB1] =	sst s9;
	s0 =	simm.s32 @!p0 $0x0  }
0x12: {  	s1 =	sld [smem:$0x3F97];
	s0 =	simm.s32 @p0 $0x1  }
0x13: {  	[smem:$0x3FB2] =	sst s0;
	s0 =	simm.s32 @!p1 $0x0  }
0x14: {  	s2 =	sld [smem:$0x3F96];
	s0 =	simm.s32 @p1 $0x1  }
0x15: {  	[smem:$0x3FB3] =	sst s0;
	s0 =	simm.s32 @!p2 $0x0  }
0x16: {  	s3 =	sld [smem:$0x3FDB];
	s0 =	simm.s32 @p2 $0x1  }
0x17: {  	s4 =	simm.s32 $0x1BF5;
	[smem:$0x3FB5] =	sst s0  }
0x18: {  	s0 =	sld [smem:$0x3F98];
	_ =	swait.ge [sflag:s4], $0x0  }
0x19: {  	s7 =	sld [smem:$0x3F99]  }
0x1a: {  	s8 =	sadd.s32 $0xFFFFE003, lr  }
0x1b: {  	s9 =	sadd.s32 $0xFFFFFEF7, lr;
	s5 =	simm.s32 $0xFFFFFFFF;
	p2 =	slt.u32 s8, $0xFFFFF086  }
0x1c: {  	p1 =	slt.u32 s9, $0xF7A;
	s5 =	simm.s32 @!p2 $0x0  }
0x1d: {  	s5 =	simm.s32 @p1 $0x1;
	p0 =	seq.s32 s7, s2  }
0x1e: {  	s7 =	smul.u32 @!p0 $0xF7A, s2;
	p2 =	seq.s32 @!p0 s5, $0x0  }
0x1f: {  	s9 =	smul.u32 $0xF7A, s1;
	s8 =	simm.s32 @!p0 $0x1BF5;
	p2 =	por !p2, p0  }
0x20: {  	[sflag:s8] =	ssyncset.s32 @!p0 $0xFFFFF086;
	s6 =	sadd.s32 @!p0 s3, s7;
	s7 =	simm.s32 @!p0 $0x108  }
0x21: {  	s3 =	sadd.s32 s3, s9;
	s6 =	sadd.s32 @!p0 $0x88, s6;
	s7 =	simm.s32 @p2 $0x1082  }
0x22: {  	[simem:s7], [sflag:s8] =	dma.local @!p0 [hbm:s6], $0xF7A  }
0x23: {  	s9 =	sor.u32 $0xD0000000, s2;
	s6 =	simm.s32 $0x108;
	_ =	swait.ge @!p0 [sflag:s8], $0x0  }
0x24: {  	s3 =	sadd.s32 $0x88, s3;
	s6 =	simm.s32 @!p1 $0x1082;
	[sflag:s4] =	ssyncset.s32 $0xFFFFF086  }
0x25: {  	[simem:s6], [sflag:s4] =	dma.local [hbm:s3], $0xF7A  }
0x26: {  	[smem:$0x3F99] =	sst s1;
	(tag) =	ssettag s2;
	_ =	strace s9  }
0x27: {  	s1 =	sld [smem:$0x3FA9]  }
0x28: {  	s2 =	sld [smem:$0x3FAA]  }
0x29: {  	s4 =	sld [smem:$0x3FAC]  }
0x2a: {  	p0 =	seq.s32 s5, $0x0;
	s5 =	sld [smem:$0x3FAD]  }
0x2b: {  	s6 =	sld [smem:$0x3FAE]  }
0x2c: {  	s7 =	sld [smem:$0x3FAF]  }
0x2d: {  	s3 =	simm.s32 $0x108;
	s8 =	sld [smem:$0x3FB0]  }
0x2e: {  	s3 =	simm.s32 @!p0 $0x1082;
	s9 =	sld [smem:$0x3FB1]  }
0x2f: {  	lr =	sadd.s32 s0, s3;
	s0 =	sld [smem:$0x3FA8]  }
0x30: {  	s3 =	sld [smem:$0x3FAB]  }
0x31: {  	[smem:$0x3FB4] =	sst s10  }
0x32: {  	s10 =	sld [smem:$0x3FB2];
	_ =	sdelay $0x3  }
0x33: {  	p0 =	seq.s32 s10, $0x1;
	s10 =	sld [smem:$0x3FB4];
	_ =	sdelay $0x3  }
0x34: {  	[smem:$0x3FB4] =	sst s10  }
0x35: {  	s10 =	sld [smem:$0x3FB3];
	_ =	sdelay $0x3  }
0x36: {  	p1 =	seq.s32 s10, $0x1;
	s10 =	sld [smem:$0x3FB4];
	_ =	sdelay $0x3  }
0x37: {  	[smem:$0x3FB4] =	sst s10  }
0x38: {  	s10 =	sld [smem:$0x3FB5]  }
0x39: {  	_ = 	snop;
	(pc) =	sbr.ind lr, $3  }
0x3a: {  	_ = 	snop  }
0x3b: {  	_ = 	snop  }
0x3c: {  	p2 =	seq.s32 s10, $0x1;
	s10 =	sld [smem:$0x3FB4]  }
0x3d: {  	_ =	shalt  }
0x3e: {  	_ =	shalt  }
0x3f: {  	_ =	shalt  }
0x40: {  	_ =	shalt  }
0x41: {  	_ =	shalt  }
0x42: {  	_ =	shalt  }
0x43: {  	_ =	shalt  }
0x44: {  	_ =	shalt  }
0x45: {  	_ =	shalt  }
0x46: {  	_ =	shalt  }
0x47: {  	_ =	shalt  }
0x48: {  	_ =	shalt  }
0x49: {  	_ =	shalt  }
0x4a: {  	_ =	shalt  }
0x4b: {  	_ =	shalt  }
0x4c: {  	_ =	shalt  }
0x4d: {  	_ =	shalt  }
0x4e: {  	_ =	shalt  }
0x4f: {  	_ =	shalt  }
0x50: {  	_ =	shalt  }
0x51: {  	_ =	shalt  }
0x52: {  	_ =	shalt  }
0x53: {  	_ =	shalt  }
0x54: {  	_ =	shalt  }
0x55: {  	_ =	shalt  }
0x56: {  	_ =	shalt  }
0x57: {  	_ =	shalt  }
0x58: {  	_ =	shalt  }
0x59: {  	_ =	shalt  }
0x5a: {  	_ =	shalt  }
0x5b: {  	_ =	shalt  }
0x5c: {  	_ =	shalt  }
0x5d: {  	_ =	shalt  }
0x5e: {  	_ =	shalt  }
0x5f: {  	_ =	shalt  }
0x60: {  	_ =	shalt  }
0x61: {  	_ =	shalt  }
0x62: {  	_ =	shalt  }
0x63: {  	_ =	shalt  }
0x64: {  	_ =	shalt  }
0x65: {  	_ =	shalt  }
0x66: {  	_ =	shalt  }
0x67: {  	_ =	shalt  }
0x68: {  	_ =	shalt  }
0x69: {  	_ =	shalt  }
0x6a: {  	_ =	shalt  }
0x6b: {  	_ =	shalt  }
0x6c: {  	_ =	shalt  }
0x6d: {  	_ =	shalt  }
0x6e: {  	_ =	shalt  }
0x6f: {  	_ =	shalt  }
0x70: {  	_ =	shalt  }
0x71: {  	_ =	shalt  }
0x72: {  	_ =	shalt  }
0x73: {  	_ =	shalt  }
0x74: {  	_ =	shalt  }
0x75: {  	_ =	shalt  }
0x76: {  	_ =	shalt  }
0x77: {  	_ =	shalt  }
0x78: {  	_ =	shalt  }
0x79: {  	_ =	shalt  }
0x7a: {  	_ =	shalt  }
0x7b: {  	_ =	shalt  }
0x7c: {  	_ =	shalt  }
0x7d: {  	_ =	shalt  }
0x7e: {  	_ =	shalt  }
0x7f: {  	_ =	shalt  }
0x80: {  	_ =	shalt  }
0x81: {  	_ =	shalt  }
0x82: {  	_ =	shalt  }
0x83: {  	_ =	shalt  }
0x84: {  	_ =	shalt  }
0x85: {  	_ =	shalt  }
0x86: {  	_ =	shalt  }
0x87: {  	_ =	shalt  }
.Lfunc_end0:
.L_simem_size_0:
called_computation.2_lowered:
.L_overlay_start_0:
0x88: {  	s2 =	sld [smem:$0x3FD9]  }
0x89: {  	s3 =	sld [smem:$0x3FFE];
	_ =	sdelay $0x1  }
0x8a: {  	s1 =	srdreg.scid  }
0x8b: {  	s0 =	sand.u32 $0x1, s1  }
0x8c: {  	s17 =	sshll.u32 s0, $0xA;
	s2 =	sadd.s32 s3, s2  }
0x8d: {  	s2 =	sadd.s32 s2, s17  }
0x8e: {  	[smem:$0x3FC0] =	sst s2  }
0x8f: {  	_ = 	snop  }
0x90: {  	(tm) =	ssettm $0x1  }
0x91: {  	s18 =	sld [smem:$0x3FFB];
	_ =	sdelay $0x3  }
0x92: {  	_ =	strace s18  }
0x93: {  	s2 =	sld [smem:$0x3FFC];
	_ =	sdelay $0x3  }
0x94: {  	_ =	strace s2  }
0x95: {  	s2 =	sld [smem:$0x3FFD];
	_ =	sdelay $0x3  }
0x96: {  	_ =	strace s2  }
0x97: {  	_ =	strace $0x8FFFFFFF  }
0x98: {  	s19 =	sld [smem:$0x3FDB];
	_ =	sdelay $0x1  }
0x99: {  	s20 =	simm.s32 $_scs_section_size  }
0x9a: {  	s4 =	simm.s32 $_size__tile_overlayer_lowered;
	s5 =	simm.s32 $_tile_overlayer_lowered  }
0x9b: {  	s6 =	simm.s32 $0x1BFF;
	s21 =	sshll.u32 s5, $0x1;
	s3 =	sadd.s32 s20, s19  }
0x9c: {  	s22 =	simm.s32 $0x0;
	s4 =	sshll.u32 s4, $0x1;
	s5 =	sadd.s32 s21, s3  }
0x9d: {  	[timem:s22], [sflag:s6] =	dma.local [hbm:s5], s4  }
0x9e: {  	_ =	swait.ge [sflag:s6], s4  }
0x9f: {  	s4 =	ssub.s32 $0x0, s4;
	[sflag:s6] =	ssyncset.done $0x0  }
0xa0: {  	[sflag:s6] =	ssyncadd.s32 s4;
	_ =	sdelay $0x1  }
0xa1: {  	s23 =	simm.s32 $0x1B8B  }
0xa2: {  	_ =	swait.ge [sflag:s23], $0x1  }
0xa3: {  	[sflag:s23] =	ssyncset.done $0x0  }
0xa4: {  	[sflag:s23] =	ssyncadd.s32 $0xFFFFFFFF  }
0xa5: {  	s4 =	sld [smem:$0x0]  }
0xa6: {  	s5 =	sand.u32 $0xFFFFFFFE, s1  }
0xa7: {  	p0 =	sne.s32 s1, s5  }
0xa8: {  	s5 =	sshll.u32 @p0 s5, $0xE  }
0xa9: {  	s5 =	sadd.s32 @p0 $0x11B8D, s5;
	s6 =	sshll.u32 @p0 s4, $0x11  }
0xaa: {  	s5 =	sor.u32 @p0 s6, s5  }
0xab: {  	[sflag:s5] =	ssyncadd.remote.s32 @p0 $0x1;
	_ =	sdelay $0x1  }
0xac: {  	s5 =	simm.s32 @p0 $0x1B8D  }
0xad: {  	_ =	swait.eq @p0 [sflag:s5], $0x1  }
0xae: {  	[sflag:s5] =	ssyncadd.s32 @p0 $0xFFFFFFFF  }
0xaf: {  	s6 =	sshll.u32 @!p0 s1, $0xE  }
0xb0: {  	s6 =	sor.u32 @!p0 $0x4000, s6;
	s5 =	simm.s32 @!p0 $0x1B8D  }
0xb1: {  	s4 =	sshll.u32 @!p0 s4, $0x11;
	s6 =	sadd.s32 @!p0 $0x11B8D, s6;
	_ =	swait.eq @!p0 [sflag:s5], $0x1  }
0xb2: {  	s4 =	sor.u32 @!p0 s4, s6;
	[sflag:s5] =	ssyncadd.s32 @!p0 $0xFFFFFFFF  }
0xb3: {  	s25 =	simm.s32 $0x1B8E;
	s24 =	sld [smem:$0x3FFE];
	[sflag:s4] =	ssyncadd.remote.s32 @!p0 $0x1  }
0xb4: {  	s26 =	simm.s32 $execute0_lowered;
	[smem:$0x3FD2] =	sst s25  }
0xb5: {  	s5 =	sshll.u32 s26, $0x1;
	_ =	strace $0x8000004C;
	[dreg:$0x1] =	wrdreg $0xFFFFFFFF  }
0xb6: {  	s28 =	simm.s32 $_size_execute0_lowered;
	s3 =	sadd.s32 s3, s5;
	[dreg:$0x0] =	wrdreg $0x0  }
0xb7: {  	s5 =	sshll.u32 s28, $0x1;
	[dreg:$0x2] =	wrdreg s3  }
0xb8: {  	[dreg:$0x3] =	wrdreg s5  }
0xb9: {  	[dreg:$0x4] =	wrdreg $0xC0  }
0xba: {  	_ =	task [dreg:s22], $0x5FFFF  }
0xbb: {  	[dreg:$0x1] =	wrdreg $0xFFFFFFFF  }
0xbc: {  	[dreg:$0x0] =	wrdreg $0x60  }
0xbd: {  	[dreg:$0x2] =	wrdreg s24  }
0xbe: {  	[dreg:$0x3] =	wrdreg $0x94000  }
0xbf: {  	[dreg:$0x4] =	wrdreg $0xA  }
0xc0: {  	_ =	task.clear_ibuf [dreg:s22], $0x5FFFF;
	_ =	strace $0x9000004C  }
0xc1: {  	s29 =	simm.s32 $0xA;
	_ =	strace $0x8000004E  }
0xc2: {  	_ =	swait.ge [sflag:s29], $0x1  }
0xc3: {  	[sflag:s29] =	ssyncadd.s32 $0xFFFFFFFF  }
0xc4: {  	_ =	strace $0x9000004E  }
0xc5: {  	_ =	sfence  }
0xc6: {  	s30 =	sld [smem:$0x0];
	_ =	sdelay $0x2  }
0xc7: {  	s31 =	sshll.u32 s1, $0xD;
	s1 =	sshrl.u32 s1, $0x2  }
0xc8: {  	s4 =	sand.u32 $0x4000, s31;
	s1 =	sadd.s32 s1, s30  }
0xc9: {  	s0 =	sor.u32 s4, s0;
	s1 =	sshll.u32 s1, $0x11  }
0xca: {  	s0 =	sor.u32 s1, s0  }
0xcb: {  	s0 =	sadd.s32 $0x8F2B, s0  }
0xcc: {  	[sflag:s0] =	ssyncadd.remote.s32 $0x1  }
0xcd: {  	_ =	sfence.sel $0xFFFF  }
0xce: {  	[dreg:$0x0] =	wrdreg $0xFFFFFFFF;
	(pc) =	sbr.abs _section_cstart, $3  }
0xcf: {  	[dreg:$0x1] =	wrdreg $0xFFFFFFFF  }
0xd0: {  	_ =	task.clear_ibuf [dreg:s22], $0x2FFFF;
	_ =	strace $0x9FFFFFFF  }
0xd1: {  	(tm) =	ssettm $0x7FFFFFFF  }
tec
execute0_lowered:
.L_overlay_start_1:
0x0: {  	(tag) =	ssettag $0x1  }
0x1: {  	s1 =	srdreg.scid;
	s4 =	rddreg [dreg:$0x0]  }
0x2: {  	s0 =	stileid.u32;
	s2 =	rddreg [dreg:$0x1];
	s3 =	simm.s32 $0x0  }
0x3: {  	s17 =	simm.s32 $0x1;
	s18 =	simm.s32 $0x5400;
	s7 =	smul.u32 $0x14000, s0  }
0x4: {  	s19 =	simm.s32 $0x80;
	s8 =	sand.u32 $0x1, s1;
	s21 =	smul.u32 $0x50000, s0  }
0x5: {  	s20 =	sshll.u32 s0, $0x1;
	s1 =	rddreg [dreg:$0x2];
	s15 =	smul.u32 $0x140000, s0  }
0x6: {  	[smem:$0x7FF] =	sst s3;
	s13 =	sadd.s32 $0x9D9600, s4;
	s9 =	smul.u32 $0x140000, s8  }
0x7: {  	s26 =	sshll.u32 s0, $0x6;
	s5 =	sor.u32 s8, s20;
	s16 =	smul.u32 $0xA0000, s8  }
0x8: {  	_ =	strace $0x8000004D;
	s11 =	ssub.s32 $0x2, s8;
	s6 =	smul.u32 $0x280, s5  }
0x9: {  	s20 =	simm.s32 $0x2;
	s10 =	sshrl.u32 s7, $0x3;
	s25 =	smul.u32 $0x14000, s5  }
0xa: {  	s22 =	sshrl.u32 s11, $0x1;
	s23 =	sshrl.u32 s21, $0x2;
	s28 =	smul.u32 $0xA0000, s5  }
0xb: {  	s5 =	sor.u32 $0x1C05, s26;
	s21 =	simm.s32 $0x3;
	s7 =	sadd.s32 s7, s9  }
0xc: {  	s10 =	sadd.s32 s10, s4;
	s24 =	ssub.s32 s11, s22;
	s14 =	sadd.s32 s23, s2  }
0xd: {  	s30 =	sadd.s32 s16, s15;
	s16 =	simm.s32 $0x1400;
	s22 =	simm.s32 $0x4  }
0xe: {  	s23 =	simm.s32 $0x0;
	s6 =	sadd.s32 s6, s4;
	s7 =	sshrl.u32 s7, $0x3  }
0xf: {  	s29 =	sor.u32 $0x4000, s28;
	s11 =	sor.u32 $0x8000, s28;
	s9 =	smax.u32 s24, $0x1  }
0x10: {  	s15 =	sor.u32 $0x10000, s30;
	s14 =	sshrl.u32 s14, $0x3;
	s12 =	sadd.s32 s7, s4  }
.Ltmp0:
0x11: {  	s4 =	sadd.s32 $0x1800, s10;
	s6 =	sadd.s32 $0x9CF600, s6;
	(pc) =	sbr.rel .LBB2_1-.Ltmp0, $4  }
0x12: {  	s7 =	sadd.s32 s13, s25;
	s10 =	sshrl.u32 s29, $0x3;
	s11 =	sshrl.u32 s11, $0x3  }
0x13: {  	s15 =	sshrl.u32 s15, $0x3;
	s8 =	sadd.s32 $0x29800, s12;
	s12 =	sor.u32 $0xC000, s30  }
0x14: {  	s10 =	sadd.s32 s13, s10;
	s11 =	sadd.s32 s13, s11;
	s31 =	sshrl.u32 s12, $0x3  }
0x15: {  	s12 =	sadd.s32 s15, s13;
	s15 =	simm.s32 $0x5;
	s13 =	sadd.s32 s31, s13  }
.LBB2_4:
0x16: {  	[spmem:s2] =	stream.indirect.scatter.add.f32 [tilespmem:s18], [sflag:$0x4], $0x80, s24, s19, $0xb8;
	[tilespmem:$0x1D400] =	vst v63  }
0x17: {  	_ =	swait.ge [sflag:s21], $0x4000  }
0x18: {  	[sflag:s21] =	ssyncset.done $0x0  }
0x19: {  	[sflag:s21] =	ssyncadd.s32 $0xFFFFC000  }
0x1a: {  	_ =	swait.ge [sflag:s22], $0x4000  }
0x1b: {  	s23 =	sadd.s32 $0x1, s23;
	[sflag:s22] =	ssyncset.done $0x0  }
0x1c: {  	p0 =	sne.s32 s23, s9;
	[sflag:s22] =	ssyncadd.s32 $0xFFFFC000  }
.Ltmp1:
0x1d: {  	[bflag:$0x0] =	sbarrier.arrive $0xFFFF;
	(pc) =	sbr.rel @!p0 .LBB2_5-.Ltmp1, $4  }
0x1e: {  	[hbm:s8], [sflag:s5] =	dma.local [spmem:s14], $0x2800  }
0x1f: {  	_ =	swait.ge [sflag:s15], $0x2800  }
0x20: {  	[sflag:s15] =	ssyncset.done $0x0  }
0x21: {  	[sflag:s15] =	ssyncadd.s32 $0xFFFFD800  }
.LBB2_1:
0x22: {  	[spmem:s14], [sflag:s5] =	dma.local [hbm:s4], $0x2800  }
0x23: {  	_ =	swait.ge [sflag:s15], $0x2800  }
0x24: {  	[sflag:s15] =	ssyncset.done $0x0  }
0x25: {  	[sflag:s15] =	ssyncadd.s32 $0xFFFFD800  }
0x26: {  	[tilespmem:s3], [sflag:$0x5] =	stream.linear.gather [hbm4b:s6+s3], $0x1400, $0x38;
	[tilespmem:$0x1D400] =	vst v63  }
0x27: {  	_ =	swait.ge [sflag:s15], $0x1400  }
0x28: {  	[sflag:s15] =	ssyncset.done $0x0  }
0x29: {  	[sflag:s15] =	ssyncadd.s32 $0xFFFFEC00  }
0x2a: {  	[bflag:$0x0] =	sbarrier.arrive $0xFFFF  }
0x2b: {  	[tilespmem:s16], [sflag:$0x1] =	stream.linear.gather [hbm4b:s7+s3], $0x4000, $0x38;
	[tilespmem:$0x1D400] =	vst v63  }
0x2c: {  	_ =	swait.ge [sflag:s17], $0x4000  }
0x2d: {  	[sflag:s17] =	ssyncset.done $0x0  }
0x2e: {  	[sflag:s17] =	ssyncadd.s32 $0xFFFFC000  }
0x2f: {  	[tilespmem:s18], [sflag:$0x2] =	stream.linear.gather [hbm4b:s10+s3], $0x4000, $0x38;
	[tilespmem:$0x1D400] =	vst v63  }
0x30: {  	_ = 	snop  }
0x31: {  	[spmem:s2] =	stream.indirect.scatter.add.f32 [tilespmem:s16], [sflag:$0x3], $0x80, s3, s19, $0xb8;
	[tilespmem:$0x1D400] =	vst v63  }
0x32: {  	_ =	swait.ge [sflag:s20], $0x4000  }
0x33: {  	[sflag:s20] =	ssyncset.done $0x0  }
0x34: {  	[sflag:s20] =	ssyncadd.s32 $0xFFFFC000  }
0x35: {  	_ =	swait.ge [sflag:s21], $0x4000  }
0x36: {  	[sflag:s21] =	ssyncset.done $0x0  }
0x37: {  	[sflag:s21] =	ssyncadd.s32 $0xFFFFC000  }
0x38: {  	[tilespmem:s16], [sflag:$0x1] =	stream.linear.gather [hbm4b:s11+s3], $0x4000, $0x38;
	[tilespmem:$0x1D400] =	vst v63  }
0x39: {  	s24 =	simm.s32 $0x180;
	s25 =	simm.s32 $0x0  }
0x3a: {  	[spmem:s2] =	stream.indirect.scatter.add.f32 [tilespmem:s18], [sflag:$0x4], $0x80, s19, s19, $0xb8;
	[tilespmem:$0x1D400] =	vst v63  }
.LBB2_2:
0x3b: {  	_ =	swait.ge [sflag:s17], $0x4000  }
0x3c: {  	[sflag:s17] =	ssyncset.done $0x0  }
0x3d: {  	[sflag:s17] =	ssyncadd.s32 $0xFFFFC000  }
0x3e: {  	_ =	swait.ge [sflag:s22], $0x4000  }
0x3f: {  	[sflag:s22] =	ssyncset.done $0x0  }
0x40: {  	s26 =	sadd.s32 s25, s13;
	p0 =	seq.s32 s25, $0x12000;
	[sflag:s22] =	ssyncadd.s32 $0xFFFFC000  }
0x41: {  	[tilespmem:s18], [sflag:$0x2] =	stream.linear.gather [hbm4b:s26+s3], $0x4000, $0x38;
	[tilespmem:$0x1D400] =	vst v63  }
.Ltmp2:
0x42: {  	s31 =	sadd.s32 $0xFFFFFF80, s24;
	(pc) =	sbr.rel @p0 .LBB2_4-.Ltmp2, $4  }
0x43: {  	[spmem:s2] =	stream.indirect.scatter.add.f32 [tilespmem:s16], [sflag:$0x3], $0x80, s31, s19, $0xb8;
	[tilespmem:$0x1D400] =	vst v63  }
0x44: {  	_ =	swait.ge [sflag:s20], $0x4000  }
0x45: {  	[sflag:s20] =	ssyncset.done $0x0  }
0x46: {  	[sflag:s20] =	ssyncadd.s32 $0xFFFFC000  }
0x47: {  	_ =	swait.ge [sflag:s21], $0x4000  }
0x48: {  	[sflag:s21] =	ssyncset.done $0x0  }
.Ltmp3:
0x49: {  	s26 =	sadd.s32 s25, s12;
	[sflag:s21] =	ssyncadd.s32 $0xFFFFC000;
	(pc) =	sbr.rel .LBB2_2-.Ltmp3, $4  }
0x4a: {  	[tilespmem:s16], [sflag:$0x1] =	stream.linear.gather [hbm4b:s26+s3], $0x4000, $0x38;
	[tilespmem:$0x1D400] =	vst v63  }
0x4b: {  	_ = 	snop  }
0x4c: {  	[spmem:s2] =	stream.indirect.scatter.add.f32 [tilespmem:s18], [sflag:$0x4], $0x80, s24, s19, $0xb8;
	[tilespmem:$0x1D400] =	vst v63  }
0x4d: {  	s25 =	sadd.s32 $0x1000, s25;
	s24 =	sadd.s32 $0x100, s24  }
.LBB2_5:
0x4e: {  	_ =	sfence.sel $0x180000  }
0x4f: {  	[bflag:$0x0] =	sbarrier.arrive $0xFFFF  }
0x50: {  	p0 =	sne.s32 s0, $0x0;
	_ =	strace $0x9000004D  }
0x51: {  	s0 =	sadd.s32 @!p0 $0x100000, s1;
	[bflag:$0x2] =	sbarrier.arrive $0xFFFF  }
0x52: {  	[sflag:s0] =	ssyncadd.tile.s32 @!p0 $0x1;
	_ =	shalt  }
.Lfunc_end2:
_tile_overlayer_lowered:
.L_overlay_start_2:
0x53: {  	(tag) =	ssettag $0x2  }
0x54: {  	s0 =	rddreg [dreg:$0x0];
	s2 =	stileid.u32  }
0x55: {  	s1 =	rddreg [dreg:$0x1];
	p0 =	sne.s32 s2, $0x0  }
0x56: {  	s3 =	rddreg [dreg:$0x2];
	[bflag:$0x3] =	sbarrier.arrive $0xFFFF;
	s2 =	simm.s32 @!p0 $0x1C05  }
0x57: {  	[timem:s3], [sflag:s2] =	dma.local @!p0 [hbm:s0], s1  }
0x58: {  	s0 =	simm.s32 @!p0 $0x5  }
0x59: {  	_ =	swait.ge @!p0 [sflag:s0], s1  }
0x5a: {  	s1 =	ssub.s32 @!p0 $0x0, s1;
	[sflag:s0] =	ssyncset.done @!p0 $0x0  }
0x5b: {  	[sflag:s0] =	ssyncadd.s32 @!p0 s1  }
0x5c: {  	[bflag:$0x3] =	sbarrier.arrive $0xFFFF  }
0x5d: {  	_ =	shalt  }

// kernel: kernel.18.cloned.1.call-start
scs
__scs_entry_jumppad:
0x0: {  	(pc) =	sbr.rel $0x88, $3  }
0x1: {  	(tag) =	ssettag $0x0;
	lr =	simm.s32 $0x1  }
0x2: {  	[smem:$0x3F99] =	sst lr;
	_ =	strace $0xD0000000  }
0x3: {  	_ = 	snop  }
0x4: {  	_ = 	snop  }
0x5: {  	_ = 	snop  }
0x6: {  	_ = 	snop  }
0x7: {  	_ = 	snop  }
__scs_overlays_trampoline_lowered:
0x8: {  	[smem:$0x3FA8] =	sst s0  }
0x9: {  	[smem:$0x3FA9] =	sst s1  }
0xa: {  	[smem:$0x3FAA] =	sst s2  }
0xb: {  	[smem:$0x3FAB] =	sst s3  }
0xc: {  	[smem:$0x3FAC] =	sst s4  }
0xd: {  	[smem:$0x3FAD] =	sst s5  }
0xe: {  	[smem:$0x3FAE] =	sst s6  }
0xf: {  	[smem:$0x3FAF] =	sst s7  }
0x10: {  	[smem:$0x3FB0] =	sst s8  }
0x11: {  	[smem:$0x3FB1] =	sst s9;
	s0 =	simm.s32 @!p0 $0x0  }
0x12: {  	s1 =	sld [smem:$0x3F97];
	s0 =	simm.s32 @p0 $0x1  }
0x13: {  	[smem:$0x3FB2] =	sst s0;
	s0 =	simm.s32 @!p1 $0x0  }
0x14: {  	s2 =	sld [smem:$0x3F96];
	s0 =	simm.s32 @p1 $0x1  }
0x15: {  	[smem:$0x3FB3] =	sst s0;
	s0 =	simm.s32 @!p2 $0x0  }
0x16: {  	s3 =	sld [smem:$0x3FDB];
	s0 =	simm.s32 @p2 $0x1  }
0x17: {  	s4 =	simm.s32 $0x1BF5;
	[smem:$0x3FB5] =	sst s0  }
0x18: {  	s0 =	sld [smem:$0x3F98];
	_ =	swait.ge [sflag:s4], $0x0  }
0x19: {  	s7 =	sld [smem:$0x3F99]  }
0x1a: {  	s8 =	sadd.s32 $0xFFFFE003, lr  }
0x1b: {  	s9 =	sadd.s32 $0xFFFFFEF7, lr;
	s5 =	simm.s32 $0xFFFFFFFF;
	p2 =	slt.u32 s8, $0xFFFFF086  }
0x1c: {  	p1 =	slt.u32 s9, $0xF7A;
	s5 =	simm.s32 @!p2 $0x0  }
0x1d: {  	s5 =	simm.s32 @p1 $0x1;
	p0 =	seq.s32 s7, s2  }
0x1e: {  	s7 =	smul.u32 @!p0 $0xF7A, s2;
	p2 =	seq.s32 @!p0 s5, $0x0  }
0x1f: {  	s9 =	smul.u32 $0xF7A, s1;
	s8 =	simm.s32 @!p0 $0x1BF5;
	p2 =	por !p2, p0  }
0x20: {  	[sflag:s8] =	ssyncset.s32 @!p0 $0xFFFFF086;
	s6 =	sadd.s32 @!p0 s3, s7;
	s7 =	simm.s32 @!p0 $0x108  }
0x21: {  	s3 =	sadd.s32 s3, s9;
	s6 =	sadd.s32 @!p0 $0x88, s6;
	s7 =	simm.s32 @p2 $0x1082  }
0x22: {  	[simem:s7], [sflag:s8] =	dma.local @!p0 [hbm:s6], $0xF7A  }
0x23: {  	s9 =	sor.u32 $0xD0000000, s2;
	s6 =	simm.s32 $0x108;
	_ =	swait.ge @!p0 [sflag:s8], $0x0  }
0x24: {  	s3 =	sadd.s32 $0x88, s3;
	s6 =	simm.s32 @!p1 $0x1082;
	[sflag:s4] =	ssyncset.s32 $0xFFFFF086  }
0x25: {  	[simem:s6], [sflag:s4] =	dma.local [hbm:s3], $0xF7A  }
0x26: {  	[smem:$0x3F99] =	sst s1;
	(tag) =	ssettag s2;
	_ =	strace s9  }
0x27: {  	s1 =	sld [smem:$0x3FA9]  }
0x28: {  	s2 =	sld [smem:$0x3FAA]  }
0x29: {  	s4 =	sld [smem:$0x3FAC]  }
0x2a: {  	p0 =	seq.s32 s5, $0x0;
	s5 =	sld [smem:$0x3FAD]  }
0x2b: {  	s6 =	sld [smem:$0x3FAE]  }
0x2c: {  	s7 =	sld [smem:$0x3FAF]  }
0x2d: {  	s3 =	simm.s32 $0x108;
	s8 =	sld [smem:$0x3FB0]  }
0x2e: {  	s3 =	simm.s32 @!p0 $0x1082;
	s9 =	sld [smem:$0x3FB1]  }
0x2f: {  	lr =	sadd.s32 s0, s3;
	s0 =	sld [smem:$0x3FA8]  }
0x30: {  	s3 =	sld [smem:$0x3FAB]  }
0x31: {  	[smem:$0x3FB4] =	sst s10  }
0x32: {  	s10 =	sld [smem:$0x3FB2];
	_ =	sdelay $0x3  }
0x33: {  	p0 =	seq.s32 s10, $0x1;
	s10 =	sld [smem:$0x3FB4];
	_ =	sdelay $0x3  }
0x34: {  	[smem:$0x3FB4] =	sst s10  }
0x35: {  	s10 =	sld [smem:$0x3FB3];
	_ =	sdelay $0x3  }
0x36: {  	p1 =	seq.s32 s10, $0x1;
	s10 =	sld [smem:$0x3FB4];
	_ =	sdelay $0x3  }
0x37: {  	[smem:$0x3FB4] =	sst s10  }
0x38: {  	s10 =	sld [smem:$0x3FB5]  }
0x39: {  	_ = 	snop;
	(pc) =	sbr.ind lr, $3  }
0x3a: {  	_ = 	snop  }
0x3b: {  	_ = 	snop  }
0x3c: {  	p2 =	seq.s32 s10, $0x1;
	s10 =	sld [smem:$0x3FB4]  }
0x3d: {  	_ =	shalt  }
0x3e: {  	_ =	shalt  }
0x3f: {  	_ =	shalt  }
0x40: {  	_ =	shalt  }
0x41: {  	_ =	shalt  }
0x42: {  	_ =	shalt  }
0x43: {  	_ =	shalt  }
0x44: {  	_ =	shalt  }
0x45: {  	_ =	shalt  }
0x46: {  	_ =	shalt  }
0x47: {  	_ =	shalt  }
0x48: {  	_ =	shalt  }
0x49: {  	_ =	shalt  }
0x4a: {  	_ =	shalt  }
0x4b: {  	_ =	shalt  }
0x4c: {  	_ =	shalt  }
0x4d: {  	_ =	shalt  }
0x4e: {  	_ =	shalt  }
0x4f: {  	_ =	shalt  }
0x50: {  	_ =	shalt  }
0x51: {  	_ =	shalt  }
0x52: {  	_ =	shalt  }
0x53: {  	_ =	shalt  }
0x54: {  	_ =	shalt  }
0x55: {  	_ =	shalt  }
0x56: {  	_ =	shalt  }
0x57: {  	_ =	shalt  }
0x58: {  	_ =	shalt  }
0x59: {  	_ =	shalt  }
0x5a: {  	_ =	shalt  }
0x5b: {  	_ =	shalt  }
0x5c: {  	_ =	shalt  }
0x5d: {  	_ =	shalt  }
0x5e: {  	_ =	shalt  }
0x5f: {  	_ =	shalt  }
0x60: {  	_ =	shalt  }
0x61: {  	_ =	shalt  }
0x62: {  	_ =	shalt  }
0x63: {  	_ =	shalt  }
0x64: {  	_ =	shalt  }
0x65: {  	_ =	shalt  }
0x66: {  	_ =	shalt  }
0x67: {  	_ =	shalt  }
0x68: {  	_ =	shalt  }
0x69: {  	_ =	shalt  }
0x6a: {  	_ =	shalt  }
0x6b: {  	_ =	shalt  }
0x6c: {  	_ =	shalt  }
0x6d: {  	_ =	shalt  }
0x6e: {  	_ =	shalt  }
0x6f: {  	_ =	shalt  }
0x70: {  	_ =	shalt  }
0x71: {  	_ =	shalt  }
0x72: {  	_ =	shalt  }
0x73: {  	_ =	shalt  }
0x74: {  	_ =	shalt  }
0x75: {  	_ =	shalt  }
0x76: {  	_ =	shalt  }
0x77: {  	_ =	shalt  }
0x78: {  	_ =	shalt  }
0x79: {  	_ =	shalt  }
0x7a: {  	_ =	shalt  }
0x7b: {  	_ =	shalt  }
0x7c: {  	_ =	shalt  }
0x7d: {  	_ =	shalt  }
0x7e: {  	_ =	shalt  }
0x7f: {  	_ =	shalt  }
0x80: {  	_ =	shalt  }
0x81: {  	_ =	shalt  }
0x82: {  	_ =	shalt  }
0x83: {  	_ =	shalt  }
0x84: {  	_ =	shalt  }
0x85: {  	_ =	shalt  }
0x86: {  	_ =	shalt  }
0x87: {  	_ =	shalt  }
.Lfunc_end0:
.L_simem_size_0:
called_computation.3_lowered:
.L_overlay_start_0:
0x88: {  	s2 =	sld [smem:$0x3FD9]  }
0x89: {  	s3 =	sld [smem:$0x3FFE];
	_ =	sdelay $0x1  }
0x8a: {  	s1 =	srdreg.scid  }
0x8b: {  	s0 =	sand.u32 $0x1, s1  }
0x8c: {  	s17 =	sshll.u32 s0, $0xA;
	s2 =	sadd.s32 s3, s2  }
0x8d: {  	s2 =	sadd.s32 s2, s17  }
0x8e: {  	[smem:$0x3FC0] =	sst s2  }
0x8f: {  	_ = 	snop  }
0x90: {  	(tm) =	ssettm $0x1  }
0x91: {  	s18 =	sld [smem:$0x3FFB];
	_ =	sdelay $0x3  }
0x92: {  	_ =	strace s18  }
0x93: {  	s2 =	sld [smem:$0x3FFC];
	_ =	sdelay $0x3  }
0x94: {  	_ =	strace s2  }
0x95: {  	s2 =	sld [smem:$0x3FFD];
	_ =	sdelay $0x3  }
0x96: {  	_ =	strace s2  }
0x97: {  	_ =	strace $0x8FFFFFFF  }
0x98: {  	s19 =	sld [smem:$0x3FDB];
	_ =	sdelay $0x1  }
0x99: {  	s20 =	simm.s32 $_scs_section_size  }
0x9a: {  	s4 =	simm.s32 $_size__tile_overlayer_lowered;
	s5 =	simm.s32 $_tile_overlayer_lowered  }
0x9b: {  	s6 =	simm.s32 $0x1BFF;
	s21 =	sshll.u32 s5, $0x1;
	s3 =	sadd.s32 s20, s19  }
0x9c: {  	s22 =	simm.s32 $0x0;
	s4 =	sshll.u32 s4, $0x1;
	s5 =	sadd.s32 s21, s3  }
0x9d: {  	[timem:s22], [sflag:s6] =	dma.local [hbm:s5], s4  }
0x9e: {  	_ =	swait.ge [sflag:s6], s4  }
0x9f: {  	s4 =	ssub.s32 $0x0, s4;
	[sflag:s6] =	ssyncset.done $0x0  }
0xa0: {  	[sflag:s6] =	ssyncadd.s32 s4;
	_ =	sdelay $0x1  }
0xa1: {  	s23 =	simm.s32 $0x1B8B  }
0xa2: {  	_ =	swait.ge [sflag:s23], $0x1  }
0xa3: {  	[sflag:s23] =	ssyncset.done $0x0  }
0xa4: {  	[sflag:s23] =	ssyncadd.s32 $0xFFFFFFFF  }
0xa5: {  	s4 =	sld [smem:$0x0]  }
0xa6: {  	s5 =	sand.u32 $0xFFFFFFFE, s1  }
0xa7: {  	p0 =	sne.s32 s1, s5  }
0xa8: {  	s5 =	sshll.u32 @p0 s5, $0xE  }
0xa9: {  	s5 =	sadd.s32 @p0 $0x11B8D, s5;
	s6 =	sshll.u32 @p0 s4, $0x11  }
0xaa: {  	s5 =	sor.u32 @p0 s6, s5  }
0xab: {  	[sflag:s5] =	ssyncadd.remote.s32 @p0 $0x1;
	_ =	sdelay $0x1  }
0xac: {  	s5 =	simm.s32 @p0 $0x1B8D  }
0xad: {  	_ =	swait.eq @p0 [sflag:s5], $0x1  }
0xae: {  	[sflag:s5] =	ssyncadd.s32 @p0 $0xFFFFFFFF  }
0xaf: {  	s6 =	sshll.u32 @!p0 s1, $0xE  }
0xb0: {  	s6 =	sor.u32 @!p0 $0x4000, s6;
	s5 =	simm.s32 @!p0 $0x1B8D  }
0xb1: {  	s4 =	sshll.u32 @!p0 s4, $0x11;
	s6 =	sadd.s32 @!p0 $0x11B8D, s6;
	_ =	swait.eq @!p0 [sflag:s5], $0x1  }
0xb2: {  	s4 =	sor.u32 @!p0 s4, s6;
	[sflag:s5] =	ssyncadd.s32 @!p0 $0xFFFFFFFF  }
0xb3: {  	s25 =	simm.s32 $0x1B8E;
	s24 =	sld [smem:$0x3FFE];
	[sflag:s4] =	ssyncadd.remote.s32 @!p0 $0x1  }
0xb4: {  	s26 =	simm.s32 $execute0_lowered;
	[smem:$0x3FD2] =	sst s25  }
0xb5: {  	s5 =	sshll.u32 s26, $0x1;
	_ =	strace $0x8000004F;
	[dreg:$0x1] =	wrdreg $0xFFFFFFFF  }
0xb6: {  	s28 =	simm.s32 $_size_execute0_lowered;
	s3 =	sadd.s32 s3, s5;
	[dreg:$0x0] =	wrdreg $0x0  }
0xb7: {  	s5 =	sshll.u32 s28, $0x1;
	[dreg:$0x2] =	wrdreg s3  }
0xb8: {  	[dreg:$0x3] =	wrdreg s5  }
0xb9: {  	[dreg:$0x4] =	wrdreg $0xC0  }
0xba: {  	_ =	task [dreg:s22], $0x5FFFF  }
0xbb: {  	[dreg:$0x1] =	wrdreg $0xFFFFFFFF  }
0xbc: {  	[dreg:$0x0] =	wrdreg $0x60  }
0xbd: {  	[dreg:$0x2] =	wrdreg s24  }
0xbe: {  	[dreg:$0x3] =	wrdreg $0x94000  }
0xbf: {  	[dreg:$0x4] =	wrdreg $0x9  }
0xc0: {  	_ =	task.clear_ibuf [dreg:s22], $0x5FFFF;
	_ =	strace $0x9000004F  }
0xc1: {  	s29 =	simm.s32 $0x9;
	_ =	strace $0x80000051  }
0xc2: {  	_ =	swait.ge [sflag:s29], $0x1  }
0xc3: {  	[sflag:s29] =	ssyncadd.s32 $0xFFFFFFFF  }
0xc4: {  	_ =	strace $0x90000051  }
0xc5: {  	_ =	sfence  }
0xc6: {  	s30 =	sld [smem:$0x0];
	_ =	sdelay $0x2  }
0xc7: {  	s31 =	sshll.u32 s1, $0xD;
	s1 =	sshrl.u32 s1, $0x2  }
0xc8: {  	s4 =	sand.u32 $0x4000, s31;
	s1 =	sadd.s32 s1, s30  }
0xc9: {  	s0 =	sor.u32 s4, s0;
	s1 =	sshll.u32 s1, $0x11  }
0xca: {  	s0 =	sor.u32 s1, s0  }
0xcb: {  	s0 =	sadd.s32 $0x8F2B, s0  }
0xcc: {  	[sflag:s0] =	ssyncadd.remote.s32 $0x1  }
0xcd: {  	_ =	sfence.sel $0xFFFF  }
0xce: {  	[dreg:$0x0] =	wrdreg $0xFFFFFFFF;
	(pc) =	sbr.abs _section_cstart, $3  }
0xcf: {  	[dreg:$0x1] =	wrdreg $0xFFFFFFFF  }
0xd0: {  	_ =	task.clear_ibuf [dreg:s22], $0x2FFFF;
	_ =	strace $0x9FFFFFFF  }
0xd1: {  	(tm) =	ssettm $0x7FFFFFFF  }
tec
execute0_lowered:
.L_overlay_start_1:
0x0: {  	(tag) =	ssettag $0x1  }
0x1: {  	s0 =	rddreg [dreg:$0x0];
	s17 =	stileid.u32  }
0x2: {  	s2 =	rddreg [dreg:$0x1];
	s4 =	smul.u32 $0x14000, s17  }
0x3: {  	s1 =	srdreg.scid;
	s3 =	simm.s32 $0x0;
	s11 =	smul.u32 $0x50000, s17  }
0x4: {  	s18 =	simm.s32 $0x1;
	s1 =	sand.u32 $0x1, s1;
	s24 =	smul.u32 $0x140000, s17  }
0x5: {  	[smem:$0x7FF] =	sst s3;
	s6 =	sshll.u32 s17, $0x1;
	s5 =	smul.u32 $0x140000, s1  }
0x6: {  	s6 =	sor.u32 s1, s6;
	s19 =	ssub.s32 $0x2, s1;
	s1 =	smul.u32 $0xA0000, s1  }
0x7: {  	s8 =	sadd.s32 $0xC59600, s0;
	s25 =	sshll.u32 s17, $0x6;
	s7 =	smul.u32 $0xFFFFFFD8, s6  }
0x8: {  	s17 =	simm.s32 $0x1400;
	_ =	strace $0x80000050;
	s13 =	smul.u32 $0x1400, s6  }
0x9: {  	s20 =	sshrl.u32 s19, $0x1;
	s21 =	sshrl.u32 s11, $0x2;
	s22 =	smul.u32 $0x14000, s6  }
0xa: {  	s16 =	smul.u32 $0xA0000, s6;
	s6 =	sor.u32 $0x1C05, s25;
	s5 =	sadd.s32 s4, s5  }
0xb: {  	s4 =	sshrl.u32 s4, $0x3;
	s12 =	ssub.s32 s19, s20;
	s15 =	sadd.s32 s21, s2  }
0xc: {  	s1 =	sadd.s32 s1, s24;
	s21 =	simm.s32 $0x2;
	s24 =	simm.s32 $0x0  }
0xd: {  	s5 =	sshrl.u32 s5, $0x3;
	s9 =	sadd.s32 s4, s0;
	p0 =	sgt.s32 s7, $0xFFFFFB3C  }
0xe: {  	s23 =	sshrl.u32 s13, $0x3;
	s26 =	sadd.s32 s8, s22;
	s28 =	sshrl.u32 s16, $0x3  }
0xf: {  	s29 =	sor.u32 $0xC000, s1;
	s1 =	sor.u32 $0x10000, s1;
	s15 =	sshrl.u32 s15, $0x3  }
0x10: {  	s16 =	simm.s32 $0x5;
	s22 =	simm.s32 $0x3;
	s10 =	sadd.s32 s5, s0  }
0x11: {  	s7 =	simm.s32 @!p0 $0xFFFFFB3C;
	s5 =	sadd.s32 $0x1800, s9;
	s0 =	sadd.s32 s0, s23  }
0x12: {  	[dreg:$0x3] =	wrdreg s26;
	s11 =	sshrl.u32 s29, $0x3;
	s31 =	sshrl.u32 s1, $0x3  }
.Ltmp0:
0x13: {  	s23 =	simm.s32 $0x4;
	s14 =	sadd.s32 $0x4C4, s7;
	(pc) =	sbr.rel .LBB2_1-.Ltmp0, $4  }
0x14: {  	s7 =	sadd.s32 $0x9D4600, s0;
	s9 =	sadd.s32 $0x79800, s10;
	s0 =	sadd.s32 s28, s8  }
0x15: {  	s10 =	smax.u32 s12, $0x1;
	s13 =	sadd.s32 s11, s8;
	s30 =	sadd.s32 $0x800, s0  }
0x16: {  	s4 =	smin.u32 s14, $0x28;
	s0 =	sadd.s32 $0x1000, s0;
	[dreg:$0x4] =	wrdreg s30  }
0x17: {  	p0 =	seq.s32 s14, $0x0;
	[dreg:$0x5] =	wrdreg s0;
	s0 =	sadd.s32 s31, s8  }
.LBB2_5:
0x18: {  	s24 =	sadd.s32 $0x1, s24  }
0x19: {  	p1 =	sne.s32 s24, s10  }
.Ltmp1:
0x1a: {  	[bflag:$0x0] =	sbarrier.arrive $0xFFFF;
	(pc) =	sbr.rel @!p1 .LBB2_6-.Ltmp1, $4  }
0x1b: {  	[hbm:s9], [sflag:s6] =	dma.local [spmem:s15], $0x2800  }
0x1c: {  	_ =	swait.ge [sflag:s16], $0x2800  }
0x1d: {  	[sflag:s16] =	ssyncset.done $0x0  }
0x1e: {  	[sflag:s16] =	ssyncadd.s32 $0xFFFFD800  }
.LBB2_1:
0x1f: {  	[spmem:s15], [sflag:s6] =	dma.local [hbm:s5], $0x2800  }
0x20: {  	_ =	swait.ge [sflag:s16], $0x2800  }
0x21: {  	[sflag:s16] =	ssyncset.done $0x0  }
0x22: {  	[sflag:s16] =	ssyncadd.s32 $0xFFFFD800  }
0x23: {  	[tilespmem:s3], [sflag:$0x5] =	stream.linear.gather [hbm4b:s7+s3], $0x1400, $0x38;
	[tilespmem:$0x1D400] =	vst v63  }
.Ltmp2:
0x24: {  	_ =	swait.ge [sflag:s16], $0x1400;
	(pc) =	sbr.rel @p0 .LBB2_5-.Ltmp2, $3  }
0x25: {  	[sflag:s16] =	ssyncset.done $0x0  }
0x26: {  	[sflag:s16] =	ssyncadd.s32 $0xFFFFEC00  }
0x27: {  	[bflag:$0x0] =	sbarrier.arrive $0xFFFF;
	_ =	sdelay $0x1  }
0x28: {  	s1 =	rddreg [dreg:$0x3]  }
0x29: {  	[tilespmem:s17], [sflag:$0x1] =	stream.linear.gather [hbm4b:s1+s3], $0x4000, $0x38;
	[tilespmem:$0x1D400] =	vst v63  }
0x2a: {  	_ =	swait.ge [sflag:s18], $0x4000  }
0x2b: {  	[sflag:s18] =	ssyncset.done $0x0  }
0x2c: {  	s8 =	simm.s32 $0x5400;
	s25 =	rddreg [dreg:$0x4];
	[sflag:s18] =	ssyncadd.s32 $0xFFFFC000  }
0x2d: {  	[tilespmem:s8], [sflag:$0x2] =	stream.linear.gather [hbm4b:s25+s3], $0x4000, $0x38;
	[tilespmem:$0x1D400] =	vst v63  }
0x2e: {  	s11 =	simm.s32 $0x80  }
0x2f: {  	[spmem:s2] =	stream.indirect.scatter.add.f32 [tilespmem:s17], [sflag:$0x3], $0x80, s3, s11, $0xb8;
	[tilespmem:$0x1D400] =	vst v63  }
0x30: {  	_ =	swait.ge [sflag:s21], $0x4000  }
0x31: {  	[sflag:s21] =	ssyncset.done $0x0  }
0x32: {  	[sflag:s21] =	ssyncadd.s32 $0xFFFFC000  }
0x33: {  	_ =	swait.ge [sflag:s22], $0x4000  }
0x34: {  	[sflag:s22] =	ssyncset.done $0x0  }
0x35: {  	p2 =	sle.u32 s4, $0x2;
	s26 =	rddreg [dreg:$0x5];
	[sflag:s22] =	ssyncadd.s32 $0xFFFFC000  }
0x36: {  	[tilespmem:s17], [sflag:$0x1] =	stream.linear.gather [hbm4b:s26+s3], $0x4000, $0x38;
	[tilespmem:$0x1D400] =	vst v63  }
0x37: {  	s1 =	simm.s32 @!p2 $0x1  }
0x38: {  	[spmem:s2] =	stream.indirect.scatter.add.f32 [tilespmem:s8], [sflag:$0x4], $0x80, s11, s11, $0xb8;
	[tilespmem:$0x1D400] =	vst v63  }
0x39: {  	p1 =	sle.u32 @!p2 s4, $0x3;
	_ =	swait.ge @!p2 [sflag:s1], $0x4000  }
0x3a: {  	p1 =	por p1, p2;
	[sflag:s1] =	ssyncset.done @!p2 $0x0  }
0x3b: {  	[sflag:s1] =	ssyncadd.s32 @!p2 $0xFFFFC000;
	s1 =	simm.s32 @!p1 $0x4  }
0x3c: {  	s30 =	simm.s32 $0x100;
	_ =	swait.ge @!p1 [sflag:s1], $0x4000  }
0x3d: {  	s31 =	simm.s32 $0x8;
	s29 =	sadd.s32 $0x1000, s13;
	[sflag:s1] =	ssyncset.done @!p1 $0x0  }
0x3e: {  	s8 =	simm.s32 @!p1 $0x5400;
	[sflag:s1] =	ssyncadd.s32 @!p1 $0xFFFFC000;
	s1 =	simm.s32 @!p1 $0x0  }
0x3f: {  	[tilespmem:s8], [sflag:$0x2] =	stream.linear.gather @!p1 [hbm4b:s13+s1], $0x4000, $0x38;
	[tilespmem:$0x1D400] =	vst v63  }
0x40: {  	s1 =	simm.s32 @!p2 $0x80;
	s8 =	simm.s32 @!p2 $0x1400;
	p1 =	sle.u32 s4, $0x3  }
0x41: {  	[spmem:s2] =	stream.indirect.scatter.add.f32 @!p2 [tilespmem:s8], [sflag:$0x3], $0x80, s30, s1, $0xb8;
	[tilespmem:$0x1D400] =	vst v63  }
0x42: {  	s28 =	simm.s32 $0x200;
	s12 =	simm.s32 $0x4;
	s1 =	simm.s32 @!p1 $0x2  }
0x43: {  	s14 =	smov.u32 s0;
	p2 =	sle.u32 @!p1 s4, $0x4;
	_ =	swait.ge @!p1 [sflag:s1], $0x4000  }
0x44: {  	s25 =	simm.s32 $0x6;
	p4 =	por p2, p1;
	[sflag:s1] =	ssyncset.done @!p1 $0x0  }
0x45: {  	s26 =	sadd.s32 $0x1000, s0;
	s11 =	simm.s32 @!p4 $0x3;
	[sflag:s1] =	ssyncadd.s32 @!p1 $0xFFFFC000  }
0x46: {  	s8 =	simm.s32 @!p1 $0x80;
	s1 =	simm.s32 @!p1 $0x5400;
	_ =	swait.ge @!p4 [sflag:s11], $0x4000  }
.LBB2_3:
0x47: {  	p2 =	sge.u32 s12, s4;
	[sflag:s11] =	ssyncset.done @!p4 $0x0  }
0x48: {  	s12 =	simm.s32 @!p4 $0x1400;
	s19 =	smov.u32 s25;
	s25 =	smov.u32 s31  }
0x49: {  	s20 =	sadd.s32 @!p2 $0xFFFFFFFF, s19;
	[sflag:s11] =	ssyncadd.s32 @!p4 $0xFFFFC000;
	s11 =	simm.s32 @!p4 $0x0  }
0x4a: {  	[tilespmem:s12], [sflag:$0x1] =	stream.linear.gather @!p4 [hbm4b:s14+s11], $0x4000, $0x38;
	[tilespmem:$0x1D400] =	vst v63  }
0x4b: {  	s11 =	simm.s32 @!p2 $0x1;
	p4 =	sge.u32 @!p2 s20, s4;
	s12 =	sadd.s32 @!p1 $0x80, s30  }
0x4c: {  	[spmem:s2] =	stream.indirect.scatter.add.f32 @!p1 [tilespmem:s1], [sflag:$0x4], $0x80, s12, s8, $0xb8;
	[tilespmem:$0x1D400] =	vst v63  }
0x4d: {  	s31 =	sadd.s32 $0x2, s31;
	s14 =	smov.u32 s26;
	_ =	swait.ge @!p2 [sflag:s11], $0x4000  }
0x4e: {  	p3 =	sne.s32 s31, $0x2A;
	p1 =	por p4, p2;
	[sflag:s11] =	ssyncset.done @!p2 $0x0  }
0x4f: {  	s30 =	smov.u32 s28;
	s1 =	simm.s32 @!p1 $0x4;
	[sflag:s11] =	ssyncadd.s32 @!p2 $0xFFFFC000  }
0x50: {  	_ =	swait.ge @!p1 [sflag:s1], $0x4000  }
0x51: {  	s8 =	sadd.s32 $0xFFFFFFFF, s19;
	[sflag:s1] =	ssyncset.done @!p1 $0x0  }
0x52: {  	s11 =	simm.s32 @!p1 $0x5400;
	[sflag:s1] =	ssyncadd.s32 @!p1 $0xFFFFC000;
	s1 =	simm.s32 @!p1 $0x0  }
0x53: {  	[tilespmem:s11], [sflag:$0x2] =	stream.linear.gather @!p1 [hbm4b:s29+s1], $0x4000, $0x38;
	[tilespmem:$0x1D400] =	vst v63  }
0x54: {  	s1 =	simm.s32 @!p2 $0x80;
	s11 =	simm.s32 @!p2 $0x1400;
	p1 =	sge.u32 s8, s4  }
0x55: {  	[spmem:s2] =	stream.indirect.scatter.add.f32 @!p2 [tilespmem:s11], [sflag:$0x3], $0x80, s28, s1, $0xb8;
	[tilespmem:$0x1D400] =	vst v63  }
.Ltmp3:
0x56: {  	s1 =	simm.s32 @!p1 $0x2;
	p2 =	sge.u32 @!p1 s19, s4;
	(pc) =	sbr.rel @p3 .LBB2_3-.Ltmp3, $4  }
0x57: {  	s26 =	sadd.s32 $0x1000, s26;
	s29 =	sadd.s32 $0x1000, s29;
	_ =	swait.ge @!p1 [sflag:s1], $0x4000  }
0x58: {  	s28 =	sadd.s32 $0x100, s28;
	p4 =	por p2, p1;
	[sflag:s1] =	ssyncset.done @!p1 $0x0  }
0x59: {  	s11 =	simm.s32 @!p4 $0x3;
	[sflag:s1] =	ssyncadd.s32 @!p1 $0xFFFFC000;
	s1 =	simm.s32 @!p1 $0x5400  }
0x5a: {  	s12 =	sadd.s32 $0xFFFFFFFE, s25;
	s8 =	simm.s32 @!p1 $0x80;
	_ =	swait.ge @!p4 [sflag:s11], $0x4000  }
0x5b: {  	p2 =	sge.u32 s12, s4;
	[sflag:s11] =	ssyncset.done @!p4 $0x0  }
0x5c: {  	s12 =	simm.s32 @!p4 $0x1400;
	[sflag:s11] =	ssyncadd.s32 @!p4 $0xFFFFC000;
	s11 =	simm.s32 @!p4 $0x0  }
0x5d: {  	[tilespmem:s12], [sflag:$0x1] =	stream.linear.gather @!p4 [hbm4b:s14+s11], $0x4000, $0x38;
	[tilespmem:$0x1D400] =	vst v63  }
0x5e: {  	s11 =	sadd.s32 @!p2 $0xFFFFFFFF, s25;
	s12 =	simm.s32 @!p2 $0x1;
	s14 =	sadd.s32 @!p1 $0x80, s30  }
0x5f: {  	[spmem:s2] =	stream.indirect.scatter.add.f32 @!p1 [tilespmem:s1], [sflag:$0x4], $0x80, s14, s8, $0xb8;
	[tilespmem:$0x1D400] =	vst v63  }
0x60: {  	p1 =	sge.u32 @!p2 s11, s4;
	_ =	swait.ge @!p2 [sflag:s12], $0x4000  }
0x61: {  	p1 =	por p1, p2;
	[sflag:s12] =	ssyncset.done @!p2 $0x0  }
0x62: {  	s1 =	simm.s32 @!p1 $0x4;
	[sflag:s12] =	ssyncadd.s32 @!p2 $0xFFFFC000  }
0x63: {  	_ =	swait.ge @!p1 [sflag:s1], $0x4000  }
0x64: {  	s31 =	sadd.s32 $0xFFFFFFFF, s25;
	[sflag:s1] =	ssyncset.done @!p1 $0x0  }
0x65: {  	s11 =	simm.s32 @!p1 $0x5400;
	[sflag:s1] =	ssyncadd.s32 @!p1 $0xFFFFC000;
	s1 =	simm.s32 @!p1 $0x0  }
0x66: {  	[tilespmem:s11], [sflag:$0x2] =	stream.linear.gather @!p1 [hbm4b:s29+s1], $0x4000, $0x38;
	[tilespmem:$0x1D400] =	vst v63  }
0x67: {  	s1 =	simm.s32 @!p2 $0x80;
	s11 =	simm.s32 @!p2 $0x1400;
	p1 =	sge.u32 s31, s4  }
0x68: {  	[spmem:s2] =	stream.indirect.scatter.add.f32 @!p2 [tilespmem:s11], [sflag:$0x3], $0x80, s28, s1, $0xb8;
	[tilespmem:$0x1D400] =	vst v63  }
0x69: {  	s1 =	simm.s32 @!p1 $0x2  }
0x6a: {  	p2 =	sge.u32 @!p1 s25, s4;
	_ =	swait.ge @!p1 [sflag:s1], $0x4000  }
0x6b: {  	p2 =	por p2, p1;
	[sflag:s1] =	ssyncset.done @!p1 $0x0  }
0x6c: {  	[sflag:s1] =	ssyncadd.s32 @!p1 $0xFFFFC000;
	s1 =	simm.s32 @!p2 $0x3  }
0x6d: {  	_ =	swait.ge @!p2 [sflag:s1], $0x4000  }
0x6e: {  	[sflag:s1] =	ssyncset.done @!p2 $0x0  }
0x6f: {  	s8 =	simm.s32 @!p2 $0x1400;
	[sflag:s1] =	ssyncadd.s32 @!p2 $0xFFFFC000;
	s1 =	simm.s32 @!p2 $0x0  }
0x70: {  	[tilespmem:s8], [sflag:$0x1] =	stream.linear.gather @!p2 [hbm4b:s26+s1], $0x4000, $0x38;
	[tilespmem:$0x1D400] =	vst v63  }
0x71: {  	s11 =	sadd.s32 @!p1 $0x80, s28;
	s1 =	simm.s32 @!p1 $0x5400;
	s8 =	simm.s32 @!p1 $0x80  }
0x72: {  	[spmem:s2] =	stream.indirect.scatter.add.f32 @!p1 [tilespmem:s1], [sflag:$0x4], $0x80, s11, s8, $0xb8;
	[tilespmem:$0x1D400] =	vst v63  }
0x73: {  	_ =	swait.ge [sflag:s22], $0x4000  }
.Ltmp4:
0x74: {  	[sflag:s22] =	ssyncset.done $0x0;
	(pc) =	sbr.rel .LBB2_5-.Ltmp4, $4  }
0x75: {  	[sflag:s22] =	ssyncadd.s32 $0xFFFFC000  }
0x76: {  	_ =	swait.ge [sflag:s23], $0x4000  }
0x77: {  	[sflag:s23] =	ssyncset.done $0x0  }
0x78: {  	[sflag:s23] =	ssyncadd.s32 $0xFFFFC000  }
.LBB2_6:
0x79: {  	_ =	sfence.sel $0x180000  }
0x7a: {  	[bflag:$0x0] =	sbarrier.arrive $0xFFFF  }
0x7b: {  	_ =	strace $0x90000050  }
0x7c: {  	s0 =	stileid.u32;
	[bflag:$0x2] =	sbarrier.arrive $0xFFFF  }
0x7d: {  	p0 =	sne.s32 s0, $0x0;
	s0 =	rddreg [dreg:$0x2]  }
0x7e: {  	s0 =	sadd.s32 @!p0 $0x100000, s0  }
0x7f: {  	[sflag:s0] =	ssyncadd.tile.s32 @!p0 $0x1;
	_ =	shalt  }
.Lfunc_end2:
_tile_overlayer_lowered:
.L_overlay_start_2:
0x80: {  	(tag) =	ssettag $0x2  }
0x81: {  	s0 =	rddreg [dreg:$0x0];
	s2 =	stileid.u32  }
0x82: {  	s1 =	rddreg [dreg:$0x1];
	p0 =	sne.s32 s2, $0x0  }
0x83: {  	s3 =	rddreg [dreg:$0x2];
	[bflag:$0x3] =	sbarrier.arrive $0xFFFF;
	s2 =	simm.s32 @!p0 $0x1C05  }
0x84: {  	[timem:s3], [sflag:s2] =	dma.local @!p0 [hbm:s0], s1  }
0x85: {  	s0 =	simm.s32 @!p0 $0x5  }
0x86: {  	_ =	swait.ge @!p0 [sflag:s0], s1  }
0x87: {  	s1 =	ssub.s32 @!p0 $0x0, s1;
	[sflag:s0] =	ssyncset.done @!p0 $0x0  }
0x88: {  	[sflag:s0] =	ssyncadd.s32 @!p0 s1  }
0x89: {  	[bflag:$0x3] =	sbarrier.arrive $0xFFFF  }
0x8a: {  	_ =	shalt  }

// kernel: kernel.9.cloned.1.call-start
scs
__scs_entry_jumppad:
0x0: {  	(pc) =	sbr.rel $0x88, $3  }
0x1: {  	(tag) =	ssettag $0x0;
	lr =	simm.s32 $0x1  }
0x2: {  	[smem:$0x3F99] =	sst lr;
	_ =	strace $0xD0000000  }
0x3: {  	_ = 	snop  }
0x4: {  	_ = 	snop  }
0x5: {  	_ = 	snop  }
0x6: {  	_ = 	snop  }
0x7: {  	_ = 	snop  }
__scs_overlays_trampoline_lowered:
0x8: {  	[smem:$0x3FA8] =	sst s0  }
0x9: {  	[smem:$0x3FA9] =	sst s1  }
0xa: {  	[smem:$0x3FAA] =	sst s2  }
0xb: {  	[smem:$0x3FAB] =	sst s3  }
0xc: {  	[smem:$0x3FAC] =	sst s4  }
0xd: {  	[smem:$0x3FAD] =	sst s5  }
0xe: {  	[smem:$0x3FAE] =	sst s6  }
0xf: {  	[smem:$0x3FAF] =	sst s7  }
0x10: {  	[smem:$0x3FB0] =	sst s8  }
0x11: {  	[smem:$0x3FB1] =	sst s9;
	s0 =	simm.s32 @!p0 $0x0  }
0x12: {  	s1 =	sld [smem:$0x3F97];
	s0 =	simm.s32 @p0 $0x1  }
0x13: {  	[smem:$0x3FB2] =	sst s0;
	s0 =	simm.s32 @!p1 $0x0  }
0x14: {  	s2 =	sld [smem:$0x3F96];
	s0 =	simm.s32 @p1 $0x1  }
0x15: {  	[smem:$0x3FB3] =	sst s0;
	s0 =	simm.s32 @!p2 $0x0  }
0x16: {  	s3 =	sld [smem:$0x3FDB];
	s0 =	simm.s32 @p2 $0x1  }
0x17: {  	s4 =	simm.s32 $0x1BF5;
	[smem:$0x3FB5] =	sst s0  }
0x18: {  	s0 =	sld [smem:$0x3F98];
	_ =	swait.ge [sflag:s4], $0x0  }
0x19: {  	s7 =	sld [smem:$0x3F99]  }
0x1a: {  	s8 =	sadd.s32 $0xFFFFE003, lr  }
0x1b: {  	s9 =	sadd.s32 $0xFFFFFEF7, lr;
	s5 =	simm.s32 $0xFFFFFFFF;
	p2 =	slt.u32 s8, $0xFFFFF086  }
0x1c: {  	p1 =	slt.u32 s9, $0xF7A;
	s5 =	simm.s32 @!p2 $0x0  }
0x1d: {  	s5 =	simm.s32 @p1 $0x1;
	p0 =	seq.s32 s7, s2  }
0x1e: {  	s7 =	smul.u32 @!p0 $0xF7A, s2;
	p2 =	seq.s32 @!p0 s5, $0x0  }
0x1f: {  	s9 =	smul.u32 $0xF7A, s1;
	s8 =	simm.s32 @!p0 $0x1BF5;
	p2 =	por !p2, p0  }
0x20: {  	[sflag:s8] =	ssyncset.s32 @!p0 $0xFFFFF086;
	s6 =	sadd.s32 @!p0 s3, s7;
	s7 =	simm.s32 @!p0 $0x108  }
0x21: {  	s3 =	sadd.s32 s3, s9;
	s6 =	sadd.s32 @!p0 $0x88, s6;
	s7 =	simm.s32 @p2 $0x1082  }
0x22: {  	[simem:s7], [sflag:s8] =	dma.local @!p0 [hbm:s6], $0xF7A  }
0x23: {  	s9 =	sor.u32 $0xD0000000, s2;
	s6 =	simm.s32 $0x108;
	_ =	swait.ge @!p0 [sflag:s8], $0x0  }
0x24: {  	s3 =	sadd.s32 $0x88, s3;
	s6 =	simm.s32 @!p1 $0x1082;
	[sflag:s4] =	ssyncset.s32 $0xFFFFF086  }
0x25: {  	[simem:s6], [sflag:s4] =	dma.local [hbm:s3], $0xF7A  }
0x26: {  	[smem:$0x3F99] =	sst s1;
	(tag) =	ssettag s2;
	_ =	strace s9  }
0x27: {  	s1 =	sld [smem:$0x3FA9]  }
0x28: {  	s2 =	sld [smem:$0x3FAA]  }
0x29: {  	s4 =	sld [smem:$0x3FAC]  }
0x2a: {  	p0 =	seq.s32 s5, $0x0;
	s5 =	sld [smem:$0x3FAD]  }
0x2b: {  	s6 =	sld [smem:$0x3FAE]  }
0x2c: {  	s7 =	sld [smem:$0x3FAF]  }
0x2d: {  	s3 =	simm.s32 $0x108;
	s8 =	sld [smem:$0x3FB0]  }
0x2e: {  	s3 =	simm.s32 @!p0 $0x1082;
	s9 =	sld [smem:$0x3FB1]  }
0x2f: {  	lr =	sadd.s32 s0, s3;
	s0 =	sld [smem:$0x3FA8]  }
0x30: {  	s3 =	sld [smem:$0x3FAB]  }
0x31: {  	[smem:$0x3FB4] =	sst s10  }
0x32: {  	s10 =	sld [smem:$0x3FB2];
	_ =	sdelay $0x3  }
0x33: {  	p0 =	seq.s32 s10, $0x1;
	s10 =	sld [smem:$0x3FB4];
	_ =	sdelay $0x3  }
0x34: {  	[smem:$0x3FB4] =	sst s10  }
0x35: {  	s10 =	sld [smem:$0x3FB3];
	_ =	sdelay $0x3  }
0x36: {  	p1 =	seq.s32 s10, $0x1;
	s10 =	sld [smem:$0x3FB4];
	_ =	sdelay $0x3  }
0x37: {  	[smem:$0x3FB4] =	sst s10  }
0x38: {  	s10 =	sld [smem:$0x3FB5]  }
0x39: {  	_ = 	snop;
	(pc) =	sbr.ind lr, $3  }
0x3a: {  	_ = 	snop  }
0x3b: {  	_ = 	snop  }
0x3c: {  	p2 =	seq.s32 s10, $0x1;
	s10 =	sld [smem:$0x3FB4]  }
0x3d: {  	_ =	shalt  }
0x3e: {  	_ =	shalt  }
0x3f: {  	_ =	shalt  }
0x40: {  	_ =	shalt  }
0x41: {  	_ =	shalt  }
0x42: {  	_ =	shalt  }
0x43: {  	_ =	shalt  }
0x44: {  	_ =	shalt  }
0x45: {  	_ =	shalt  }
0x46: {  	_ =	shalt  }
0x47: {  	_ =	shalt  }
0x48: {  	_ =	shalt  }
0x49: {  	_ =	shalt  }
0x4a: {  	_ =	shalt  }
0x4b: {  	_ =	shalt  }
0x4c: {  	_ =	shalt  }
0x4d: {  	_ =	shalt  }
0x4e: {  	_ =	shalt  }
0x4f: {  	_ =	shalt  }
0x50: {  	_ =	shalt  }
0x51: {  	_ =	shalt  }
0x52: {  	_ =	shalt  }
0x53: {  	_ =	shalt  }
0x54: {  	_ =	shalt  }
0x55: {  	_ =	shalt  }
0x56: {  	_ =	shalt  }
0x57: {  	_ =	shalt  }
0x58: {  	_ =	shalt  }
0x59: {  	_ =	shalt  }
0x5a: {  	_ =	shalt  }
0x5b: {  	_ =	shalt  }
0x5c: {  	_ =	shalt  }
0x5d: {  	_ =	shalt  }
0x5e: {  	_ =	shalt  }
0x5f: {  	_ =	shalt  }
0x60: {  	_ =	shalt  }
0x61: {  	_ =	shalt  }
0x62: {  	_ =	shalt  }
0x63: {  	_ =	shalt  }
0x64: {  	_ =	shalt  }
0x65: {  	_ =	shalt  }
0x66: {  	_ =	shalt  }
0x67: {  	_ =	shalt  }
0x68: {  	_ =	shalt  }
0x69: {  	_ =	shalt  }
0x6a: {  	_ =	shalt  }
0x6b: {  	_ =	shalt  }
0x6c: {  	_ =	shalt  }
0x6d: {  	_ =	shalt  }
0x6e: {  	_ =	shalt  }
0x6f: {  	_ =	shalt  }
0x70: {  	_ =	shalt  }
0x71: {  	_ =	shalt  }
0x72: {  	_ =	shalt  }
0x73: {  	_ =	shalt  }
0x74: {  	_ =	shalt  }
0x75: {  	_ =	shalt  }
0x76: {  	_ =	shalt  }
0x77: {  	_ =	shalt  }
0x78: {  	_ =	shalt  }
0x79: {  	_ =	shalt  }
0x7a: {  	_ =	shalt  }
0x7b: {  	_ =	shalt  }
0x7c: {  	_ =	shalt  }
0x7d: {  	_ =	shalt  }
0x7e: {  	_ =	shalt  }
0x7f: {  	_ =	shalt  }
0x80: {  	_ =	shalt  }
0x81: {  	_ =	shalt  }
0x82: {  	_ =	shalt  }
0x83: {  	_ =	shalt  }
0x84: {  	_ =	shalt  }
0x85: {  	_ =	shalt  }
0x86: {  	_ =	shalt  }
0x87: {  	_ =	shalt  }
.Lfunc_end0:
.L_simem_size_0:
called_computation_lowered:
.L_overlay_start_0:
0x88: {  	s2 =	sld [smem:$0x3FD9]  }
0x89: {  	s3 =	sld [smem:$0x3FFE];
	_ =	sdelay $0x1  }
0x8a: {  	s1 =	srdreg.scid  }
0x8b: {  	s0 =	sand.u32 $0x1, s1  }
0x8c: {  	s17 =	sshll.u32 s0, $0xA;
	s2 =	sadd.s32 s3, s2  }
0x8d: {  	s2 =	sadd.s32 s2, s17  }
0x8e: {  	[smem:$0x3FC0] =	sst s2  }
0x8f: {  	_ = 	snop  }
0x90: {  	s2 =	sld [smem:$0x3FC9]  }
0x91: {  	s18 =	sld [smem:$0x3FD0];
	(tm) =	ssettm $0x1  }
0x92: {  	s4 =	sld [smem:$0x3FFB];
	_ =	sdelay $0x3  }
0x93: {  	_ =	strace s4  }
0x94: {  	s4 =	sld [smem:$0x3FFC];
	_ =	sdelay $0x3  }
0x95: {  	_ =	strace s4  }
0x96: {  	s4 =	sld [smem:$0x3FFD];
	_ =	sdelay $0x3  }
0x97: {  	_ =	strace s4  }
0x98: {  	_ =	strace $0x8FFFFFFF  }
0x99: {  	s19 =	sld [smem:$0x3FDB];
	_ =	sdelay $0x1  }
0x9a: {  	s5 =	simm.s32 $_scs_section_size  }
0x9b: {  	s6 =	simm.s32 $_size__tile_overlayer_lowered;
	s7 =	simm.s32 $_tile_overlayer_lowered  }
0x9c: {  	s22 =	simm.s32 $0x1BFF;
	s21 =	sshll.u32 s7, $0x1;
	s4 =	sadd.s32 s5, s19  }
0x9d: {  	s8 =	simm.s32 $0x0;
	s20 =	sshll.u32 s6, $0x1;
	s6 =	sadd.s32 s21, s4  }
0x9e: {  	[timem:s8], [sflag:s22] =	dma.local [hbm:s6], s20  }
0x9f: {  	_ =	swait.ge [sflag:s22], s20  }
0xa0: {  	s5 =	ssub.s32 $0x0, s20;
	[sflag:s22] =	ssyncset.done $0x0  }
0xa1: {  	[sflag:s22] =	ssyncadd.s32 s5;
	_ =	sdelay $0x1  }
0xa2: {  	s23 =	simm.s32 $0x1B8B  }
0xa3: {  	_ =	swait.ge [sflag:s23], $0x1  }
0xa4: {  	[sflag:s23] =	ssyncset.done $0x0  }
0xa5: {  	s25 =	simm.s32 $0x1B8E;
	s24 =	sld [smem:$0x3FFE];
	[sflag:s23] =	ssyncadd.s32 $0xFFFFFFFF  }
0xa6: {  	s26 =	simm.s32 $execute0_lowered;
	[smem:$0x3FD2] =	sst s25  }
0xa7: {  	s6 =	sshll.u32 s26, $0x1;
	_ =	strace $0x80000046;
	[dreg:$0x1] =	wrdreg $0xFFFFFFFF  }
0xa8: {  	s28 =	simm.s32 $_size_execute0_lowered;
	s4 =	sadd.s32 s4, s6;
	[dreg:$0x0] =	wrdreg $0x0  }
0xa9: {  	s6 =	sshll.u32 s28, $0x1;
	[dreg:$0x2] =	wrdreg s4  }
0xaa: {  	[dreg:$0x3] =	wrdreg s6  }
0xab: {  	[dreg:$0x4] =	wrdreg $0xC0  }
0xac: {  	_ =	task [dreg:s8], $0x5FFFF  }
0xad: {  	[dreg:$0x1] =	wrdreg $0xFFFFFFFF  }
0xae: {  	[dreg:$0x0] =	wrdreg $0x60  }
0xaf: {  	[dreg:$0x2] =	wrdreg s2  }
0xb0: {  	[dreg:$0x3] =	wrdreg s18  }
0xb1: {  	[dreg:$0x4] =	wrdreg s24  }
0xb2: {  	[dreg:$0x5] =	wrdreg $0xA  }
0xb3: {  	_ =	task.clear_ibuf [dreg:s8], $0x6FFFF;
	_ =	strace $0x90000046  }
0xb4: {  	s29 =	simm.s32 $0xA;
	_ =	strace $0x80000048  }
0xb5: {  	_ =	swait.ge [sflag:s29], $0x1  }
0xb6: {  	[sflag:s29] =	ssyncadd.s32 $0xFFFFFFFF  }
0xb7: {  	_ =	strace $0x90000048  }
0xb8: {  	_ =	sfence  }
0xb9: {  	s30 =	sld [smem:$0x0];
	_ =	sdelay $0x2  }
0xba: {  	s31 =	sshll.u32 s1, $0xD;
	s1 =	sshrl.u32 s1, $0x2  }
0xbb: {  	s3 =	sand.u32 $0x4000, s31;
	s1 =	sadd.s32 s1, s30  }
0xbc: {  	s0 =	sor.u32 s3, s0;
	s1 =	sshll.u32 s1, $0x11  }
0xbd: {  	s0 =	sor.u32 s1, s0  }
0xbe: {  	s0 =	sadd.s32 $0x8F2B, s0  }
0xbf: {  	[sflag:s0] =	ssyncadd.remote.s32 $0x1  }
0xc0: {  	_ =	sfence.sel $0xFFFF  }
0xc1: {  	[dreg:$0x0] =	wrdreg $0xFFFFFFFF;
	(pc) =	sbr.abs _section_cstart, $3  }
0xc2: {  	[dreg:$0x1] =	wrdreg $0xFFFFFFFF  }
0xc3: {  	_ =	task.clear_ibuf [dreg:s8], $0x2FFFF;
	_ =	strace $0x9FFFFFFF  }
0xc4: {  	(tm) =	ssettm $0x7FFFFFFF  }
0xc5: {  	_ =	shalt  }
tec
execute0_lowered:
.L_overlay_start_1:
0x0: {  	(tag) =	ssettag $0x1  }
0x1: {  	s1 =	rddreg [dreg:$0x0]  }
0x2: {  	s2 =	srdreg.scid;
	s4 =	rddreg [dreg:$0x1]  }
0x3: {  	s0 =	stileid.u32;
	s6 =	rddreg [dreg:$0x2];
	s3 =	simm.s32 $0x0  }
0x4: {  	s13 =	simm.s32 $0x9400;
	s14 =	simm.s32 $0x1;
	s15 =	simm.s32 $0xD400  }
0x5: {  	s16 =	simm.s32 $0x2;
	s17 =	simm.s32 $0x4;
	s18 =	simm.s32 $0x5  }
0x6: {  	s19 =	simm.s32 $0x6;
	s5 =	sand.u32 $0x1, s2;
	s20 =	sshll.u32 s0, $0x1  }
0x7: {  	[smem:$0x7FF] =	sst s3;
	s10 =	smul.u32 $0x140000, s0;
	s11 =	sadd.s32 $0xB600, s6  }
0x8: {  	s7 =	sor.u32 s5, s20;
	s9 =	ssub.s32 $0x2, s5;
	s12 =	smul.u32 $0xA0000, s5  }
0x9: {  	_ =	strace $0x80000047;
	s8 =	smul.u32 $0x280, s7;
	s21 =	sshrl.u32 s9, $0x1  }
0xa: {  	s20 =	simm.s32 $0x7;
	s7 =	smul.u32 $0xA0000, s7;
	s22 =	ssub.s32 s9, s21  }
0xb: {  	s24 =	sadd.s32 s12, s10;
	s10 =	simm.s32 $0x1400;
	s12 =	simm.s32 $0x100  }
0xc: {  	s21 =	simm.s32 $0x8;
	s4 =	sadd.s32 s4, s8;
	s23 =	sshrl.u32 s7, $0x3  }
0xd: {  	s5 =	smax.u32 s22, $0x1;
	s25 =	sor.u32 $0xC000, s24;
	s26 =	sor.u32 $0x4000, s24  }
0xe: {  	s30 =	sor.u32 $0x8000, s24;
	s7 =	sshrl.u32 s24, $0x3;
	s22 =	simm.s32 $0x0  }
0xf: {  	s6 =	sadd.s32 s11, s23;
	s28 =	sshrl.u32 s25, $0x3;
	s31 =	sadd.s32 s7, s11  }
0x10: {  	s29 =	sshrl.u32 s26, $0x3;
	s6 =	sadd.s32 $0x12800, s6;
	[dreg:$0x4] =	wrdreg s31  }
0x11: {  	s9 =	sshrl.u32 s30, $0x3;
	s8 =	sadd.s32 s29, s11;
	[dreg:$0x5] =	wrdreg s6  }
0x12: {  	s7 =	sadd.s32 s9, s11;
	s9 =	simm.s32 $0x80;
	[dreg:$0x6] =	wrdreg s8  }
0x13: {  	s6 =	sadd.s32 s28, s11;
	s8 =	simm.s32 $0x9;
	s11 =	simm.s32 $0x5400  }
.LBB2_1:
0x14: {  	[tilespmem:s3], [sflag:$0x9] =	stream.linear.gather [hbm4b:s4+s3], $0x1400, $0x38;
	[tilespmem:$0x11400] =	vst v63  }
0x15: {  	_ =	swait.ge [sflag:s8], $0x1400  }
0x16: {  	[sflag:s8] =	ssyncset.done $0x0  }
0x17: {  	[sflag:s8] =	ssyncadd.s32 $0xFFFFEC00  }
0x18: {  	[tilespmem:s10], [sflag:$0x1] =	stream.indirect.gather [hbm4b:s1+s9], $0x80, s3, s9, $0xb8;
	[tilespmem:$0x11400] =	vst v63  }
0x19: {  	_ = 	snop  }
0x1a: {  	[tilespmem:s11], [sflag:$0x2] =	stream.indirect.gather [hbm4b:s1+s9], $0x80, s9, s9, $0xb8;
	[tilespmem:$0x11400] =	vst v63  }
0x1b: {  	_ = 	snop  }
0x1c: {  	[tilespmem:s13], [sflag:$0x3] =	stream.indirect.gather [hbm4b:s1+s9], $0x80, s12, s9, $0xb8;
	[tilespmem:$0x11400] =	vst v63  }
0x1d: {  	_ =	swait.ge [sflag:s14], $0x4000  }
0x1e: {  	p0 =	por $0x1, $0x1;
	[sflag:s14] =	ssyncset.done $0x0  }
0x1f: {  	s23 =	simm.s32 @!p0 $0x8;
	[sflag:s14] =	ssyncadd.s32 $0xFFFFC000  }
0x20: {  	_ =	swait.ge @!p0 [sflag:s23], $0x4000  }
0x21: {  	[sflag:s23] =	ssyncset.done @!p0 $0x0  }
0x22: {  	s25 =	simm.s32 $0x180;
	s24 =	rddreg [dreg:$0x4];
	[sflag:s23] =	ssyncadd.s32 @!p0 $0xFFFFC000  }
0x23: {  	[tilespmem:s15], [sflag:$0x4] =	stream.indirect.gather [hbm4b:s1+s9], $0x80, s25, s9, $0xb8;
	[tilespmem:$0x11400] =	vst v63  }
0x24: {  	s30 =	sadd.s32 $0x0, s24  }
0x25: {  	[hbm4b:s30+s3] =	stream.linear.scatter [tilespmem:s10], [sflag:$0x5], $0x4000, $0x38;
	[tilespmem:$0x11400] =	vst v63  }
0x26: {  	p0 =	por $0x0, $0x0;
	_ =	swait.ge [sflag:s16], $0x4000  }
0x27: {  	s24 =	simm.s32 @p0 $0x0;
	s25 =	simm.s32 @p0 $0x5400;
	[sflag:s16] =	ssyncset.done $0x0  }
0x28: {  	s26 =	simm.s32 @p0 $0x3;
	s23 =	rddreg [dreg:$0x5];
	[sflag:s16] =	ssyncadd.s32 $0xFFFFC000  }
0x29: {  	[hbm4b:s23+s24] =	stream.linear.scatter @p0 [tilespmem:s25], [sflag:$0x6], $0x4000, $0x38;
	[tilespmem:$0x11400] =	vst v63  }
0x2a: {  	_ =	swait.ge @p0 [sflag:s26], $0x4000  }
0x2b: {  	[sflag:s26] =	ssyncset.done @p0 $0x0  }
0x2c: {  	s23 =	simm.s32 @!p0 $0x5;
	[sflag:s26] =	ssyncadd.s32 @p0 $0xFFFFC000  }
0x2d: {  	s28 =	simm.s32 @!p0 $0x200;
	_ =	swait.ge @!p0 [sflag:s23], $0x4000  }
0x2e: {  	s24 =	simm.s32 @!p0 $0x80;
	s25 =	simm.s32 @!p0 $0x1400;
	[sflag:s23] =	ssyncset.done @!p0 $0x0  }
0x2f: {  	s26 =	rddreg [dreg:$0x6];
	[sflag:s23] =	ssyncadd.s32 @!p0 $0xFFFFC000;
	s23 =	simm.s32 @!p0 $0x0  }
0x30: {  	[tilespmem:s25], [sflag:$0x1] =	stream.indirect.gather @!p0 [hbm4b:s1+s24], $0x80, s28, s24, $0xb8;
	[tilespmem:$0x11400] =	vst v63  }
0x31: {  	s26 =	sadd.s32 @!p0 $0x0, s26;
	s25 =	simm.s32 @!p0 $0x5400;
	s28 =	simm.s32 @!p0 $0x3  }
0x32: {  	[hbm4b:s26+s23] =	stream.linear.scatter @!p0 [tilespmem:s25], [sflag:$0x6], $0x4000, $0x38;
	[tilespmem:$0x11400] =	vst v63  }
0x33: {  	_ =	swait.ge @!p0 [sflag:s28], $0x4000  }
0x34: {  	[sflag:s28] =	ssyncset.done @!p0 $0x0  }
0x35: {  	s23 =	simm.s32 @!p0 $0x6;
	[sflag:s28] =	ssyncadd.s32 @!p0 $0xFFFFC000  }
0x36: {  	_ =	swait.ge @!p0 [sflag:s23], $0x4000  }
0x37: {  	[sflag:s23] =	ssyncset.done @!p0 $0x0  }
0x38: {  	s26 =	simm.s32 @!p0 $0x280;
	[sflag:s23] =	ssyncadd.s32 @!p0 $0xFFFFC000  }
0x39: {  	[tilespmem:s25], [sflag:$0x2] =	stream.indirect.gather @!p0 [hbm4b:s1+s24], $0x80, s26, s24, $0xb8;
	[tilespmem:$0x11400] =	vst v63  }
0x3a: {  	s31 =	sadd.s32 $0x0, s7  }
0x3b: {  	[hbm4b:s31+s3] =	stream.linear.scatter [tilespmem:s13], [sflag:$0x7], $0x4000, $0x38;
	[tilespmem:$0x11400] =	vst v63  }
0x3c: {  	_ =	swait.ge [sflag:s17], $0x4000  }
0x3d: {  	[sflag:s17] =	ssyncset.done $0x0  }
0x3e: {  	s25 =	simm.s32 @!p0 $0x7;
	[sflag:s17] =	ssyncadd.s32 $0xFFFFC000  }
0x3f: {  	_ =	swait.ge @!p0 [sflag:s25], $0x4000  }
0x40: {  	[sflag:s25] =	ssyncset.done @!p0 $0x0  }
0x41: {  	s23 =	simm.s32 $0x300;
	s26 =	simm.s32 @!p0 $0x9400;
	[sflag:s25] =	ssyncadd.s32 @!p0 $0xFFFFC000  }
0x42: {  	[tilespmem:s26], [sflag:$0x3] =	stream.indirect.gather @!p0 [hbm4b:s1+s24], $0x80, s23, s24, $0xb8;
	[tilespmem:$0x11400] =	vst v63  }
0x43: {  	s24 =	simm.s32 $0x2000;
	s26 =	sadd.s32 $0x0, s6  }
.LBB2_2:
0x44: {  	[hbm4b:s26+s3] =	stream.linear.scatter [tilespmem:s15], [sflag:$0x8], $0x4000, $0x38;
	[tilespmem:$0x11400] =	vst v63  }
0x45: {  	s25 =	smov.u32 s24;
	_ =	swait.ge [sflag:s14], $0x4000  }
0x46: {  	p1 =	seq.s32 s25, $0x0;
	[sflag:s14] =	ssyncset.done $0x0  }
0x47: {  	s26 =	simm.s32 @!p1 $0x8;
	[sflag:s14] =	ssyncadd.s32 $0xFFFFC000  }
0x48: {  	_ =	swait.ge @!p1 [sflag:s26], $0x4000  }
0x49: {  	s23 =	sadd.s32 $0x200, s23;
	[sflag:s26] =	ssyncset.done @!p1 $0x0  }
0x4a: {  	s28 =	sadd.s32 $0xFFFFFE80, s23;
	s29 =	rddreg [dreg:$0x4];
	[sflag:s26] =	ssyncadd.s32 @!p1 $0xFFFFC000  }
0x4b: {  	[tilespmem:s15], [sflag:$0x4] =	stream.indirect.gather [hbm4b:s1+s9], $0x80, s28, s9, $0xb8;
	[tilespmem:$0x11400] =	vst v63  }
0x4c: {  	s30 =	sadd.s32 s25, s29  }
0x4d: {  	[hbm4b:s30+s3] =	stream.linear.scatter [tilespmem:s10], [sflag:$0x5], $0x4000, $0x38;
	[tilespmem:$0x11400] =	vst v63  }
0x4e: {  	p1 =	seq.s32 s25, $0x12000;
	_ =	swait.ge [sflag:s16], $0x4000  }
0x4f: {  	s28 =	simm.s32 @p1 $0x0;
	s29 =	simm.s32 @p1 $0x5400;
	[sflag:s16] =	ssyncset.done $0x0  }
0x50: {  	s30 =	simm.s32 @p1 $0x3;
	s26 =	rddreg [dreg:$0x5];
	[sflag:s16] =	ssyncadd.s32 $0xFFFFC000  }
0x51: {  	[hbm4b:s26+s28] =	stream.linear.scatter @p1 [tilespmem:s29], [sflag:$0x6], $0x4000, $0x38;
	[tilespmem:$0x11400] =	vst v63  }
0x52: {  	_ =	swait.ge @p1 [sflag:s30], $0x4000  }
0x53: {  	[sflag:s30] =	ssyncset.done @p1 $0x0  }
0x54: {  	s26 =	simm.s32 @!p1 $0x5;
	[sflag:s30] =	ssyncadd.s32 @p1 $0xFFFFC000  }
0x55: {  	s2 =	simm.s32 @!p1 $0x5400;
	_ =	swait.ge @!p1 [sflag:s26], $0x4000  }
0x56: {  	s28 =	simm.s32 @!p1 $0x80;
	s29 =	simm.s32 @!p1 $0x1400;
	[sflag:s26] =	ssyncset.done @!p1 $0x0  }
0x57: {  	s30 =	sadd.s32 @!p1 $0xFFFFFF00, s23;
	s31 =	rddreg [dreg:$0x6];
	[sflag:s26] =	ssyncadd.s32 @!p1 $0xFFFFC000  }
0x58: {  	[tilespmem:s29], [sflag:$0x1] =	stream.indirect.gather @!p1 [hbm4b:s1+s28], $0x80, s30, s28, $0xb8;
	[tilespmem:$0x11400] =	vst v63  }
0x59: {  	s26 =	simm.s32 @!p1 $0x0;
	s29 =	sadd.s32 @!p1 s25, s31;
	s30 =	simm.s32 @!p1 $0x3  }
0x5a: {  	[hbm4b:s29+s26] =	stream.linear.scatter @!p1 [tilespmem:s2], [sflag:$0x6], $0x4000, $0x38;
	[tilespmem:$0x11400] =	vst v63  }
0x5b: {  	_ =	swait.ge @!p1 [sflag:s30], $0x4000  }
0x5c: {  	[sflag:s30] =	ssyncset.done @!p1 $0x0  }
0x5d: {  	s26 =	simm.s32 @!p1 $0x6;
	[sflag:s30] =	ssyncadd.s32 @!p1 $0xFFFFC000  }
0x5e: {  	_ =	swait.ge @!p1 [sflag:s26], $0x4000  }
0x5f: {  	[sflag:s26] =	ssyncset.done @!p1 $0x0  }
0x60: {  	s29 =	sadd.s32 @!p1 $0xFFFFFF80, s23;
	[sflag:s26] =	ssyncadd.s32 @!p1 $0xFFFFC000  }
0x61: {  	[tilespmem:s2], [sflag:$0x2] =	stream.indirect.gather @!p1 [hbm4b:s1+s28], $0x80, s29, s28, $0xb8;
	[tilespmem:$0x11400] =	vst v63  }
0x62: {  	s31 =	sadd.s32 s25, s7  }
0x63: {  	[hbm4b:s31+s3] =	stream.linear.scatter [tilespmem:s13], [sflag:$0x7], $0x4000, $0x38;
	[tilespmem:$0x11400] =	vst v63  }
0x64: {  	s24 =	sadd.s32 $0x2000, s24;
	_ =	swait.ge [sflag:s17], $0x4000  }
0x65: {  	p0 =	sne.s32 s24, $0x14000;
	[sflag:s17] =	ssyncset.done $0x0  }
.Ltmp0:
0x66: {  	s2 =	simm.s32 @!p1 $0x7;
	[sflag:s17] =	ssyncadd.s32 $0xFFFFC000;
	(pc) =	sbr.rel @p0 .LBB2_2-.Ltmp0, $4  }
0x67: {  	_ =	swait.ge @!p1 [sflag:s2], $0x4000  }
0x68: {  	[sflag:s2] =	ssyncset.done @!p1 $0x0  }
0x69: {  	s26 =	sadd.s32 s25, s6;
	s29 =	simm.s32 @!p1 $0x9400;
	[sflag:s2] =	ssyncadd.s32 @!p1 $0xFFFFC000  }
0x6a: {  	[tilespmem:s29], [sflag:$0x3] =	stream.indirect.gather @!p1 [hbm4b:s1+s28], $0x80, s23, s28, $0xb8;
	[tilespmem:$0x11400] =	vst v63  }
0x6b: {  	[hbm4b:s26+s3] =	stream.linear.scatter [tilespmem:s15], [sflag:$0x8], $0x4000, $0x38;
	[tilespmem:$0x11400] =	vst v63  }
0x6c: {  	_ =	swait.ge [sflag:s18], $0x4000  }
0x6d: {  	[sflag:s18] =	ssyncset.done $0x0  }
0x6e: {  	[sflag:s18] =	ssyncadd.s32 $0xFFFFC000  }
0x6f: {  	_ =	swait.ge [sflag:s19], $0x4000  }
0x70: {  	[sflag:s19] =	ssyncset.done $0x0  }
0x71: {  	s22 =	sadd.s32 $0x1, s22;
	[sflag:s19] =	ssyncadd.s32 $0xFFFFC000  }
0x72: {  	p0 =	sne.s32 s22, s5;
	_ =	swait.ge [sflag:s20], $0x4000  }
.Ltmp1:
0x73: {  	[sflag:s20] =	ssyncset.done $0x0;
	(pc) =	sbr.rel @p0 .LBB2_1-.Ltmp1, $4  }
0x74: {  	[sflag:s20] =	ssyncadd.s32 $0xFFFFC000  }
0x75: {  	_ =	swait.ge [sflag:s21], $0x4000  }
0x76: {  	[sflag:s21] =	ssyncset.done $0x0  }
0x77: {  	[sflag:s21] =	ssyncadd.s32 $0xFFFFC000  }
0x78: {  	_ =	sfence.sel $0x180000  }
0x79: {  	[bflag:$0x0] =	sbarrier.arrive $0xFFFF  }
0x7a: {  	_ =	strace $0x90000047  }
0x7b: {  	[bflag:$0x2] =	sbarrier.arrive $0xFFFF  }
0x7c: {  	p0 =	sne.s32 s0, $0x0;
	s0 =	rddreg [dreg:$0x3]  }
0x7d: {  	s0 =	sadd.s32 @!p0 $0x100000, s0  }
0x7e: {  	[sflag:s0] =	ssyncadd.tile.s32 @!p0 $0x1;
	_ =	shalt  }
.Lfunc_end2:
_tile_overlayer_lowered:
.L_overlay_start_2:
0x7f: {  	(tag) =	ssettag $0x2  }
0x80: {  	s0 =	rddreg [dreg:$0x0];
	s2 =	stileid.u32  }
0x81: {  	s1 =	rddreg [dreg:$0x1];
	p0 =	sne.s32 s2, $0x0  }
0x82: {  	s3 =	rddreg [dreg:$0x2];
	[bflag:$0x3] =	sbarrier.arrive $0xFFFF;
	s2 =	simm.s32 @!p0 $0x1C09  }
0x83: {  	[timem:s3], [sflag:s2] =	dma.local @!p0 [hbm:s0], s1  }
0x84: {  	s0 =	simm.s32 @!p0 $0x9  }
0x85: {  	_ =	swait.ge @!p0 [sflag:s0], s1  }
0x86: {  	s1 =	ssub.s32 @!p0 $0x0, s1;
	[sflag:s0] =	ssyncset.done @!p0 $0x0  }
0x87: {  	[sflag:s0] =	ssyncadd.s32 @!p0 s1  }
0x88: {  	[bflag:$0x3] =	sbarrier.arrive $0xFFFF  }
0x89: {  	_ =	shalt  }

</sc_bundles>
